<compile_context>
chip_gen: v7x
topology: tpu7x:2x2x1
jax: 0.10.2.dev20260603
libtpu: 0.0.44.dev20260713+nightly
codegen_flags: <defaults>
</compile_context>

<pallas_src>
import functools

import jax
import jax.numpy as jnp
from jax.experimental import pallas as pl
from jax.experimental.pallas import tpu as pltpu


def _decoder_body(sst_ref, sen_ref, sblk8_ref, snch_ref, nseg_ref,
                  qc_ref, fx_ref, lxy_ref,
                  kw0_ref, kb0_ref, kw1_ref, kb1_ref,
                  pw0_ref, pb0_ref, pw1_ref, pb1_ref, out_ref, *,
                  bn, r2, kh):
    b = pl.program_id(0)

    qc = qc_ref[:]
    xp = qc @ kw0_ref[0:2, :]
    kw1 = kw1_ref[:]
    kb1 = kb1_ref[:]
    kb0 = kb0_ref[:]
    w0y = kw0_ref[2:4, :]
    eye2 = (jax.lax.broadcasted_iota(jnp.int32, (2, 2), 0)
            == jax.lax.broadcasted_iota(jnp.int32, (2, 2), 1)
            ).astype(jnp.float32)
    cm = jnp.concatenate([eye2, w0y.T], axis=0)
    qx = qc[:, 0:1]
    qy = qc[:, 1:2]
    bq = qc.shape[0]
    cin = kw1.shape[1]
    lane = jax.lax.broadcasted_iota(jnp.int32, (1, bn), 1)

    def seg_step(s, carry):
        st = sst_ref[b, s]
        en = sen_ref[b, s]
        st_blk8 = sblk8_ref[b, s]
        nch = snch_ref[b, s]

        def chunk_step(i, carry):
            acc, cnt = carry
            off = (st_blk8 + i * (bn // 8)) * 8
            fc = fx_ref[pl.ds(off, bn), :]
            ltxy = lxy_ref[pl.ds(off, bn), 0:2]
            cmb = jax.lax.dot_general(
                cm, ltxy, (((1,), (1,)), ((), ())),
                precision=jax.lax.Precision.HIGHEST,
                preferred_element_type=jnp.float32)
            gidx = lane + off
            inb = (gidx >= st) & (gidx < en)
            dx = qx - cmb[0:1, :]
            dy = qy - cmb[1:2, :]
            dist2 = dx * dx + dy * dy
            mask = ((dist2 <= r2) & inb).astype(jnp.float32)
            cnt = cnt + jnp.sum(mask, axis=1, keepdims=True)
            ypT = cmb[2:, :] + kb0.T
            for j in range(kh):
                g = jax.nn.gelu(xp[:, j:j + 1] + ypT[j:j + 1, :]) * mask
                acc = acc + jnp.dot(g, fc * kw1[j:j + 1, :],
                                    preferred_element_type=jnp.float32)
            acc = acc + jnp.dot(mask, fc * kb1,
                                preferred_element_type=jnp.float32)
            return acc, cnt

        return jax.lax.fori_loop(0, nch, chunk_step, carry)

    acc0 = jnp.zeros((bq, cin), jnp.float32)
    cnt0 = jnp.zeros((bq, 1), jnp.float32)
    acc, cnt = jax.lax.fori_loop(0, nseg_ref[b], seg_step, (acc0, cnt0))
    dec = acc / jnp.maximum(cnt, 1.0)
    h = jax.nn.gelu(jnp.dot(dec, pw0_ref[:], preferred_element_type=jnp.float32)
                    + pb0_ref[:])
    out_ref[:] = jnp.dot(h, pw1_ref[:],
                         preferred_element_type=jnp.float32) + pb1_ref[:]


def _decode_one(ltc, f, qc, K_W0, K_b0, K_W1, K_b1, P_W0, P_b0, P_W1, P_b1,
                radius):
    N = ltc.shape[0]
    Q = qc.shape[0]
    kh = K_W0.shape[1]
    cin = K_W1.shape[1]
    cout = P_W1.shape[1]

    BQ = 400 if Q % 400 == 0 else min(Q, 8)
    BN = 128
    GS = 30
    pad_c = max(1, int(radius * GS) + 1)

    qrow = jnp.clip((qc[:, 0] * GS).astype(jnp.int32), 0, GS - 1)
    qcol = jnp.clip((qc[:, 1] * GS).astype(jnp.int32), 0, GS - 1)
    lrow = jnp.clip((ltc[:, 0] * GS).astype(jnp.int32), 0, GS - 1)
    lcol = jnp.clip((ltc[:, 1] * GS).astype(jnp.int32), 0, GS - 1)
    snake_col = jnp.where(qrow % 2 == 0, qcol, GS - 1 - qcol)
    qkey_s, qperm = jax.lax.sort_key_val(
        qrow * GS + snake_col, jnp.arange(Q, dtype=jnp.int32))
    lcell = lrow * GS + lcol
    lperm = jnp.argsort(lcell)
    qcs = qc[qperm]
    qrow_s = qkey_s // GS
    scol_s = qkey_s % GS
    qcol_s = jnp.where(qrow_s % 2 == 0, scol_s, GS - 1 - scol_s)
    lts = ltc[lperm]
    fs = f[lperm]
    loff = jnp.searchsorted(lcell[lperm],
                            jnp.arange(GS * GS + 1, dtype=jnp.int32),
                            side='left').astype(jnp.int32)

    qpad = (-Q) % BQ
    if qpad:
        qcs = jnp.concatenate(
            [qcs, jnp.full((qpad, qcs.shape[1]), 1e6, qcs.dtype)], axis=0)
        qrow_s = jnp.concatenate(
            [qrow_s, jnp.full((qpad,), GS - 1, qrow_s.dtype)], axis=0)
        qcol_s = jnp.concatenate(
            [qcol_s, jnp.full((qpad,), GS - 1, qcol_s.dtype)], axis=0)
    npad = ((-N) % 8) + BN
    lts = jnp.concatenate(
        [lts, jnp.full((npad, lts.shape[1]), 1e6, lts.dtype)], axis=0)
    fs = jnp.concatenate(
        [fs, jnp.zeros((npad, fs.shape[1]), fs.dtype)], axis=0)
    lxy = jnp.concatenate(
        [lts, jnp.zeros((lts.shape[0], 8 - lts.shape[1]), jnp.float32)],
        axis=1)
    Qp = qcs.shape[0]
    nb = Qp // BQ

    qrow_blk = qrow_s.reshape(nb, BQ)
    qcol_blk = qcol_s.reshape(nb, BQ)
    rlo = jnp.clip(jnp.min(qrow_blk, axis=1) - pad_c, 0, GS - 1)
    rhi = jnp.clip(jnp.max(qrow_blk, axis=1) + pad_c, 0, GS - 1)
    clo = jnp.clip(jnp.min(qcol_blk, axis=1) - pad_c, 0, GS - 1)
    chi = jnp.clip(jnp.max(qcol_blk, axis=1) + pad_c, 0, GS - 1)
    nseg = (rhi - rlo + 1).astype(jnp.int32)
    rows = rlo[:, None] + jnp.arange(GS, dtype=jnp.int32)[None, :]
    valid = rows <= rhi[:, None]
    rows_c = jnp.minimum(rows, GS - 1)
    cell_lo = rows_c * GS + clo[:, None]
    cell_hi = rows_c * GS + chi[:, None] + 1
    sst = jnp.where(valid, loff[cell_lo], 0).astype(jnp.int32)
    sen = jnp.where(valid, loff[cell_hi], 0).astype(jnp.int32)
    sblk8 = (sst // 8).astype(jnp.int32)
    snch = jnp.where(sen > sst, (sen - sblk8 * 8 + BN - 1) // BN,
                     0).astype(jnp.int32)

    body = functools.partial(_decoder_body, bn=BN, r2=radius * radius, kh=kh)
    grid_spec = pltpu.PrefetchScalarGridSpec(
        num_scalar_prefetch=5,
        grid=(nb,),
        in_specs=[
            pl.BlockSpec((BQ, 2), lambda i, *_: (i, 0)),
            pl.BlockSpec((fs.shape[0], cin), lambda i, *_: (0, 0)),
            pl.BlockSpec((lxy.shape[0], 8), lambda i, *_: (0, 0)),
            pl.BlockSpec(K_W0.shape, lambda i, *_: (0, 0)),
            pl.BlockSpec((1, kh), lambda i, *_: (0, 0)),
            pl.BlockSpec(K_W1.shape, lambda i, *_: (0, 0)),
            pl.BlockSpec((1, cin), lambda i, *_: (0, 0)),
            pl.BlockSpec(P_W0.shape, lambda i, *_: (0, 0)),
            pl.BlockSpec((1, P_W0.shape[1]), lambda i, *_: (0, 0)),
            pl.BlockSpec(P_W1.shape, lambda i, *_: (0, 0)),
            pl.BlockSpec((1, cout), lambda i, *_: (0, 0)),
        ],
        out_specs=pl.BlockSpec((BQ, cout), lambda i, *_: (i, 0)),
    )
    out_sorted = pl.pallas_call(
        body,
        grid_spec=grid_spec,
        out_shape=jax.ShapeDtypeStruct((Qp, cout), jnp.float32),
    )(sst, sen, sblk8, snch, nseg,
      qcs, fs, lxy, K_W0, K_b0[None, :], K_W1, K_b1[None, :],
      P_W0, P_b0[None, :], P_W1, P_b1[None, :])
    return jnp.zeros((Q, cout), jnp.float32).at[qperm].set(out_sorted[:Q])


def kernel(latent_tokens_coord, rndata, query_coord, K_W0, K_b0, K_W1, K_b1,
           P_W0, P_b0, P_W1, P_b1):
    B = query_coord.shape[0]
    radius = 0.033
    outs = []
    for b in range(B):
        outs.append(_decode_one(
            latent_tokens_coord, rndata[b], query_coord[b],
            K_W0, K_b0, K_W1, K_b1, P_W0, P_b0, P_W1, P_b1, radius))
    return jnp.stack(outs, axis=0)

# --- scband reference (transcript-rebuilt; emitter-appended) ---
"""Pipeline reference for scband-magnodecoder-87651692577274 (READ-ONLY COPY).

The authoritative reference and input builder live on the scoring server;
editing this copy changes nothing except your own understanding.
"""

import jax, jax.numpy as jnp
import numpy as np

GNO_RADIUS = 0.033
SCALES = [1.0]


def _radius_neighbors(q, d, radius):
    Q = q.shape[0]
    r2 = radius * radius
    idx_list = []
    counts = np.zeros(Q, dtype=np.int64)
    chunk = 2048
    for s in range(0, Q, chunk):
        e = min(s + chunk, Q)
        diff = q[s:e, None, :] - d[None, :, :]
        dist2 = (diff * diff).sum(-1)
        rows, cols = np.nonzero(dist2 <= r2)
        idx_list.append(cols.astype(np.int64))
        counts[s:e] = np.bincount(rows, minlength=e - s)
    return np.concatenate(idx_list), counts


def setup_inputs(seed: int = 0):
    key = jax.random.key(seed)
    ks = jax.random.split(key, 11)
    N, Q, CD = 10000, 50000, 2
    Cin, Kh, Ph, Cout = 32, 16, 64, 3
    inp = {}
    inp['latent_tokens_coord'] = jax.random.uniform(ks[0], (N, CD), dtype=jnp.float32)
    inp['rndata'] = jax.random.normal(ks[1], (1, N, Cin), dtype=jnp.float32)
    inp['query_coord'] = jax.random.uniform(ks[2], (1, Q, CD), dtype=jnp.float32)
    inp['K_W0'] = jax.random.normal(ks[3], (2 * CD, Kh), dtype=jnp.float32) / np.sqrt(2 * CD)
    inp['K_b0'] = jnp.zeros((Kh,), dtype=jnp.float32)
    inp['K_W1'] = jax.random.normal(ks[4], (Kh, Cin), dtype=jnp.float32) / np.sqrt(Kh)
    inp['K_b1'] = jnp.zeros((Cin,), dtype=jnp.float32)
    inp['P_W0'] = jax.random.normal(ks[5], (Cin, Ph), dtype=jnp.float32) / np.sqrt(Cin)
    inp['P_b0'] = jnp.zeros((Ph,), dtype=jnp.float32)
    inp['P_W1'] = jax.random.normal(ks[6], (Ph, Cout), dtype=jnp.float32) / np.sqrt(Ph)
    inp['P_b1'] = jnp.zeros((Cout,), dtype=jnp.float32)
    return inp


def reference(latent_tokens_coord, rndata, query_coord, K_W0, K_b0, K_W1, K_b1, P_W0, P_b0, P_W1, P_b1):
    B, Q, CD = query_coord.shape
    N = latent_tokens_coord.shape[0]
    chunk = 500 if Q % 500 == 0 else Q
    num_chunks = Q // chunk
    batch_out = []
    for b in range(B):
        qc = query_coord[b]
        fy = rndata[b]
        scale_outs = []
        for scale in SCALES:
            radius = GNO_RADIUS * scale
            r2 = radius * radius
            qc_chunks = qc.reshape(num_chunks, chunk, CD)

            def nbr_chunk(qc_c):
                diff = qc_c[:, None, :] - latent_tokens_coord[None, :, :]
                dist2 = (diff * diff).sum(-1)
                mask = dist2 <= r2
                # IntegralTransform, transform_type='linear': k(x, y) * f(y), mean over neighbors
                rep = jnp.concatenate([
                    jnp.broadcast_to(qc_c[:, None, :], (chunk, N, CD)),
                    jnp.broadcast_to(latent_tokens_coord[None, :, :], (chunk, N, CD)),
                ], axis=-1)
                h = jax.nn.gelu(rep @ K_W0 + K_b0)
                k = h @ K_W1 + K_b1
                msg = k * fy[None, :, :]
                summed_c = jnp.where(mask[:, :, None], msg, 0.0).sum(axis=1)
                counts_c = mask.sum(axis=1)
                return summed_c, counts_c

            sums, counts = jax.lax.map(nbr_chunk, qc_chunks)
            summed = sums.reshape(Q, -1)
            counts = counts.reshape(Q)
            denom = jnp.maximum(counts.astype(jnp.float32), 1.0)[:, None]
            scale_outs.append(summed / denom)
        decoded = scale_outs[0] if len(scale_outs) == 1 else jnp.stack(scale_outs, 0).sum(0)
        batch_out.append(decoded)
    dec = jnp.stack(batch_out, axis=0)  # [B, Q, Cin]
    # projection ChannelMLP (1x1 convs over channel dim, gelu between layers)
    h = jax.nn.gelu(dec @ P_W0 + P_b0)
    out = h @ P_W1 + P_b1
    return out

if __name__ == "__main__":
    import jax
    _d = setup_inputs()
    print(jax.jit(kernel)(*tuple(_d.values())))

</pallas_src>

<mosaic_0001>
module attributes {stable_mosaic.version = 14 : i64} {
  func.func @_decoder_body(%arg0: i32, %arg1: memref<125x30xi32, #tpu.memory_space<smem>>, %arg2: memref<125x30xi32, #tpu.memory_space<smem>>, %arg3: memref<125x30xi32, #tpu.memory_space<smem>>, %arg4: memref<125x30xi32, #tpu.memory_space<smem>>, %arg5: memref<125xi32, #tpu.memory_space<smem>>, %arg6: memref<400x2xf32, #tpu.memory_space<vmem>>, %arg7: memref<10128x32xf32, #tpu.memory_space<vmem>>, %arg8: memref<10128x8xf32, #tpu.memory_space<vmem>>, %arg9: memref<4x16xf32, #tpu.memory_space<vmem>>, %arg10: memref<1x16xf32, #tpu.memory_space<vmem>>, %arg11: memref<16x32xf32, #tpu.memory_space<vmem>>, %arg12: memref<1x32xf32, #tpu.memory_space<vmem>>, %arg13: memref<32x64xf32, #tpu.memory_space<vmem>>, %arg14: memref<1x64xf32, #tpu.memory_space<vmem>>, %arg15: memref<64x3xf32, #tpu.memory_space<vmem>>, %arg16: memref<1x3xf32, #tpu.memory_space<vmem>>, %arg17: memref<400x3xf32, #tpu.memory_space<vmem>>) attributes {dimension_semantics = [#tpu.dimension_semantics<arbitrary>], iteration_bounds = array<i64: 125>, scalar_prefetch = 5 : i64, scratch_operands = 0 : i64, tpu.core_type = #tpu.core_type<tc>, window_params = [{transform_indices = @transform_0, window_bounds = array<i64: 400, 2>}, {pipeline_mode = #tpu.pipeline_mode<synchronous>, transform_indices = @transform_1, window_bounds = array<i64: 10128, 32>}, {pipeline_mode = #tpu.pipeline_mode<synchronous>, transform_indices = @transform_2, window_bounds = array<i64: 10128, 8>}, {pipeline_mode = #tpu.pipeline_mode<synchronous>, transform_indices = @transform_3, window_bounds = array<i64: 4, 16>}, {pipeline_mode = #tpu.pipeline_mode<synchronous>, transform_indices = @transform_4, window_bounds = array<i64: 1, 16>}, {pipeline_mode = #tpu.pipeline_mode<synchronous>, transform_indices = @transform_5, window_bounds = array<i64: 16, 32>}, {pipeline_mode = #tpu.pipeline_mode<synchronous>, transform_indices = @transform_6, window_bounds = array<i64: 1, 32>}, {pipeline_mode = #tpu.pipeline_mode<synchronous>, transform_indices = @transform_7, window_bounds = array<i64: 32, 64>}, {pipeline_mode = #tpu.pipeline_mode<synchronous>, transform_indices = @transform_8, window_bounds = array<i64: 1, 64>}, {pipeline_mode = #tpu.pipeline_mode<synchronous>, transform_indices = @transform_9, window_bounds = array<i64: 64, 3>}, {pipeline_mode = #tpu.pipeline_mode<synchronous>, transform_indices = @transform_10, window_bounds = array<i64: 1, 3>}, {transform_indices = @transform_11, window_bounds = array<i64: 400, 3>}]} {
    %get3A = arith.constant 0 : index
    %get3A_0 = arith.constant 0 : index
    %get3A_1 = vector.load %arg6[%get3A, %get3A_0] : memref<400x2xf32, #tpu.memory_space<vmem>>, vector<400x2xf32>
    %get3A_2 = arith.constant 0 : index
    %get3A_3 = arith.constant 0 : index
    %get3A_4 = vector.load %arg9[%get3A_2, %get3A_3] : memref<4x16xf32, #tpu.memory_space<vmem>>, vector<2x16xf32>
    %dot_general3A = arith.constant dense<0.000000e+00> : vector<400x16xf32>
    %dot_general3A_5 = tpu.matmul %get3A_1, %get3A_4, %dot_general3A {dimension_numbers = #tpu.dot_dimension_numbers<[1], [0], [0], [1], [0, 0, 1, 1], [], []>, transpose_lhs_hint = false} : vector<400x2xf32>, vector<2x16xf32>, vector<400x16xf32> -> vector<400x16xf32>
    %get3A_6 = arith.constant 0 : index
    %get3A_7 = arith.constant 0 : index
    %get3A_8 = vector.load %arg11[%get3A_6, %get3A_7] : memref<16x32xf32, #tpu.memory_space<vmem>>, vector<16x32xf32>
    %get3A_9 = arith.constant 0 : index
    %get3A_10 = arith.constant 0 : index
    %get3A_11 = vector.load %arg12[%get3A_9, %get3A_10] : memref<1x32xf32, #tpu.memory_space<vmem>>, vector<1x32xf32>
    %get3A_12 = arith.constant 0 : index
    %get3A_13 = arith.constant 0 : index
    %get3A_14 = vector.load %arg10[%get3A_12, %get3A_13] : memref<1x16xf32, #tpu.memory_space<vmem>>, vector<1x16xf32>
    %get3A_15 = arith.constant 2 : index
    %get3A_16 = arith.constant 0 : index
    %get3A_17 = vector.load %arg9[%get3A_15, %get3A_16] : memref<4x16xf32, #tpu.memory_space<vmem>>, vector<2x16xf32>
    %iota3A = tpu.iota {dimensions = array<i32: 0>} : vector<2x2xi32>
    %iota3A_18 = tpu.iota {dimensions = array<i32: 1>} : vector<2x2xi32>
    %eq3A = arith.cmpi eq, %iota3A, %iota3A_18 : vector<2x2xi32>
    %convert_element_type3A = arith.extui %eq3A : vector<2x2xi1> to vector<2x2xi32>
    %convert_element_type3A_19 = arith.sitofp %convert_element_type3A : vector<2x2xi32> to vector<2x2xf32>
    %transpose3A = tpu.transpose %get3A_17, [1, 0] : vector<2x16xf32> -> vector<16x2xf32>
    %concatenate3A = tpu.concatenate %convert_element_type3A_19, %transpose3A in 0 : vector<2x2xf32>, vector<16x2xf32> -> vector<18x2xf32>
    %slice3A = vector.extract_strided_slice %get3A_1 {offsets = [0, 0], sizes = [400, 1], strides = [1, 1]} : vector<400x2xf32> to vector<400x1xf32>
    %slice3A_20 = vector.extract_strided_slice %get3A_1 {offsets = [0, 1], sizes = [400, 1], strides = [1, 1]} : vector<400x2xf32> to vector<400x1xf32>
    %iota3A_21 = tpu.iota {dimensions = array<i32: 1>} : vector<1x128xi32>
    %broadcast_in_dim3A = arith.constant 0.000000e+00 : f32
    %broadcast_in_dim3A_22 = vector.broadcast %broadcast_in_dim3A : f32 to vector<400x32xf32>
    %broadcast_in_dim3A_23 = arith.constant 0.000000e+00 : f32
    %broadcast_in_dim3A_24 = vector.broadcast %broadcast_in_dim3A_23 : f32 to vector<400x1xf32>
    %get3A_25 = arith.index_cast %arg0 : i32 to index
    %get3A_26 = memref.load %arg5[%get3A_25] : memref<125xi32, #tpu.memory_space<smem>>
    %while3A = arith.constant 0 : i32
    %while3A_27 = arith.subi %get3A_26, %while3A : i32
    %while3A_28 = arith.addi %while3A, %while3A_27 : i32
    %while3A_29 = arith.constant 1 : i32
    %while3A_30 = arith.divsi %while3A_27, %while3A_29 : i32
    %while3A_31 = arith.muli %while3A_30, %while3A_29 : i32
    %while3A_32 = arith.addi %while3A, %while3A_31 : i32
    %while3A_33 = arith.constant 1 : i32
    %while3A_34:2 = scf.for %while3A_75 = %while3A to %while3A_32 step %while3A_33 iter_args(%while3A_76 = %broadcast_in_dim3A_22, %while3A_77 = %broadcast_in_dim3A_24) -> (vector<400x32xf32>, vector<400x1xf32>)  : i32 {
      %get3A_78 = arith.index_cast %arg0 : i32 to index
      %get3A_79 = arith.index_cast %while3A_75 : i32 to index
      %get3A_80 = memref.load %arg1[%get3A_78, %get3A_79] : memref<125x30xi32, #tpu.memory_space<smem>>
      %get3A_81 = arith.index_cast %arg0 : i32 to index
      %get3A_82 = arith.index_cast %while3A_75 : i32 to index
      %get3A_83 = memref.load %arg2[%get3A_81, %get3A_82] : memref<125x30xi32, #tpu.memory_space<smem>>
      %get3A_84 = arith.index_cast %arg0 : i32 to index
      %get3A_85 = arith.index_cast %while3A_75 : i32 to index
      %get3A_86 = memref.load %arg3[%get3A_84, %get3A_85] : memref<125x30xi32, #tpu.memory_space<smem>>
      %get3A_87 = arith.index_cast %arg0 : i32 to index
      %get3A_88 = arith.index_cast %while3A_75 : i32 to index
      %get3A_89 = memref.load %arg4[%get3A_87, %get3A_88] : memref<125x30xi32, #tpu.memory_space<smem>>
      %while3A_90 = arith.constant 0 : i32
      %while3A_91 = arith.subi %get3A_89, %while3A_90 : i32
      %while3A_92 = arith.addi %while3A_90, %while3A_91 : i32
      %while3A_93 = arith.constant 1 : i32
      %while3A_94 = arith.divsi %while3A_91, %while3A_93 : i32
      %while3A_95 = arith.muli %while3A_94, %while3A_93 : i32
      %while3A_96 = arith.addi %while3A_90, %while3A_95 : i32
      %while3A_97 = arith.constant 1 : i32
      %while3A_98:2 = scf.for %while3A_101 = %while3A_90 to %while3A_96 step %while3A_97 iter_args(%while3A_102 = %while3A_76, %while3A_103 = %while3A_77) -> (vector<400x32xf32>, vector<400x1xf32>)  : i32 {
        %mul3A_104 = arith.constant 16 : i32
        %mul3A_105 = arith.muli %while3A_101, %mul3A_104 : i32
        %add3A_106 = arith.addi %get3A_86, %mul3A_105 : i32
        %mul3A_107 = arith.constant 8 : i32
        %mul3A_108 = arith.muli %add3A_106, %mul3A_107 : i32
        %get3A_109 = arith.index_cast %mul3A_108 : i32 to index
        %get3A_110 = arith.constant 0 : index
        %get3A_111 = vector.load %arg7[%get3A_109, %get3A_110] : memref<10128x32xf32, #tpu.memory_space<vmem>>, vector<128x32xf32>
        %get3A_112 = arith.index_cast %mul3A_108 : i32 to index
        %get3A_113 = arith.constant 0 : index
        %get3A_114 = vector.load %arg8[%get3A_112, %get3A_113] : memref<10128x8xf32, #tpu.memory_space<vmem>>, vector<128x2xf32>
        %dot_general3A_115 = arith.constant dense<0.000000e+00> : vector<18x128xf32>
        %dot_general3A_116 = tpu.matmul %concatenate3A, %get3A_114, %dot_general3A_115 {dimension_numbers = #tpu.dot_dimension_numbers<[1], [1], [0], [0], [0, 0, 1, 0], [], []>, precision = #tpu.contract_precision<fp32>, transpose_lhs_hint = false} : vector<18x2xf32>, vector<128x2xf32>, vector<18x128xf32> -> vector<18x128xf32>
        %add3A_117 = vector.broadcast %mul3A_108 : i32 to vector<1x128xi32>
        %add3A_118 = arith.addi %iota3A_21, %add3A_117 : vector<1x128xi32>
        %ge3A = vector.broadcast %get3A_80 : i32 to vector<1x128xi32>
        %ge3A_119 = arith.cmpi sge, %add3A_118, %ge3A : vector<1x128xi32>
        %lt3A = vector.broadcast %get3A_83 : i32 to vector<1x128xi32>
        %lt3A_120 = arith.cmpi slt, %add3A_118, %lt3A : vector<1x128xi32>
        %and3A = arith.andi %ge3A_119, %lt3A_120 : vector<1x128xi1>
        %slice3A_121 = vector.extract_strided_slice %dot_general3A_116 {offsets = [0, 0], sizes = [1, 128], strides = [1, 1]} : vector<18x128xf32> to vector<1x128xf32>
        %sub3A = vector.broadcast %slice3A : vector<400x1xf32> to vector<400x128xf32>
        %sub3A_122 = vector.broadcast %slice3A_121 : vector<1x128xf32> to vector<400x128xf32>
        %sub3A_123 = arith.subf %sub3A, %sub3A_122 : vector<400x128xf32>
        %slice3A_124 = vector.extract_strided_slice %dot_general3A_116 {offsets = [1, 0], sizes = [1, 128], strides = [1, 1]} : vector<18x128xf32> to vector<1x128xf32>
        %sub3A_125 = vector.broadcast %slice3A_20 : vector<400x1xf32> to vector<400x128xf32>
        %sub3A_126 = vector.broadcast %slice3A_124 : vector<1x128xf32> to vector<400x128xf32>
        %sub3A_127 = arith.subf %sub3A_125, %sub3A_126 : vector<400x128xf32>
        %mul3A_128 = arith.mulf %sub3A_123, %sub3A_123 : vector<400x128xf32>
        %mul3A_129 = arith.mulf %sub3A_127, %sub3A_127 : vector<400x128xf32>
        %add3A_130 = arith.addf %mul3A_128, %mul3A_129 : vector<400x128xf32>
        %le3A = arith.constant 1.089000e-03 : f32
        %le3A_131 = vector.broadcast %le3A : f32 to vector<400x128xf32>
        %le3A_132 = arith.cmpf ole, %add3A_130, %le3A_131 : vector<400x128xf32>
        %and3A_133 = vector.broadcast %and3A : vector<1x128xi1> to vector<400x128xi1>
        %and3A_134 = arith.andi %le3A_132, %and3A_133 : vector<400x128xi1>
        %convert_element_type3A_135 = arith.extui %and3A_134 : vector<400x128xi1> to vector<400x128xi32>
        %convert_element_type3A_136 = arith.sitofp %convert_element_type3A_135 : vector<400x128xi32> to vector<400x128xf32>
        %reduce_sum3A = arith.constant dense<0.000000e+00> : vector<400xf32>
        %reduce_sum3A_137 = vector.multi_reduction <add>, %convert_element_type3A_136, %reduce_sum3A [1] : vector<400x128xf32> to vector<400xf32>
        %broadcast_in_dim3A_138 = vector.shape_cast %reduce_sum3A_137 : vector<400xf32> to vector<400x1xf32>
        %add3A_139 = arith.addf %while3A_103, %broadcast_in_dim3A_138 : vector<400x1xf32>
        %slice3A_140 = vector.extract_strided_slice %dot_general3A_116 {offsets = [2, 0], sizes = [16, 128], strides = [1, 1]} : vector<18x128xf32> to vector<16x128xf32>
        %transpose3A_141 = tpu.transpose %get3A_14, [1, 0] : vector<1x16xf32> -> vector<16x1xf32>
        %add3A_142 = vector.broadcast %transpose3A_141 : vector<16x1xf32> to vector<16x128xf32>
        %add3A_143 = arith.addf %slice3A_140, %add3A_142 : vector<16x128xf32>
        %slice3A_144 = vector.extract_strided_slice %dot_general3A_5 {offsets = [0, 0], sizes = [400, 1], strides = [1, 1]} : vector<400x16xf32> to vector<400x1xf32>
        %slice3A_145 = vector.extract_strided_slice %add3A_143 {offsets = [0, 0], sizes = [1, 128], strides = [1, 1]} : vector<16x128xf32> to vector<1x128xf32>
        %add3A_146 = vector.broadcast %slice3A_144 : vector<400x1xf32> to vector<400x128xf32>
        %add3A_147 = vector.broadcast %slice3A_145 : vector<1x128xf32> to vector<400x128xf32>
        %add3A_148 = arith.addf %add3A_146, %add3A_147 : vector<400x128xf32>
        %integer_pow3A_149 = arith.mulf %add3A_148, %add3A_148 : vector<400x128xf32>
        %integer_pow3A_150 = arith.mulf %add3A_148, %integer_pow3A_149 : vector<400x128xf32>
        %mul3A_151 = arith.constant 4.471500e-02 : f32
        %mul3A_152 = vector.broadcast %mul3A_151 : f32 to vector<400x128xf32>
        %mul3A_153 = arith.mulf %mul3A_152, %integer_pow3A_150 : vector<400x128xf32>
        %add3A_154 = arith.addf %add3A_148, %mul3A_153 : vector<400x128xf32>
        %mul3A_155 = arith.constant 0.797884583 : f32
        %mul3A_156 = vector.broadcast %mul3A_155 : f32 to vector<400x128xf32>
        %mul3A_157 = arith.mulf %mul3A_156, %add3A_154 : vector<400x128xf32>
        %tanh3A_158 = math.tanh %mul3A_157 : vector<400x128xf32>
        %add3A_159 = arith.constant 1.000000e+00 : f32
        %add3A_160 = vector.broadcast %add3A_159 : f32 to vector<400x128xf32>
        %add3A_161 = arith.addf %add3A_160, %tanh3A_158 : vector<400x128xf32>
        %mul3A_162 = arith.constant 5.000000e-01 : f32
        %mul3A_163 = vector.broadcast %mul3A_162 : f32 to vector<400x128xf32>
        %mul3A_164 = arith.mulf %mul3A_163, %add3A_161 : vector<400x128xf32>
        %mul3A_165 = arith.mulf %add3A_148, %mul3A_164 : vector<400x128xf32>
        %mul3A_166 = arith.mulf %mul3A_165, %convert_element_type3A_136 : vector<400x128xf32>
        %slice3A_167 = vector.extract_strided_slice %get3A_8 {offsets = [0, 0], sizes = [1, 32], strides = [1, 1]} : vector<16x32xf32> to vector<1x32xf32>
        %mul3A_168 = vector.broadcast %slice3A_167 : vector<1x32xf32> to vector<128x32xf32>
        %mul3A_169 = arith.mulf %get3A_111, %mul3A_168 : vector<128x32xf32>
        %dot_general3A_170 = arith.constant dense<0.000000e+00> : vector<400x32xf32>
        %dot_general3A_171 = tpu.matmul %mul3A_166, %mul3A_169, %dot_general3A_170 {dimension_numbers = #tpu.dot_dimension_numbers<[1], [0], [0], [1], [0, 0, 1, 1], [], []>, transpose_lhs_hint = false} : vector<400x128xf32>, vector<128x32xf32>, vector<400x32xf32> -> vector<400x32xf32>
        %add3A_172 = arith.addf %while3A_102, %dot_general3A_171 : vector<400x32xf32>
        %slice3A_173 = vector.extract_strided_slice %dot_general3A_5 {offsets = [0, 1], sizes = [400, 1], strides = [1, 1]} : vector<400x16xf32> to vector<400x1xf32>
        %slice3A_174 = vector.extract_strided_slice %add3A_143 {offsets = [1, 0], sizes = [1, 128], strides = [1, 1]} : vector<16x128xf32> to vector<1x128xf32>
        %add3A_175 = vector.broadcast %slice3A_173 : vector<400x1xf32> to vector<400x128xf32>
        %add3A_176 = vector.broadcast %slice3A_174 : vector<1x128xf32> to vector<400x128xf32>
        %add3A_177 = arith.addf %add3A_175, %add3A_176 : vector<400x128xf32>
        %integer_pow3A_178 = arith.mulf %add3A_177, %add3A_177 : vector<400x128xf32>
        %integer_pow3A_179 = arith.mulf %add3A_177, %integer_pow3A_178 : vector<400x128xf32>
        %mul3A_180 = arith.constant 4.471500e-02 : f32
        %mul3A_181 = vector.broadcast %mul3A_180 : f32 to vector<400x128xf32>
        %mul3A_182 = arith.mulf %mul3A_181, %integer_pow3A_179 : vector<400x128xf32>
        %add3A_183 = arith.addf %add3A_177, %mul3A_182 : vector<400x128xf32>
        %mul3A_184 = arith.constant 0.797884583 : f32
        %mul3A_185 = vector.broadcast %mul3A_184 : f32 to vector<400x128xf32>
        %mul3A_186 = arith.mulf %mul3A_185, %add3A_183 : vector<400x128xf32>
        %tanh3A_187 = math.tanh %mul3A_186 : vector<400x128xf32>
        %add3A_188 = arith.constant 1.000000e+00 : f32
        %add3A_189 = vector.broadcast %add3A_188 : f32 to vector<400x128xf32>
        %add3A_190 = arith.addf %add3A_189, %tanh3A_187 : vector<400x128xf32>
        %mul3A_191 = arith.constant 5.000000e-01 : f32
        %mul3A_192 = vector.broadcast %mul3A_191 : f32 to vector<400x128xf32>
        %mul3A_193 = arith.mulf %mul3A_192, %add3A_190 : vector<400x128xf32>
        %mul3A_194 = arith.mulf %add3A_177, %mul3A_193 : vector<400x128xf32>
        %mul3A_195 = arith.mulf %mul3A_194, %convert_element_type3A_136 : vector<400x128xf32>
        %slice3A_196 = vector.extract_strided_slice %get3A_8 {offsets = [1, 0], sizes = [1, 32], strides = [1, 1]} : vector<16x32xf32> to vector<1x32xf32>
        %mul3A_197 = vector.broadcast %slice3A_196 : vector<1x32xf32> to vector<128x32xf32>
        %mul3A_198 = arith.mulf %get3A_111, %mul3A_197 : vector<128x32xf32>
        %dot_general3A_199 = arith.constant dense<0.000000e+00> : vector<400x32xf32>
        %dot_general3A_200 = tpu.matmul %mul3A_195, %mul3A_198, %dot_general3A_199 {dimension_numbers = #tpu.dot_dimension_numbers<[1], [0], [0], [1], [0, 0, 1, 1], [], []>, transpose_lhs_hint = false} : vector<400x128xf32>, vector<128x32xf32>, vector<400x32xf32> -> vector<400x32xf32>
        %add3A_201 = arith.addf %add3A_172, %dot_general3A_200 : vector<400x32xf32>
        %slice3A_202 = vector.extract_strided_slice %dot_general3A_5 {offsets = [0, 2], sizes = [400, 1], strides = [1, 1]} : vector<400x16xf32> to vector<400x1xf32>
        %slice3A_203 = vector.extract_strided_slice %add3A_143 {offsets = [2, 0], sizes = [1, 128], strides = [1, 1]} : vector<16x128xf32> to vector<1x128xf32>
        %add3A_204 = vector.broadcast %slice3A_202 : vector<400x1xf32> to vector<400x128xf32>
        %add3A_205 = vector.broadcast %slice3A_203 : vector<1x128xf32> to vector<400x128xf32>
        %add3A_206 = arith.addf %add3A_204, %add3A_205 : vector<400x128xf32>
        %integer_pow3A_207 = arith.mulf %add3A_206, %add3A_206 : vector<400x128xf32>
        %integer_pow3A_208 = arith.mulf %add3A_206, %integer_pow3A_207 : vector<400x128xf32>
        %mul3A_209 = arith.constant 4.471500e-02 : f32
        %mul3A_210 = vector.broadcast %mul3A_209 : f32 to vector<400x128xf32>
        %mul3A_211 = arith.mulf %mul3A_210, %integer_pow3A_208 : vector<400x128xf32>
        %add3A_212 = arith.addf %add3A_206, %mul3A_211 : vector<400x128xf32>
        %mul3A_213 = arith.constant 0.797884583 : f32
        %mul3A_214 = vector.broadcast %mul3A_213 : f32 to vector<400x128xf32>
        %mul3A_215 = arith.mulf %mul3A_214, %add3A_212 : vector<400x128xf32>
        %tanh3A_216 = math.tanh %mul3A_215 : vector<400x128xf32>
        %add3A_217 = arith.constant 1.000000e+00 : f32
        %add3A_218 = vector.broadcast %add3A_217 : f32 to vector<400x128xf32>
        %add3A_219 = arith.addf %add3A_218, %tanh3A_216 : vector<400x128xf32>
        %mul3A_220 = arith.constant 5.000000e-01 : f32
        %mul3A_221 = vector.broadcast %mul3A_220 : f32 to vector<400x128xf32>
        %mul3A_222 = arith.mulf %mul3A_221, %add3A_219 : vector<400x128xf32>
        %mul3A_223 = arith.mulf %add3A_206, %mul3A_222 : vector<400x128xf32>
        %mul3A_224 = arith.mulf %mul3A_223, %convert_element_type3A_136 : vector<400x128xf32>
        %slice3A_225 = vector.extract_strided_slice %get3A_8 {offsets = [2, 0], sizes = [1, 32], strides = [1, 1]} : vector<16x32xf32> to vector<1x32xf32>
        %mul3A_226 = vector.broadcast %slice3A_225 : vector<1x32xf32> to vector<128x32xf32>
        %mul3A_227 = arith.mulf %get3A_111, %mul3A_226 : vector<128x32xf32>
        %dot_general3A_228 = arith.constant dense<0.000000e+00> : vector<400x32xf32>
        %dot_general3A_229 = tpu.matmul %mul3A_224, %mul3A_227, %dot_general3A_228 {dimension_numbers = #tpu.dot_dimension_numbers<[1], [0], [0], [1], [0, 0, 1, 1], [], []>, transpose_lhs_hint = false} : vector<400x128xf32>, vector<128x32xf32>, vector<400x32xf32> -> vector<400x32xf32>
        %add3A_230 = arith.addf %add3A_201, %dot_general3A_229 : vector<400x32xf32>
        %slice3A_231 = vector.extract_strided_slice %dot_general3A_5 {offsets = [0, 3], sizes = [400, 1], strides = [1, 1]} : vector<400x16xf32> to vector<400x1xf32>
        %slice3A_232 = vector.extract_strided_slice %add3A_143 {offsets = [3, 0], sizes = [1, 128], strides = [1, 1]} : vector<16x128xf32> to vector<1x128xf32>
        %add3A_233 = vector.broadcast %slice3A_231 : vector<400x1xf32> to vector<400x128xf32>
        %add3A_234 = vector.broadcast %slice3A_232 : vector<1x128xf32> to vector<400x128xf32>
        %add3A_235 = arith.addf %add3A_233, %add3A_234 : vector<400x128xf32>
        %integer_pow3A_236 = arith.mulf %add3A_235, %add3A_235 : vector<400x128xf32>
        %integer_pow3A_237 = arith.mulf %add3A_235, %integer_pow3A_236 : vector<400x128xf32>
        %mul3A_238 = arith.constant 4.471500e-02 : f32
        %mul3A_239 = vector.broadcast %mul3A_238 : f32 to vector<400x128xf32>
        %mul3A_240 = arith.mulf %mul3A_239, %integer_pow3A_237 : vector<400x128xf32>
        %add3A_241 = arith.addf %add3A_235, %mul3A_240 : vector<400x128xf32>
        %mul3A_242 = arith.constant 0.797884583 : f32
        %mul3A_243 = vector.broadcast %mul3A_242 : f32 to vector<400x128xf32>
        %mul3A_244 = arith.mulf %mul3A_243, %add3A_241 : vector<400x128xf32>
        %tanh3A_245 = math.tanh %mul3A_244 : vector<400x128xf32>
        %add3A_246 = arith.constant 1.000000e+00 : f32
        %add3A_247 = vector.broadcast %add3A_246 : f32 to vector<400x128xf32>
        %add3A_248 = arith.addf %add3A_247, %tanh3A_245 : vector<400x128xf32>
        %mul3A_249 = arith.constant 5.000000e-01 : f32
        %mul3A_250 = vector.broadcast %mul3A_249 : f32 to vector<400x128xf32>
        %mul3A_251 = arith.mulf %mul3A_250, %add3A_248 : vector<400x128xf32>
        %mul3A_252 = arith.mulf %add3A_235, %mul3A_251 : vector<400x128xf32>
        %mul3A_253 = arith.mulf %mul3A_252, %convert_element_type3A_136 : vector<400x128xf32>
        %slice3A_254 = vector.extract_strided_slice %get3A_8 {offsets = [3, 0], sizes = [1, 32], strides = [1, 1]} : vector<16x32xf32> to vector<1x32xf32>
        %mul3A_255 = vector.broadcast %slice3A_254 : vector<1x32xf32> to vector<128x32xf32>
        %mul3A_256 = arith.mulf %get3A_111, %mul3A_255 : vector<128x32xf32>
        %dot_general3A_257 = arith.constant dense<0.000000e+00> : vector<400x32xf32>
        %dot_general3A_258 = tpu.matmul %mul3A_253, %mul3A_256, %dot_general3A_257 {dimension_numbers = #tpu.dot_dimension_numbers<[1], [0], [0], [1], [0, 0, 1, 1], [], []>, transpose_lhs_hint = false} : vector<400x128xf32>, vector<128x32xf32>, vector<400x32xf32> -> vector<400x32xf32>
        %add3A_259 = arith.addf %add3A_230, %dot_general3A_258 : vector<400x32xf32>
        %slice3A_260 = vector.extract_strided_slice %dot_general3A_5 {offsets = [0, 4], sizes = [400, 1], strides = [1, 1]} : vector<400x16xf32> to vector<400x1xf32>
        %slice3A_261 = vector.extract_strided_slice %add3A_143 {offsets = [4, 0], sizes = [1, 128], strides = [1, 1]} : vector<16x128xf32> to vector<1x128xf32>
        %add3A_262 = vector.broadcast %slice3A_260 : vector<400x1xf32> to vector<400x128xf32>
        %add3A_263 = vector.broadcast %slice3A_261 : vector<1x128xf32> to vector<400x128xf32>
        %add3A_264 = arith.addf %add3A_262, %add3A_263 : vector<400x128xf32>
        %integer_pow3A_265 = arith.mulf %add3A_264, %add3A_264 : vector<400x128xf32>
        %integer_pow3A_266 = arith.mulf %add3A_264, %integer_pow3A_265 : vector<400x128xf32>
        %mul3A_267 = arith.constant 4.471500e-02 : f32
        %mul3A_268 = vector.broadcast %mul3A_267 : f32 to vector<400x128xf32>
        %mul3A_269 = arith.mulf %mul3A_268, %integer_pow3A_266 : vector<400x128xf32>
        %add3A_270 = arith.addf %add3A_264, %mul3A_269 : vector<400x128xf32>
        %mul3A_271 = arith.constant 0.797884583 : f32
        %mul3A_272 = vector.broadcast %mul3A_271 : f32 to vector<400x128xf32>
        %mul3A_273 = arith.mulf %mul3A_272, %add3A_270 : vector<400x128xf32>
        %tanh3A_274 = math.tanh %mul3A_273 : vector<400x128xf32>
        %add3A_275 = arith.constant 1.000000e+00 : f32
        %add3A_276 = vector.broadcast %add3A_275 : f32 to vector<400x128xf32>
        %add3A_277 = arith.addf %add3A_276, %tanh3A_274 : vector<400x128xf32>
        %mul3A_278 = arith.constant 5.000000e-01 : f32
        %mul3A_279 = vector.broadcast %mul3A_278 : f32 to vector<400x128xf32>
        %mul3A_280 = arith.mulf %mul3A_279, %add3A_277 : vector<400x128xf32>
        %mul3A_281 = arith.mulf %add3A_264, %mul3A_280 : vector<400x128xf32>
        %mul3A_282 = arith.mulf %mul3A_281, %convert_element_type3A_136 : vector<400x128xf32>
        %slice3A_283 = vector.extract_strided_slice %get3A_8 {offsets = [4, 0], sizes = [1, 32], strides = [1, 1]} : vector<16x32xf32> to vector<1x32xf32>
        %mul3A_284 = vector.broadcast %slice3A_283 : vector<1x32xf32> to vector<128x32xf32>
        %mul3A_285 = arith.mulf %get3A_111, %mul3A_284 : vector<128x32xf32>
        %dot_general3A_286 = arith.constant dense<0.000000e+00> : vector<400x32xf32>
        %dot_general3A_287 = tpu.matmul %mul3A_282, %mul3A_285, %dot_general3A_286 {dimension_numbers = #tpu.dot_dimension_numbers<[1], [0], [0], [1], [0, 0, 1, 1], [], []>, transpose_lhs_hint = false} : vector<400x128xf32>, vector<128x32xf32>, vector<400x32xf32> -> vector<400x32xf32>
        %add3A_288 = arith.addf %add3A_259, %dot_general3A_287 : vector<400x32xf32>
        %slice3A_289 = vector.extract_strided_slice %dot_general3A_5 {offsets = [0, 5], sizes = [400, 1], strides = [1, 1]} : vector<400x16xf32> to vector<400x1xf32>
        %slice3A_290 = vector.extract_strided_slice %add3A_143 {offsets = [5, 0], sizes = [1, 128], strides = [1, 1]} : vector<16x128xf32> to vector<1x128xf32>
        %add3A_291 = vector.broadcast %slice3A_289 : vector<400x1xf32> to vector<400x128xf32>
        %add3A_292 = vector.broadcast %slice3A_290 : vector<1x128xf32> to vector<400x128xf32>
        %add3A_293 = arith.addf %add3A_291, %add3A_292 : vector<400x128xf32>
        %integer_pow3A_294 = arith.mulf %add3A_293, %add3A_293 : vector<400x128xf32>
        %integer_pow3A_295 = arith.mulf %add3A_293, %integer_pow3A_294 : vector<400x128xf32>
        %mul3A_296 = arith.constant 4.471500e-02 : f32
        %mul3A_297 = vector.broadcast %mul3A_296 : f32 to vector<400x128xf32>
        %mul3A_298 = arith.mulf %mul3A_297, %integer_pow3A_295 : vector<400x128xf32>
        %add3A_299 = arith.addf %add3A_293, %mul3A_298 : vector<400x128xf32>
        %mul3A_300 = arith.constant 0.797884583 : f32
        %mul3A_301 = vector.broadcast %mul3A_300 : f32 to vector<400x128xf32>
        %mul3A_302 = arith.mulf %mul3A_301, %add3A_299 : vector<400x128xf32>
        %tanh3A_303 = math.tanh %mul3A_302 : vector<400x128xf32>
        %add3A_304 = arith.constant 1.000000e+00 : f32
        %add3A_305 = vector.broadcast %add3A_304 : f32 to vector<400x128xf32>
        %add3A_306 = arith.addf %add3A_305, %tanh3A_303 : vector<400x128xf32>
        %mul3A_307 = arith.constant 5.000000e-01 : f32
        %mul3A_308 = vector.broadcast %mul3A_307 : f32 to vector<400x128xf32>
        %mul3A_309 = arith.mulf %mul3A_308, %add3A_306 : vector<400x128xf32>
        %mul3A_310 = arith.mulf %add3A_293, %mul3A_309 : vector<400x128xf32>
        %mul3A_311 = arith.mulf %mul3A_310, %convert_element_type3A_136 : vector<400x128xf32>
        %slice3A_312 = vector.extract_strided_slice %get3A_8 {offsets = [5, 0], sizes = [1, 32], strides = [1, 1]} : vector<16x32xf32> to vector<1x32xf32>
        %mul3A_313 = vector.broadcast %slice3A_312 : vector<1x32xf32> to vector<128x32xf32>
        %mul3A_314 = arith.mulf %get3A_111, %mul3A_313 : vector<128x32xf32>
        %dot_general3A_315 = arith.constant dense<0.000000e+00> : vector<400x32xf32>
        %dot_general3A_316 = tpu.matmul %mul3A_311, %mul3A_314, %dot_general3A_315 {dimension_numbers = #tpu.dot_dimension_numbers<[1], [0], [0], [1], [0, 0, 1, 1], [], []>, transpose_lhs_hint = false} : vector<400x128xf32>, vector<128x32xf32>, vector<400x32xf32> -> vector<400x32xf32>
        %add3A_317 = arith.addf %add3A_288, %dot_general3A_316 : vector<400x32xf32>
        %slice3A_318 = vector.extract_strided_slice %dot_general3A_5 {offsets = [0, 6], sizes = [400, 1], strides = [1, 1]} : vector<400x16xf32> to vector<400x1xf32>
        %slice3A_319 = vector.extract_strided_slice %add3A_143 {offsets = [6, 0], sizes = [1, 128], strides = [1, 1]} : vector<16x128xf32> to vector<1x128xf32>
        %add3A_320 = vector.broadcast %slice3A_318 : vector<400x1xf32> to vector<400x128xf32>
        %add3A_321 = vector.broadcast %slice3A_319 : vector<1x128xf32> to vector<400x128xf32>
        %add3A_322 = arith.addf %add3A_320, %add3A_321 : vector<400x128xf32>
        %integer_pow3A_323 = arith.mulf %add3A_322, %add3A_322 : vector<400x128xf32>
        %integer_pow3A_324 = arith.mulf %add3A_322, %integer_pow3A_323 : vector<400x128xf32>
        %mul3A_325 = arith.constant 4.471500e-02 : f32
        %mul3A_326 = vector.broadcast %mul3A_325 : f32 to vector<400x128xf32>
        %mul3A_327 = arith.mulf %mul3A_326, %integer_pow3A_324 : vector<400x128xf32>
        %add3A_328 = arith.addf %add3A_322, %mul3A_327 : vector<400x128xf32>
        %mul3A_329 = arith.constant 0.797884583 : f32
        %mul3A_330 = vector.broadcast %mul3A_329 : f32 to vector<400x128xf32>
        %mul3A_331 = arith.mulf %mul3A_330, %add3A_328 : vector<400x128xf32>
        %tanh3A_332 = math.tanh %mul3A_331 : vector<400x128xf32>
        %add3A_333 = arith.constant 1.000000e+00 : f32
        %add3A_334 = vector.broadcast %add3A_333 : f32 to vector<400x128xf32>
        %add3A_335 = arith.addf %add3A_334, %tanh3A_332 : vector<400x128xf32>
        %mul3A_336 = arith.constant 5.000000e-01 : f32
        %mul3A_337 = vector.broadcast %mul3A_336 : f32 to vector<400x128xf32>
        %mul3A_338 = arith.mulf %mul3A_337, %add3A_335 : vector<400x128xf32>
        %mul3A_339 = arith.mulf %add3A_322, %mul3A_338 : vector<400x128xf32>
        %mul3A_340 = arith.mulf %mul3A_339, %convert_element_type3A_136 : vector<400x128xf32>
        %slice3A_341 = vector.extract_strided_slice %get3A_8 {offsets = [6, 0], sizes = [1, 32], strides = [1, 1]} : vector<16x32xf32> to vector<1x32xf32>
        %mul3A_342 = vector.broadcast %slice3A_341 : vector<1x32xf32> to vector<128x32xf32>
        %mul3A_343 = arith.mulf %get3A_111, %mul3A_342 : vector<128x32xf32>
        %dot_general3A_344 = arith.constant dense<0.000000e+00> : vector<400x32xf32>
        %dot_general3A_345 = tpu.matmul %mul3A_340, %mul3A_343, %dot_general3A_344 {dimension_numbers = #tpu.dot_dimension_numbers<[1], [0], [0], [1], [0, 0, 1, 1], [], []>, transpose_lhs_hint = false} : vector<400x128xf32>, vector<128x32xf32>, vector<400x32xf32> -> vector<400x32xf32>
        %add3A_346 = arith.addf %add3A_317, %dot_general3A_345 : vector<400x32xf32>
        %slice3A_347 = vector.extract_strided_slice %dot_general3A_5 {offsets = [0, 7], sizes = [400, 1], strides = [1, 1]} : vector<400x16xf32> to vector<400x1xf32>
        %slice3A_348 = vector.extract_strided_slice %add3A_143 {offsets = [7, 0], sizes = [1, 128], strides = [1, 1]} : vector<16x128xf32> to vector<1x128xf32>
        %add3A_349 = vector.broadcast %slice3A_347 : vector<400x1xf32> to vector<400x128xf32>
        %add3A_350 = vector.broadcast %slice3A_348 : vector<1x128xf32> to vector<400x128xf32>
        %add3A_351 = arith.addf %add3A_349, %add3A_350 : vector<400x128xf32>
        %integer_pow3A_352 = arith.mulf %add3A_351, %add3A_351 : vector<400x128xf32>
        %integer_pow3A_353 = arith.mulf %add3A_351, %integer_pow3A_352 : vector<400x128xf32>
        %mul3A_354 = arith.constant 4.471500e-02 : f32
        %mul3A_355 = vector.broadcast %mul3A_354 : f32 to vector<400x128xf32>
        %mul3A_356 = arith.mulf %mul3A_355, %integer_pow3A_353 : vector<400x128xf32>
        %add3A_357 = arith.addf %add3A_351, %mul3A_356 : vector<400x128xf32>
        %mul3A_358 = arith.constant 0.797884583 : f32
        %mul3A_359 = vector.broadcast %mul3A_358 : f32 to vector<400x128xf32>
        %mul3A_360 = arith.mulf %mul3A_359, %add3A_357 : vector<400x128xf32>
        %tanh3A_361 = math.tanh %mul3A_360 : vector<400x128xf32>
        %add3A_362 = arith.constant 1.000000e+00 : f32
        %add3A_363 = vector.broadcast %add3A_362 : f32 to vector<400x128xf32>
        %add3A_364 = arith.addf %add3A_363, %tanh3A_361 : vector<400x128xf32>
        %mul3A_365 = arith.constant 5.000000e-01 : f32
        %mul3A_366 = vector.broadcast %mul3A_365 : f32 to vector<400x128xf32>
        %mul3A_367 = arith.mulf %mul3A_366, %add3A_364 : vector<400x128xf32>
        %mul3A_368 = arith.mulf %add3A_351, %mul3A_367 : vector<400x128xf32>
        %mul3A_369 = arith.mulf %mul3A_368, %convert_element_type3A_136 : vector<400x128xf32>
        %slice3A_370 = vector.extract_strided_slice %get3A_8 {offsets = [7, 0], sizes = [1, 32], strides = [1, 1]} : vector<16x32xf32> to vector<1x32xf32>
        %mul3A_371 = vector.broadcast %slice3A_370 : vector<1x32xf32> to vector<128x32xf32>
        %mul3A_372 = arith.mulf %get3A_111, %mul3A_371 : vector<128x32xf32>
        %dot_general3A_373 = arith.constant dense<0.000000e+00> : vector<400x32xf32>
        %dot_general3A_374 = tpu.matmul %mul3A_369, %mul3A_372, %dot_general3A_373 {dimension_numbers = #tpu.dot_dimension_numbers<[1], [0], [0], [1], [0, 0, 1, 1], [], []>, transpose_lhs_hint = false} : vector<400x128xf32>, vector<128x32xf32>, vector<400x32xf32> -> vector<400x32xf32>
        %add3A_375 = arith.addf %add3A_346, %dot_general3A_374 : vector<400x32xf32>
        %slice3A_376 = vector.extract_strided_slice %dot_general3A_5 {offsets = [0, 8], sizes = [400, 1], strides = [1, 1]} : vector<400x16xf32> to vector<400x1xf32>
        %slice3A_377 = vector.extract_strided_slice %add3A_143 {offsets = [8, 0], sizes = [1, 128], strides = [1, 1]} : vector<16x128xf32> to vector<1x128xf32>
        %add3A_378 = vector.broadcast %slice3A_376 : vector<400x1xf32> to vector<400x128xf32>
        %add3A_379 = vector.broadcast %slice3A_377 : vector<1x128xf32> to vector<400x128xf32>
        %add3A_380 = arith.addf %add3A_378, %add3A_379 : vector<400x128xf32>
        %integer_pow3A_381 = arith.mulf %add3A_380, %add3A_380 : vector<400x128xf32>
        %integer_pow3A_382 = arith.mulf %add3A_380, %integer_pow3A_381 : vector<400x128xf32>
        %mul3A_383 = arith.constant 4.471500e-02 : f32
        %mul3A_384 = vector.broadcast %mul3A_383 : f32 to vector<400x128xf32>
        %mul3A_385 = arith.mulf %mul3A_384, %integer_pow3A_382 : vector<400x128xf32>
        %add3A_386 = arith.addf %add3A_380, %mul3A_385 : vector<400x128xf32>
        %mul3A_387 = arith.constant 0.797884583 : f32
        %mul3A_388 = vector.broadcast %mul3A_387 : f32 to vector<400x128xf32>
        %mul3A_389 = arith.mulf %mul3A_388, %add3A_386 : vector<400x128xf32>
        %tanh3A_390 = math.tanh %mul3A_389 : vector<400x128xf32>
        %add3A_391 = arith.constant 1.000000e+00 : f32
        %add3A_392 = vector.broadcast %add3A_391 : f32 to vector<400x128xf32>
        %add3A_393 = arith.addf %add3A_392, %tanh3A_390 : vector<400x128xf32>
        %mul3A_394 = arith.constant 5.000000e-01 : f32
        %mul3A_395 = vector.broadcast %mul3A_394 : f32 to vector<400x128xf32>
        %mul3A_396 = arith.mulf %mul3A_395, %add3A_393 : vector<400x128xf32>
        %mul3A_397 = arith.mulf %add3A_380, %mul3A_396 : vector<400x128xf32>
        %mul3A_398 = arith.mulf %mul3A_397, %convert_element_type3A_136 : vector<400x128xf32>
        %slice3A_399 = vector.extract_strided_slice %get3A_8 {offsets = [8, 0], sizes = [1, 32], strides = [1, 1]} : vector<16x32xf32> to vector<1x32xf32>
        %mul3A_400 = vector.broadcast %slice3A_399 : vector<1x32xf32> to vector<128x32xf32>
        %mul3A_401 = arith.mulf %get3A_111, %mul3A_400 : vector<128x32xf32>
        %dot_general3A_402 = arith.constant dense<0.000000e+00> : vector<400x32xf32>
        %dot_general3A_403 = tpu.matmul %mul3A_398, %mul3A_401, %dot_general3A_402 {dimension_numbers = #tpu.dot_dimension_numbers<[1], [0], [0], [1], [0, 0, 1, 1], [], []>, transpose_lhs_hint = false} : vector<400x128xf32>, vector<128x32xf32>, vector<400x32xf32> -> vector<400x32xf32>
        %add3A_404 = arith.addf %add3A_375, %dot_general3A_403 : vector<400x32xf32>
        %slice3A_405 = vector.extract_strided_slice %dot_general3A_5 {offsets = [0, 9], sizes = [400, 1], strides = [1, 1]} : vector<400x16xf32> to vector<400x1xf32>
        %slice3A_406 = vector.extract_strided_slice %add3A_143 {offsets = [9, 0], sizes = [1, 128], strides = [1, 1]} : vector<16x128xf32> to vector<1x128xf32>
        %add3A_407 = vector.broadcast %slice3A_405 : vector<400x1xf32> to vector<400x128xf32>
        %add3A_408 = vector.broadcast %slice3A_406 : vector<1x128xf32> to vector<400x128xf32>
        %add3A_409 = arith.addf %add3A_407, %add3A_408 : vector<400x128xf32>
        %integer_pow3A_410 = arith.mulf %add3A_409, %add3A_409 : vector<400x128xf32>
        %integer_pow3A_411 = arith.mulf %add3A_409, %integer_pow3A_410 : vector<400x128xf32>
        %mul3A_412 = arith.constant 4.471500e-02 : f32
        %mul3A_413 = vector.broadcast %mul3A_412 : f32 to vector<400x128xf32>
        %mul3A_414 = arith.mulf %mul3A_413, %integer_pow3A_411 : vector<400x128xf32>
        %add3A_415 = arith.addf %add3A_409, %mul3A_414 : vector<400x128xf32>
        %mul3A_416 = arith.constant 0.797884583 : f32
        %mul3A_417 = vector.broadcast %mul3A_416 : f32 to vector<400x128xf32>
        %mul3A_418 = arith.mulf %mul3A_417, %add3A_415 : vector<400x128xf32>
        %tanh3A_419 = math.tanh %mul3A_418 : vector<400x128xf32>
        %add3A_420 = arith.constant 1.000000e+00 : f32
        %add3A_421 = vector.broadcast %add3A_420 : f32 to vector<400x128xf32>
        %add3A_422 = arith.addf %add3A_421, %tanh3A_419 : vector<400x128xf32>
        %mul3A_423 = arith.constant 5.000000e-01 : f32
        %mul3A_424 = vector.broadcast %mul3A_423 : f32 to vector<400x128xf32>
        %mul3A_425 = arith.mulf %mul3A_424, %add3A_422 : vector<400x128xf32>
        %mul3A_426 = arith.mulf %add3A_409, %mul3A_425 : vector<400x128xf32>
        %mul3A_427 = arith.mulf %mul3A_426, %convert_element_type3A_136 : vector<400x128xf32>
        %slice3A_428 = vector.extract_strided_slice %get3A_8 {offsets = [9, 0], sizes = [1, 32], strides = [1, 1]} : vector<16x32xf32> to vector<1x32xf32>
        %mul3A_429 = vector.broadcast %slice3A_428 : vector<1x32xf32> to vector<128x32xf32>
        %mul3A_430 = arith.mulf %get3A_111, %mul3A_429 : vector<128x32xf32>
        %dot_general3A_431 = arith.constant dense<0.000000e+00> : vector<400x32xf32>
        %dot_general3A_432 = tpu.matmul %mul3A_427, %mul3A_430, %dot_general3A_431 {dimension_numbers = #tpu.dot_dimension_numbers<[1], [0], [0], [1], [0, 0, 1, 1], [], []>, transpose_lhs_hint = false} : vector<400x128xf32>, vector<128x32xf32>, vector<400x32xf32> -> vector<400x32xf32>
        %add3A_433 = arith.addf %add3A_404, %dot_general3A_432 : vector<400x32xf32>
        %slice3A_434 = vector.extract_strided_slice %dot_general3A_5 {offsets = [0, 10], sizes = [400, 1], strides = [1, 1]} : vector<400x16xf32> to vector<400x1xf32>
        %slice3A_435 = vector.extract_strided_slice %add3A_143 {offsets = [10, 0], sizes = [1, 128], strides = [1, 1]} : vector<16x128xf32> to vector<1x128xf32>
        %add3A_436 = vector.broadcast %slice3A_434 : vector<400x1xf32> to vector<400x128xf32>
        %add3A_437 = vector.broadcast %slice3A_435 : vector<1x128xf32> to vector<400x128xf32>
        %add3A_438 = arith.addf %add3A_436, %add3A_437 : vector<400x128xf32>
        %integer_pow3A_439 = arith.mulf %add3A_438, %add3A_438 : vector<400x128xf32>
        %integer_pow3A_440 = arith.mulf %add3A_438, %integer_pow3A_439 : vector<400x128xf32>
        %mul3A_441 = arith.constant 4.471500e-02 : f32
        %mul3A_442 = vector.broadcast %mul3A_441 : f32 to vector<400x128xf32>
        %mul3A_443 = arith.mulf %mul3A_442, %integer_pow3A_440 : vector<400x128xf32>
        %add3A_444 = arith.addf %add3A_438, %mul3A_443 : vector<400x128xf32>
        %mul3A_445 = arith.constant 0.797884583 : f32
        %mul3A_446 = vector.broadcast %mul3A_445 : f32 to vector<400x128xf32>
        %mul3A_447 = arith.mulf %mul3A_446, %add3A_444 : vector<400x128xf32>
        %tanh3A_448 = math.tanh %mul3A_447 : vector<400x128xf32>
        %add3A_449 = arith.constant 1.000000e+00 : f32
        %add3A_450 = vector.broadcast %add3A_449 : f32 to vector<400x128xf32>
        %add3A_451 = arith.addf %add3A_450, %tanh3A_448 : vector<400x128xf32>
        %mul3A_452 = arith.constant 5.000000e-01 : f32
        %mul3A_453 = vector.broadcast %mul3A_452 : f32 to vector<400x128xf32>
        %mul3A_454 = arith.mulf %mul3A_453, %add3A_451 : vector<400x128xf32>
        %mul3A_455 = arith.mulf %add3A_438, %mul3A_454 : vector<400x128xf32>
        %mul3A_456 = arith.mulf %mul3A_455, %convert_element_type3A_136 : vector<400x128xf32>
        %slice3A_457 = vector.extract_strided_slice %get3A_8 {offsets = [10, 0], sizes = [1, 32], strides = [1, 1]} : vector<16x32xf32> to vector<1x32xf32>
        %mul3A_458 = vector.broadcast %slice3A_457 : vector<1x32xf32> to vector<128x32xf32>
        %mul3A_459 = arith.mulf %get3A_111, %mul3A_458 : vector<128x32xf32>
        %dot_general3A_460 = arith.constant dense<0.000000e+00> : vector<400x32xf32>
        %dot_general3A_461 = tpu.matmul %mul3A_456, %mul3A_459, %dot_general3A_460 {dimension_numbers = #tpu.dot_dimension_numbers<[1], [0], [0], [1], [0, 0, 1, 1], [], []>, transpose_lhs_hint = false} : vector<400x128xf32>, vector<128x32xf32>, vector<400x32xf32> -> vector<400x32xf32>
        %add3A_462 = arith.addf %add3A_433, %dot_general3A_461 : vector<400x32xf32>
        %slice3A_463 = vector.extract_strided_slice %dot_general3A_5 {offsets = [0, 11], sizes = [400, 1], strides = [1, 1]} : vector<400x16xf32> to vector<400x1xf32>
        %slice3A_464 = vector.extract_strided_slice %add3A_143 {offsets = [11, 0], sizes = [1, 128], strides = [1, 1]} : vector<16x128xf32> to vector<1x128xf32>
        %add3A_465 = vector.broadcast %slice3A_463 : vector<400x1xf32> to vector<400x128xf32>
        %add3A_466 = vector.broadcast %slice3A_464 : vector<1x128xf32> to vector<400x128xf32>
        %add3A_467 = arith.addf %add3A_465, %add3A_466 : vector<400x128xf32>
        %integer_pow3A_468 = arith.mulf %add3A_467, %add3A_467 : vector<400x128xf32>
        %integer_pow3A_469 = arith.mulf %add3A_467, %integer_pow3A_468 : vector<400x128xf32>
        %mul3A_470 = arith.constant 4.471500e-02 : f32
        %mul3A_471 = vector.broadcast %mul3A_470 : f32 to vector<400x128xf32>
        %mul3A_472 = arith.mulf %mul3A_471, %integer_pow3A_469 : vector<400x128xf32>
        %add3A_473 = arith.addf %add3A_467, %mul3A_472 : vector<400x128xf32>
        %mul3A_474 = arith.constant 0.797884583 : f32
        %mul3A_475 = vector.broadcast %mul3A_474 : f32 to vector<400x128xf32>
        %mul3A_476 = arith.mulf %mul3A_475, %add3A_473 : vector<400x128xf32>
        %tanh3A_477 = math.tanh %mul3A_476 : vector<400x128xf32>
        %add3A_478 = arith.constant 1.000000e+00 : f32
        %add3A_479 = vector.broadcast %add3A_478 : f32 to vector<400x128xf32>
        %add3A_480 = arith.addf %add3A_479, %tanh3A_477 : vector<400x128xf32>
        %mul3A_481 = arith.constant 5.000000e-01 : f32
        %mul3A_482 = vector.broadcast %mul3A_481 : f32 to vector<400x128xf32>
        %mul3A_483 = arith.mulf %mul3A_482, %add3A_480 : vector<400x128xf32>
        %mul3A_484 = arith.mulf %add3A_467, %mul3A_483 : vector<400x128xf32>
        %mul3A_485 = arith.mulf %mul3A_484, %convert_element_type3A_136 : vector<400x128xf32>
        %slice3A_486 = vector.extract_strided_slice %get3A_8 {offsets = [11, 0], sizes = [1, 32], strides = [1, 1]} : vector<16x32xf32> to vector<1x32xf32>
        %mul3A_487 = vector.broadcast %slice3A_486 : vector<1x32xf32> to vector<128x32xf32>
        %mul3A_488 = arith.mulf %get3A_111, %mul3A_487 : vector<128x32xf32>
        %dot_general3A_489 = arith.constant dense<0.000000e+00> : vector<400x32xf32>
        %dot_general3A_490 = tpu.matmul %mul3A_485, %mul3A_488, %dot_general3A_489 {dimension_numbers = #tpu.dot_dimension_numbers<[1], [0], [0], [1], [0, 0, 1, 1], [], []>, transpose_lhs_hint = false} : vector<400x128xf32>, vector<128x32xf32>, vector<400x32xf32> -> vector<400x32xf32>
        %add3A_491 = arith.addf %add3A_462, %dot_general3A_490 : vector<400x32xf32>
        %slice3A_492 = vector.extract_strided_slice %dot_general3A_5 {offsets = [0, 12], sizes = [400, 1], strides = [1, 1]} : vector<400x16xf32> to vector<400x1xf32>
        %slice3A_493 = vector.extract_strided_slice %add3A_143 {offsets = [12, 0], sizes = [1, 128], strides = [1, 1]} : vector<16x128xf32> to vector<1x128xf32>
        %add3A_494 = vector.broadcast %slice3A_492 : vector<400x1xf32> to vector<400x128xf32>
        %add3A_495 = vector.broadcast %slice3A_493 : vector<1x128xf32> to vector<400x128xf32>
        %add3A_496 = arith.addf %add3A_494, %add3A_495 : vector<400x128xf32>
        %integer_pow3A_497 = arith.mulf %add3A_496, %add3A_496 : vector<400x128xf32>
        %integer_pow3A_498 = arith.mulf %add3A_496, %integer_pow3A_497 : vector<400x128xf32>
        %mul3A_499 = arith.constant 4.471500e-02 : f32
        %mul3A_500 = vector.broadcast %mul3A_499 : f32 to vector<400x128xf32>
        %mul3A_501 = arith.mulf %mul3A_500, %integer_pow3A_498 : vector<400x128xf32>
        %add3A_502 = arith.addf %add3A_496, %mul3A_501 : vector<400x128xf32>
        %mul3A_503 = arith.constant 0.797884583 : f32
        %mul3A_504 = vector.broadcast %mul3A_503 : f32 to vector<400x128xf32>
        %mul3A_505 = arith.mulf %mul3A_504, %add3A_502 : vector<400x128xf32>
        %tanh3A_506 = math.tanh %mul3A_505 : vector<400x128xf32>
        %add3A_507 = arith.constant 1.000000e+00 : f32
        %add3A_508 = vector.broadcast %add3A_507 : f32 to vector<400x128xf32>
        %add3A_509 = arith.addf %add3A_508, %tanh3A_506 : vector<400x128xf32>
        %mul3A_510 = arith.constant 5.000000e-01 : f32
        %mul3A_511 = vector.broadcast %mul3A_510 : f32 to vector<400x128xf32>
        %mul3A_512 = arith.mulf %mul3A_511, %add3A_509 : vector<400x128xf32>
        %mul3A_513 = arith.mulf %add3A_496, %mul3A_512 : vector<400x128xf32>
        %mul3A_514 = arith.mulf %mul3A_513, %convert_element_type3A_136 : vector<400x128xf32>
        %slice3A_515 = vector.extract_strided_slice %get3A_8 {offsets = [12, 0], sizes = [1, 32], strides = [1, 1]} : vector<16x32xf32> to vector<1x32xf32>
        %mul3A_516 = vector.broadcast %slice3A_515 : vector<1x32xf32> to vector<128x32xf32>
        %mul3A_517 = arith.mulf %get3A_111, %mul3A_516 : vector<128x32xf32>
        %dot_general3A_518 = arith.constant dense<0.000000e+00> : vector<400x32xf32>
        %dot_general3A_519 = tpu.matmul %mul3A_514, %mul3A_517, %dot_general3A_518 {dimension_numbers = #tpu.dot_dimension_numbers<[1], [0], [0], [1], [0, 0, 1, 1], [], []>, transpose_lhs_hint = false} : vector<400x128xf32>, vector<128x32xf32>, vector<400x32xf32> -> vector<400x32xf32>
        %add3A_520 = arith.addf %add3A_491, %dot_general3A_519 : vector<400x32xf32>
        %slice3A_521 = vector.extract_strided_slice %dot_general3A_5 {offsets = [0, 13], sizes = [400, 1], strides = [1, 1]} : vector<400x16xf32> to vector<400x1xf32>
        %slice3A_522 = vector.extract_strided_slice %add3A_143 {offsets = [13, 0], sizes = [1, 128], strides = [1, 1]} : vector<16x128xf32> to vector<1x128xf32>
        %add3A_523 = vector.broadcast %slice3A_521 : vector<400x1xf32> to vector<400x128xf32>
        %add3A_524 = vector.broadcast %slice3A_522 : vector<1x128xf32> to vector<400x128xf32>
        %add3A_525 = arith.addf %add3A_523, %add3A_524 : vector<400x128xf32>
        %integer_pow3A_526 = arith.mulf %add3A_525, %add3A_525 : vector<400x128xf32>
        %integer_pow3A_527 = arith.mulf %add3A_525, %integer_pow3A_526 : vector<400x128xf32>
        %mul3A_528 = arith.constant 4.471500e-02 : f32
        %mul3A_529 = vector.broadcast %mul3A_528 : f32 to vector<400x128xf32>
        %mul3A_530 = arith.mulf %mul3A_529, %integer_pow3A_527 : vector<400x128xf32>
        %add3A_531 = arith.addf %add3A_525, %mul3A_530 : vector<400x128xf32>
        %mul3A_532 = arith.constant 0.797884583 : f32
        %mul3A_533 = vector.broadcast %mul3A_532 : f32 to vector<400x128xf32>
        %mul3A_534 = arith.mulf %mul3A_533, %add3A_531 : vector<400x128xf32>
        %tanh3A_535 = math.tanh %mul3A_534 : vector<400x128xf32>
        %add3A_536 = arith.constant 1.000000e+00 : f32
        %add3A_537 = vector.broadcast %add3A_536 : f32 to vector<400x128xf32>
        %add3A_538 = arith.addf %add3A_537, %tanh3A_535 : vector<400x128xf32>
        %mul3A_539 = arith.constant 5.000000e-01 : f32
        %mul3A_540 = vector.broadcast %mul3A_539 : f32 to vector<400x128xf32>
        %mul3A_541 = arith.mulf %mul3A_540, %add3A_538 : vector<400x128xf32>
        %mul3A_542 = arith.mulf %add3A_525, %mul3A_541 : vector<400x128xf32>
        %mul3A_543 = arith.mulf %mul3A_542, %convert_element_type3A_136 : vector<400x128xf32>
        %slice3A_544 = vector.extract_strided_slice %get3A_8 {offsets = [13, 0], sizes = [1, 32], strides = [1, 1]} : vector<16x32xf32> to vector<1x32xf32>
        %mul3A_545 = vector.broadcast %slice3A_544 : vector<1x32xf32> to vector<128x32xf32>
        %mul3A_546 = arith.mulf %get3A_111, %mul3A_545 : vector<128x32xf32>
        %dot_general3A_547 = arith.constant dense<0.000000e+00> : vector<400x32xf32>
        %dot_general3A_548 = tpu.matmul %mul3A_543, %mul3A_546, %dot_general3A_547 {dimension_numbers = #tpu.dot_dimension_numbers<[1], [0], [0], [1], [0, 0, 1, 1], [], []>, transpose_lhs_hint = false} : vector<400x128xf32>, vector<128x32xf32>, vector<400x32xf32> -> vector<400x32xf32>
        %add3A_549 = arith.addf %add3A_520, %dot_general3A_548 : vector<400x32xf32>
        %slice3A_550 = vector.extract_strided_slice %dot_general3A_5 {offsets = [0, 14], sizes = [400, 1], strides = [1, 1]} : vector<400x16xf32> to vector<400x1xf32>
        %slice3A_551 = vector.extract_strided_slice %add3A_143 {offsets = [14, 0], sizes = [1, 128], strides = [1, 1]} : vector<16x128xf32> to vector<1x128xf32>
        %add3A_552 = vector.broadcast %slice3A_550 : vector<400x1xf32> to vector<400x128xf32>
        %add3A_553 = vector.broadcast %slice3A_551 : vector<1x128xf32> to vector<400x128xf32>
        %add3A_554 = arith.addf %add3A_552, %add3A_553 : vector<400x128xf32>
        %integer_pow3A_555 = arith.mulf %add3A_554, %add3A_554 : vector<400x128xf32>
        %integer_pow3A_556 = arith.mulf %add3A_554, %integer_pow3A_555 : vector<400x128xf32>
        %mul3A_557 = arith.constant 4.471500e-02 : f32
        %mul3A_558 = vector.broadcast %mul3A_557 : f32 to vector<400x128xf32>
        %mul3A_559 = arith.mulf %mul3A_558, %integer_pow3A_556 : vector<400x128xf32>
        %add3A_560 = arith.addf %add3A_554, %mul3A_559 : vector<400x128xf32>
        %mul3A_561 = arith.constant 0.797884583 : f32
        %mul3A_562 = vector.broadcast %mul3A_561 : f32 to vector<400x128xf32>
        %mul3A_563 = arith.mulf %mul3A_562, %add3A_560 : vector<400x128xf32>
        %tanh3A_564 = math.tanh %mul3A_563 : vector<400x128xf32>
        %add3A_565 = arith.constant 1.000000e+00 : f32
        %add3A_566 = vector.broadcast %add3A_565 : f32 to vector<400x128xf32>
        %add3A_567 = arith.addf %add3A_566, %tanh3A_564 : vector<400x128xf32>
        %mul3A_568 = arith.constant 5.000000e-01 : f32
        %mul3A_569 = vector.broadcast %mul3A_568 : f32 to vector<400x128xf32>
        %mul3A_570 = arith.mulf %mul3A_569, %add3A_567 : vector<400x128xf32>
        %mul3A_571 = arith.mulf %add3A_554, %mul3A_570 : vector<400x128xf32>
        %mul3A_572 = arith.mulf %mul3A_571, %convert_element_type3A_136 : vector<400x128xf32>
        %slice3A_573 = vector.extract_strided_slice %get3A_8 {offsets = [14, 0], sizes = [1, 32], strides = [1, 1]} : vector<16x32xf32> to vector<1x32xf32>
        %mul3A_574 = vector.broadcast %slice3A_573 : vector<1x32xf32> to vector<128x32xf32>
        %mul3A_575 = arith.mulf %get3A_111, %mul3A_574 : vector<128x32xf32>
        %dot_general3A_576 = arith.constant dense<0.000000e+00> : vector<400x32xf32>
        %dot_general3A_577 = tpu.matmul %mul3A_572, %mul3A_575, %dot_general3A_576 {dimension_numbers = #tpu.dot_dimension_numbers<[1], [0], [0], [1], [0, 0, 1, 1], [], []>, transpose_lhs_hint = false} : vector<400x128xf32>, vector<128x32xf32>, vector<400x32xf32> -> vector<400x32xf32>
        %add3A_578 = arith.addf %add3A_549, %dot_general3A_577 : vector<400x32xf32>
        %slice3A_579 = vector.extract_strided_slice %dot_general3A_5 {offsets = [0, 15], sizes = [400, 1], strides = [1, 1]} : vector<400x16xf32> to vector<400x1xf32>
        %slice3A_580 = vector.extract_strided_slice %add3A_143 {offsets = [15, 0], sizes = [1, 128], strides = [1, 1]} : vector<16x128xf32> to vector<1x128xf32>
        %add3A_581 = vector.broadcast %slice3A_579 : vector<400x1xf32> to vector<400x128xf32>
        %add3A_582 = vector.broadcast %slice3A_580 : vector<1x128xf32> to vector<400x128xf32>
        %add3A_583 = arith.addf %add3A_581, %add3A_582 : vector<400x128xf32>
        %integer_pow3A_584 = arith.mulf %add3A_583, %add3A_583 : vector<400x128xf32>
        %integer_pow3A_585 = arith.mulf %add3A_583, %integer_pow3A_584 : vector<400x128xf32>
        %mul3A_586 = arith.constant 4.471500e-02 : f32
        %mul3A_587 = vector.broadcast %mul3A_586 : f32 to vector<400x128xf32>
        %mul3A_588 = arith.mulf %mul3A_587, %integer_pow3A_585 : vector<400x128xf32>
        %add3A_589 = arith.addf %add3A_583, %mul3A_588 : vector<400x128xf32>
        %mul3A_590 = arith.constant 0.797884583 : f32
        %mul3A_591 = vector.broadcast %mul3A_590 : f32 to vector<400x128xf32>
        %mul3A_592 = arith.mulf %mul3A_591, %add3A_589 : vector<400x128xf32>
        %tanh3A_593 = math.tanh %mul3A_592 : vector<400x128xf32>
        %add3A_594 = arith.constant 1.000000e+00 : f32
        %add3A_595 = vector.broadcast %add3A_594 : f32 to vector<400x128xf32>
        %add3A_596 = arith.addf %add3A_595, %tanh3A_593 : vector<400x128xf32>
        %mul3A_597 = arith.constant 5.000000e-01 : f32
        %mul3A_598 = vector.broadcast %mul3A_597 : f32 to vector<400x128xf32>
        %mul3A_599 = arith.mulf %mul3A_598, %add3A_596 : vector<400x128xf32>
        %mul3A_600 = arith.mulf %add3A_583, %mul3A_599 : vector<400x128xf32>
        %mul3A_601 = arith.mulf %mul3A_600, %convert_element_type3A_136 : vector<400x128xf32>
        %slice3A_602 = vector.extract_strided_slice %get3A_8 {offsets = [15, 0], sizes = [1, 32], strides = [1, 1]} : vector<16x32xf32> to vector<1x32xf32>
        %mul3A_603 = vector.broadcast %slice3A_602 : vector<1x32xf32> to vector<128x32xf32>
        %mul3A_604 = arith.mulf %get3A_111, %mul3A_603 : vector<128x32xf32>
        %dot_general3A_605 = arith.constant dense<0.000000e+00> : vector<400x32xf32>
        %dot_general3A_606 = tpu.matmul %mul3A_601, %mul3A_604, %dot_general3A_605 {dimension_numbers = #tpu.dot_dimension_numbers<[1], [0], [0], [1], [0, 0, 1, 1], [], []>, transpose_lhs_hint = false} : vector<400x128xf32>, vector<128x32xf32>, vector<400x32xf32> -> vector<400x32xf32>
        %add3A_607 = arith.addf %add3A_578, %dot_general3A_606 : vector<400x32xf32>
        %mul3A_608 = vector.broadcast %get3A_11 : vector<1x32xf32> to vector<128x32xf32>
        %mul3A_609 = arith.mulf %get3A_111, %mul3A_608 : vector<128x32xf32>
        %dot_general3A_610 = arith.constant dense<0.000000e+00> : vector<400x32xf32>
        %dot_general3A_611 = tpu.matmul %convert_element_type3A_136, %mul3A_609, %dot_general3A_610 {dimension_numbers = #tpu.dot_dimension_numbers<[1], [0], [0], [1], [0, 0, 1, 1], [], []>, transpose_lhs_hint = false} : vector<400x128xf32>, vector<128x32xf32>, vector<400x32xf32> -> vector<400x32xf32>
        %add3A_612 = arith.addf %add3A_607, %dot_general3A_611 : vector<400x32xf32>
        scf.yield %add3A_612, %add3A_139 : vector<400x32xf32>, vector<400x1xf32>
      }
      %while3A_99 = arith.constant 1 : i32
      %while3A_100:2 = scf.for %while3A_101 = %while3A_96 to %while3A_92 step %while3A_99 iter_args(%while3A_102 = %while3A_98#0, %while3A_103 = %while3A_98#1) -> (vector<400x32xf32>, vector<400x1xf32>)  : i32 {
        %mul3A_104 = arith.constant 16 : i32
        %mul3A_105 = arith.muli %while3A_101, %mul3A_104 : i32
        %add3A_106 = arith.addi %get3A_86, %mul3A_105 : i32
        %mul3A_107 = arith.constant 8 : i32
        %mul3A_108 = arith.muli %add3A_106, %mul3A_107 : i32
        %get3A_109 = arith.index_cast %mul3A_108 : i32 to index
        %get3A_110 = arith.constant 0 : index
        %get3A_111 = vector.load %arg7[%get3A_109, %get3A_110] : memref<10128x32xf32, #tpu.memory_space<vmem>>, vector<128x32xf32>
        %get3A_112 = arith.index_cast %mul3A_108 : i32 to index
        %get3A_113 = arith.constant 0 : index
        %get3A_114 = vector.load %arg8[%get3A_112, %get3A_113] : memref<10128x8xf32, #tpu.memory_space<vmem>>, vector<128x2xf32>
        %dot_general3A_115 = arith.constant dense<0.000000e+00> : vector<18x128xf32>
        %dot_general3A_116 = tpu.matmul %concatenate3A, %get3A_114, %dot_general3A_115 {dimension_numbers = #tpu.dot_dimension_numbers<[1], [1], [0], [0], [0, 0, 1, 0], [], []>, precision = #tpu.contract_precision<fp32>, transpose_lhs_hint = false} : vector<18x2xf32>, vector<128x2xf32>, vector<18x128xf32> -> vector<18x128xf32>
        %add3A_117 = vector.broadcast %mul3A_108 : i32 to vector<1x128xi32>
        %add3A_118 = arith.addi %iota3A_21, %add3A_117 : vector<1x128xi32>
        %ge3A = vector.broadcast %get3A_80 : i32 to vector<1x128xi32>
        %ge3A_119 = arith.cmpi sge, %add3A_118, %ge3A : vector<1x128xi32>
        %lt3A = vector.broadcast %get3A_83 : i32 to vector<1x128xi32>
        %lt3A_120 = arith.cmpi slt, %add3A_118, %lt3A : vector<1x128xi32>
        %and3A = arith.andi %ge3A_119, %lt3A_120 : vector<1x128xi1>
        %slice3A_121 = vector.extract_strided_slice %dot_general3A_116 {offsets = [0, 0], sizes = [1, 128], strides = [1, 1]} : vector<18x128xf32> to vector<1x128xf32>
        %sub3A = vector.broadcast %slice3A : vector<400x1xf32> to vector<400x128xf32>
        %sub3A_122 = vector.broadcast %slice3A_121 : vector<1x128xf32> to vector<400x128xf32>
        %sub3A_123 = arith.subf %sub3A, %sub3A_122 : vector<400x128xf32>
        %slice3A_124 = vector.extract_strided_slice %dot_general3A_116 {offsets = [1, 0], sizes = [1, 128], strides = [1, 1]} : vector<18x128xf32> to vector<1x128xf32>
        %sub3A_125 = vector.broadcast %slice3A_20 : vector<400x1xf32> to vector<400x128xf32>
        %sub3A_126 = vector.broadcast %slice3A_124 : vector<1x128xf32> to vector<400x128xf32>
        %sub3A_127 = arith.subf %sub3A_125, %sub3A_126 : vector<400x128xf32>
        %mul3A_128 = arith.mulf %sub3A_123, %sub3A_123 : vector<400x128xf32>
        %mul3A_129 = arith.mulf %sub3A_127, %sub3A_127 : vector<400x128xf32>
        %add3A_130 = arith.addf %mul3A_128, %mul3A_129 : vector<400x128xf32>
        %le3A = arith.constant 1.089000e-03 : f32
        %le3A_131 = vector.broadcast %le3A : f32 to vector<400x128xf32>
        %le3A_132 = arith.cmpf ole, %add3A_130, %le3A_131 : vector<400x128xf32>
        %and3A_133 = vector.broadcast %and3A : vector<1x128xi1> to vector<400x128xi1>
        %and3A_134 = arith.andi %le3A_132, %and3A_133 : vector<400x128xi1>
        %convert_element_type3A_135 = arith.extui %and3A_134 : vector<400x128xi1> to vector<400x128xi32>
        %convert_element_type3A_136 = arith.sitofp %convert_element_type3A_135 : vector<400x128xi32> to vector<400x128xf32>
        %reduce_sum3A = arith.constant dense<0.000000e+00> : vector<400xf32>
        %reduce_sum3A_137 = vector.multi_reduction <add>, %convert_element_type3A_136, %reduce_sum3A [1] : vector<400x128xf32> to vector<400xf32>
        %broadcast_in_dim3A_138 = vector.shape_cast %reduce_sum3A_137 : vector<400xf32> to vector<400x1xf32>
        %add3A_139 = arith.addf %while3A_103, %broadcast_in_dim3A_138 : vector<400x1xf32>
        %slice3A_140 = vector.extract_strided_slice %dot_general3A_116 {offsets = [2, 0], sizes = [16, 128], strides = [1, 1]} : vector<18x128xf32> to vector<16x128xf32>
        %transpose3A_141 = tpu.transpose %get3A_14, [1, 0] : vector<1x16xf32> -> vector<16x1xf32>
        %add3A_142 = vector.broadcast %transpose3A_141 : vector<16x1xf32> to vector<16x128xf32>
        %add3A_143 = arith.addf %slice3A_140, %add3A_142 : vector<16x128xf32>
        %slice3A_144 = vector.extract_strided_slice %dot_general3A_5 {offsets = [0, 0], sizes = [400, 1], strides = [1, 1]} : vector<400x16xf32> to vector<400x1xf32>
        %slice3A_145 = vector.extract_strided_slice %add3A_143 {offsets = [0, 0], sizes = [1, 128], strides = [1, 1]} : vector<16x128xf32> to vector<1x128xf32>
        %add3A_146 = vector.broadcast %slice3A_144 : vector<400x1xf32> to vector<400x128xf32>
        %add3A_147 = vector.broadcast %slice3A_145 : vector<1x128xf32> to vector<400x128xf32>
        %add3A_148 = arith.addf %add3A_146, %add3A_147 : vector<400x128xf32>
        %integer_pow3A_149 = arith.mulf %add3A_148, %add3A_148 : vector<400x128xf32>
        %integer_pow3A_150 = arith.mulf %add3A_148, %integer_pow3A_149 : vector<400x128xf32>
        %mul3A_151 = arith.constant 4.471500e-02 : f32
        %mul3A_152 = vector.broadcast %mul3A_151 : f32 to vector<400x128xf32>
        %mul3A_153 = arith.mulf %mul3A_152, %integer_pow3A_150 : vector<400x128xf32>
        %add3A_154 = arith.addf %add3A_148, %mul3A_153 : vector<400x128xf32>
        %mul3A_155 = arith.constant 0.797884583 : f32
        %mul3A_156 = vector.broadcast %mul3A_155 : f32 to vector<400x128xf32>
        %mul3A_157 = arith.mulf %mul3A_156, %add3A_154 : vector<400x128xf32>
        %tanh3A_158 = math.tanh %mul3A_157 : vector<400x128xf32>
        %add3A_159 = arith.constant 1.000000e+00 : f32
        %add3A_160 = vector.broadcast %add3A_159 : f32 to vector<400x128xf32>
        %add3A_161 = arith.addf %add3A_160, %tanh3A_158 : vector<400x128xf32>
        %mul3A_162 = arith.constant 5.000000e-01 : f32
        %mul3A_163 = vector.broadcast %mul3A_162 : f32 to vector<400x128xf32>
        %mul3A_164 = arith.mulf %mul3A_163, %add3A_161 : vector<400x128xf32>
        %mul3A_165 = arith.mulf %add3A_148, %mul3A_164 : vector<400x128xf32>
        %mul3A_166 = arith.mulf %mul3A_165, %convert_element_type3A_136 : vector<400x128xf32>
        %slice3A_167 = vector.extract_strided_slice %get3A_8 {offsets = [0, 0], sizes = [1, 32], strides = [1, 1]} : vector<16x32xf32> to vector<1x32xf32>
        %mul3A_168 = vector.broadcast %slice3A_167 : vector<1x32xf32> to vector<128x32xf32>
        %mul3A_169 = arith.mulf %get3A_111, %mul3A_168 : vector<128x32xf32>
        %dot_general3A_170 = arith.constant dense<0.000000e+00> : vector<400x32xf32>
        %dot_general3A_171 = tpu.matmul %mul3A_166, %mul3A_169, %dot_general3A_170 {dimension_numbers = #tpu.dot_dimension_numbers<[1], [0], [0], [1], [0, 0, 1, 1], [], []>, transpose_lhs_hint = false} : vector<400x128xf32>, vector<128x32xf32>, vector<400x32xf32> -> vector<400x32xf32>
        %add3A_172 = arith.addf %while3A_102, %dot_general3A_171 : vector<400x32xf32>
        %slice3A_173 = vector.extract_strided_slice %dot_general3A_5 {offsets = [0, 1], sizes = [400, 1], strides = [1, 1]} : vector<400x16xf32> to vector<400x1xf32>
        %slice3A_174 = vector.extract_strided_slice %add3A_143 {offsets = [1, 0], sizes = [1, 128], strides = [1, 1]} : vector<16x128xf32> to vector<1x128xf32>
        %add3A_175 = vector.broadcast %slice3A_173 : vector<400x1xf32> to vector<400x128xf32>
        %add3A_176 = vector.broadcast %slice3A_174 : vector<1x128xf32> to vector<400x128xf32>
        %add3A_177 = arith.addf %add3A_175, %add3A_176 : vector<400x128xf32>
        %integer_pow3A_178 = arith.mulf %add3A_177, %add3A_177 : vector<400x128xf32>
        %integer_pow3A_179 = arith.mulf %add3A_177, %integer_pow3A_178 : vector<400x128xf32>
        %mul3A_180 = arith.constant 4.471500e-02 : f32
        %mul3A_181 = vector.broadcast %mul3A_180 : f32 to vector<400x128xf32>
        %mul3A_182 = arith.mulf %mul3A_181, %integer_pow3A_179 : vector<400x128xf32>
        %add3A_183 = arith.addf %add3A_177, %mul3A_182 : vector<400x128xf32>
        %mul3A_184 = arith.constant 0.797884583 : f32
        %mul3A_185 = vector.broadcast %mul3A_184 : f32 to vector<400x128xf32>
        %mul3A_186 = arith.mulf %mul3A_185, %add3A_183 : vector<400x128xf32>
        %tanh3A_187 = math.tanh %mul3A_186 : vector<400x128xf32>
        %add3A_188 = arith.constant 1.000000e+00 : f32
        %add3A_189 = vector.broadcast %add3A_188 : f32 to vector<400x128xf32>
        %add3A_190 = arith.addf %add3A_189, %tanh3A_187 : vector<400x128xf32>
        %mul3A_191 = arith.constant 5.000000e-01 : f32
        %mul3A_192 = vector.broadcast %mul3A_191 : f32 to vector<400x128xf32>
        %mul3A_193 = arith.mulf %mul3A_192, %add3A_190 : vector<400x128xf32>
        %mul3A_194 = arith.mulf %add3A_177, %mul3A_193 : vector<400x128xf32>
        %mul3A_195 = arith.mulf %mul3A_194, %convert_element_type3A_136 : vector<400x128xf32>
        %slice3A_196 = vector.extract_strided_slice %get3A_8 {offsets = [1, 0], sizes = [1, 32], strides = [1, 1]} : vector<16x32xf32> to vector<1x32xf32>
        %mul3A_197 = vector.broadcast %slice3A_196 : vector<1x32xf32> to vector<128x32xf32>
        %mul3A_198 = arith.mulf %get3A_111, %mul3A_197 : vector<128x32xf32>
        %dot_general3A_199 = arith.constant dense<0.000000e+00> : vector<400x32xf32>
        %dot_general3A_200 = tpu.matmul %mul3A_195, %mul3A_198, %dot_general3A_199 {dimension_numbers = #tpu.dot_dimension_numbers<[1], [0], [0], [1], [0, 0, 1, 1], [], []>, transpose_lhs_hint = false} : vector<400x128xf32>, vector<128x32xf32>, vector<400x32xf32> -> vector<400x32xf32>
        %add3A_201 = arith.addf %add3A_172, %dot_general3A_200 : vector<400x32xf32>
        %slice3A_202 = vector.extract_strided_slice %dot_general3A_5 {offsets = [0, 2], sizes = [400, 1], strides = [1, 1]} : vector<400x16xf32> to vector<400x1xf32>
        %slice3A_203 = vector.extract_strided_slice %add3A_143 {offsets = [2, 0], sizes = [1, 128], strides = [1, 1]} : vector<16x128xf32> to vector<1x128xf32>
        %add3A_204 = vector.broadcast %slice3A_202 : vector<400x1xf32> to vector<400x128xf32>
        %add3A_205 = vector.broadcast %slice3A_203 : vector<1x128xf32> to vector<400x128xf32>
        %add3A_206 = arith.addf %add3A_204, %add3A_205 : vector<400x128xf32>
        %integer_pow3A_207 = arith.mulf %add3A_206, %add3A_206 : vector<400x128xf32>
        %integer_pow3A_208 = arith.mulf %add3A_206, %integer_pow3A_207 : vector<400x128xf32>
        %mul3A_209 = arith.constant 4.471500e-02 : f32
        %mul3A_210 = vector.broadcast %mul3A_209 : f32 to vector<400x128xf32>
        %mul3A_211 = arith.mulf %mul3A_210, %integer_pow3A_208 : vector<400x128xf32>
        %add3A_212 = arith.addf %add3A_206, %mul3A_211 : vector<400x128xf32>
        %mul3A_213 = arith.constant 0.797884583 : f32
        %mul3A_214 = vector.broadcast %mul3A_213 : f32 to vector<400x128xf32>
        %mul3A_215 = arith.mulf %mul3A_214, %add3A_212 : vector<400x128xf32>
        %tanh3A_216 = math.tanh %mul3A_215 : vector<400x128xf32>
        %add3A_217 = arith.constant 1.000000e+00 : f32
        %add3A_218 = vector.broadcast %add3A_217 : f32 to vector<400x128xf32>
        %add3A_219 = arith.addf %add3A_218, %tanh3A_216 : vector<400x128xf32>
        %mul3A_220 = arith.constant 5.000000e-01 : f32
        %mul3A_221 = vector.broadcast %mul3A_220 : f32 to vector<400x128xf32>
        %mul3A_222 = arith.mulf %mul3A_221, %add3A_219 : vector<400x128xf32>
        %mul3A_223 = arith.mulf %add3A_206, %mul3A_222 : vector<400x128xf32>
        %mul3A_224 = arith.mulf %mul3A_223, %convert_element_type3A_136 : vector<400x128xf32>
        %slice3A_225 = vector.extract_strided_slice %get3A_8 {offsets = [2, 0], sizes = [1, 32], strides = [1, 1]} : vector<16x32xf32> to vector<1x32xf32>
        %mul3A_226 = vector.broadcast %slice3A_225 : vector<1x32xf32> to vector<128x32xf32>
        %mul3A_227 = arith.mulf %get3A_111, %mul3A_226 : vector<128x32xf32>
        %dot_general3A_228 = arith.constant dense<0.000000e+00> : vector<400x32xf32>
        %dot_general3A_229 = tpu.matmul %mul3A_224, %mul3A_227, %dot_general3A_228 {dimension_numbers = #tpu.dot_dimension_numbers<[1], [0], [0], [1], [0, 0, 1, 1], [], []>, transpose_lhs_hint = false} : vector<400x128xf32>, vector<128x32xf32>, vector<400x32xf32> -> vector<400x32xf32>
        %add3A_230 = arith.addf %add3A_201, %dot_general3A_229 : vector<400x32xf32>
        %slice3A_231 = vector.extract_strided_slice %dot_general3A_5 {offsets = [0, 3], sizes = [400, 1], strides = [1, 1]} : vector<400x16xf32> to vector<400x1xf32>
        %slice3A_232 = vector.extract_strided_slice %add3A_143 {offsets = [3, 0], sizes = [1, 128], strides = [1, 1]} : vector<16x128xf32> to vector<1x128xf32>
        %add3A_233 = vector.broadcast %slice3A_231 : vector<400x1xf32> to vector<400x128xf32>
        %add3A_234 = vector.broadcast %slice3A_232 : vector<1x128xf32> to vector<400x128xf32>
        %add3A_235 = arith.addf %add3A_233, %add3A_234 : vector<400x128xf32>
        %integer_pow3A_236 = arith.mulf %add3A_235, %add3A_235 : vector<400x128xf32>
        %integer_pow3A_237 = arith.mulf %add3A_235, %integer_pow3A_236 : vector<400x128xf32>
        %mul3A_238 = arith.constant 4.471500e-02 : f32
        %mul3A_239 = vector.broadcast %mul3A_238 : f32 to vector<400x128xf32>
        %mul3A_240 = arith.mulf %mul3A_239, %integer_pow3A_237 : vector<400x128xf32>
        %add3A_241 = arith.addf %add3A_235, %mul3A_240 : vector<400x128xf32>
        %mul3A_242 = arith.constant 0.797884583 : f32
        %mul3A_243 = vector.broadcast %mul3A_242 : f32 to vector<400x128xf32>
        %mul3A_244 = arith.mulf %mul3A_243, %add3A_241 : vector<400x128xf32>
        %tanh3A_245 = math.tanh %mul3A_244 : vector<400x128xf32>
        %add3A_246 = arith.constant 1.000000e+00 : f32
        %add3A_247 = vector.broadcast %add3A_246 : f32 to vector<400x128xf32>
        %add3A_248 = arith.addf %add3A_247, %tanh3A_245 : vector<400x128xf32>
        %mul3A_249 = arith.constant 5.000000e-01 : f32
        %mul3A_250 = vector.broadcast %mul3A_249 : f32 to vector<400x128xf32>
        %mul3A_251 = arith.mulf %mul3A_250, %add3A_248 : vector<400x128xf32>
        %mul3A_252 = arith.mulf %add3A_235, %mul3A_251 : vector<400x128xf32>
        %mul3A_253 = arith.mulf %mul3A_252, %convert_element_type3A_136 : vector<400x128xf32>
        %slice3A_254 = vector.extract_strided_slice %get3A_8 {offsets = [3, 0], sizes = [1, 32], strides = [1, 1]} : vector<16x32xf32> to vector<1x32xf32>
        %mul3A_255 = vector.broadcast %slice3A_254 : vector<1x32xf32> to vector<128x32xf32>
        %mul3A_256 = arith.mulf %get3A_111, %mul3A_255 : vector<128x32xf32>
        %dot_general3A_257 = arith.constant dense<0.000000e+00> : vector<400x32xf32>
        %dot_general3A_258 = tpu.matmul %mul3A_253, %mul3A_256, %dot_general3A_257 {dimension_numbers = #tpu.dot_dimension_numbers<[1], [0], [0], [1], [0, 0, 1, 1], [], []>, transpose_lhs_hint = false} : vector<400x128xf32>, vector<128x32xf32>, vector<400x32xf32> -> vector<400x32xf32>
        %add3A_259 = arith.addf %add3A_230, %dot_general3A_258 : vector<400x32xf32>
        %slice3A_260 = vector.extract_strided_slice %dot_general3A_5 {offsets = [0, 4], sizes = [400, 1], strides = [1, 1]} : vector<400x16xf32> to vector<400x1xf32>
        %slice3A_261 = vector.extract_strided_slice %add3A_143 {offsets = [4, 0], sizes = [1, 128], strides = [1, 1]} : vector<16x128xf32> to vector<1x128xf32>
        %add3A_262 = vector.broadcast %slice3A_260 : vector<400x1xf32> to vector<400x128xf32>
        %add3A_263 = vector.broadcast %slice3A_261 : vector<1x128xf32> to vector<400x128xf32>
        %add3A_264 = arith.addf %add3A_262, %add3A_263 : vector<400x128xf32>
        %integer_pow3A_265 = arith.mulf %add3A_264, %add3A_264 : vector<400x128xf32>
        %integer_pow3A_266 = arith.mulf %add3A_264, %integer_pow3A_265 : vector<400x128xf32>
        %mul3A_267 = arith.constant 4.471500e-02 : f32
        %mul3A_268 = vector.broadcast %mul3A_267 : f32 to vector<400x128xf32>
        %mul3A_269 = arith.mulf %mul3A_268, %integer_pow3A_266 : vector<400x128xf32>
        %add3A_270 = arith.addf %add3A_264, %mul3A_269 : vector<400x128xf32>
        %mul3A_271 = arith.constant 0.797884583 : f32
        %mul3A_272 = vector.broadcast %mul3A_271 : f32 to vector<400x128xf32>
        %mul3A_273 = arith.mulf %mul3A_272, %add3A_270 : vector<400x128xf32>
        %tanh3A_274 = math.tanh %mul3A_273 : vector<400x128xf32>
        %add3A_275 = arith.constant 1.000000e+00 : f32
        %add3A_276 = vector.broadcast %add3A_275 : f32 to vector<400x128xf32>
        %add3A_277 = arith.addf %add3A_276, %tanh3A_274 : vector<400x128xf32>
        %mul3A_278 = arith.constant 5.000000e-01 : f32
        %mul3A_279 = vector.broadcast %mul3A_278 : f32 to vector<400x128xf32>
        %mul3A_280 = arith.mulf %mul3A_279, %add3A_277 : vector<400x128xf32>
        %mul3A_281 = arith.mulf %add3A_264, %mul3A_280 : vector<400x128xf32>
        %mul3A_282 = arith.mulf %mul3A_281, %convert_element_type3A_136 : vector<400x128xf32>
        %slice3A_283 = vector.extract_strided_slice %get3A_8 {offsets = [4, 0], sizes = [1, 32], strides = [1, 1]} : vector<16x32xf32> to vector<1x32xf32>
        %mul3A_284 = vector.broadcast %slice3A_283 : vector<1x32xf32> to vector<128x32xf32>
        %mul3A_285 = arith.mulf %get3A_111, %mul3A_284 : vector<128x32xf32>
        %dot_general3A_286 = arith.constant dense<0.000000e+00> : vector<400x32xf32>
        %dot_general3A_287 = tpu.matmul %mul3A_282, %mul3A_285, %dot_general3A_286 {dimension_numbers = #tpu.dot_dimension_numbers<[1], [0], [0], [1], [0, 0, 1, 1], [], []>, transpose_lhs_hint = false} : vector<400x128xf32>, vector<128x32xf32>, vector<400x32xf32> -> vector<400x32xf32>
        %add3A_288 = arith.addf %add3A_259, %dot_general3A_287 : vector<400x32xf32>
        %slice3A_289 = vector.extract_strided_slice %dot_general3A_5 {offsets = [0, 5], sizes = [400, 1], strides = [1, 1]} : vector<400x16xf32> to vector<400x1xf32>
        %slice3A_290 = vector.extract_strided_slice %add3A_143 {offsets = [5, 0], sizes = [1, 128], strides = [1, 1]} : vector<16x128xf32> to vector<1x128xf32>
        %add3A_291 = vector.broadcast %slice3A_289 : vector<400x1xf32> to vector<400x128xf32>
        %add3A_292 = vector.broadcast %slice3A_290 : vector<1x128xf32> to vector<400x128xf32>
        %add3A_293 = arith.addf %add3A_291, %add3A_292 : vector<400x128xf32>
        %integer_pow3A_294 = arith.mulf %add3A_293, %add3A_293 : vector<400x128xf32>
        %integer_pow3A_295 = arith.mulf %add3A_293, %integer_pow3A_294 : vector<400x128xf32>
        %mul3A_296 = arith.constant 4.471500e-02 : f32
        %mul3A_297 = vector.broadcast %mul3A_296 : f32 to vector<400x128xf32>
        %mul3A_298 = arith.mulf %mul3A_297, %integer_pow3A_295 : vector<400x128xf32>
        %add3A_299 = arith.addf %add3A_293, %mul3A_298 : vector<400x128xf32>
        %mul3A_300 = arith.constant 0.797884583 : f32
        %mul3A_301 = vector.broadcast %mul3A_300 : f32 to vector<400x128xf32>
        %mul3A_302 = arith.mulf %mul3A_301, %add3A_299 : vector<400x128xf32>
        %tanh3A_303 = math.tanh %mul3A_302 : vector<400x128xf32>
        %add3A_304 = arith.constant 1.000000e+00 : f32
        %add3A_305 = vector.broadcast %add3A_304 : f32 to vector<400x128xf32>
        %add3A_306 = arith.addf %add3A_305, %tanh3A_303 : vector<400x128xf32>
        %mul3A_307 = arith.constant 5.000000e-01 : f32
        %mul3A_308 = vector.broadcast %mul3A_307 : f32 to vector<400x128xf32>
        %mul3A_309 = arith.mulf %mul3A_308, %add3A_306 : vector<400x128xf32>
        %mul3A_310 = arith.mulf %add3A_293, %mul3A_309 : vector<400x128xf32>
        %mul3A_311 = arith.mulf %mul3A_310, %convert_element_type3A_136 : vector<400x128xf32>
        %slice3A_312 = vector.extract_strided_slice %get3A_8 {offsets = [5, 0], sizes = [1, 32], strides = [1, 1]} : vector<16x32xf32> to vector<1x32xf32>
        %mul3A_313 = vector.broadcast %slice3A_312 : vector<1x32xf32> to vector<128x32xf32>
        %mul3A_314 = arith.mulf %get3A_111, %mul3A_313 : vector<128x32xf32>
        %dot_general3A_315 = arith.constant dense<0.000000e+00> : vector<400x32xf32>
        %dot_general3A_316 = tpu.matmul %mul3A_311, %mul3A_314, %dot_general3A_315 {dimension_numbers = #tpu.dot_dimension_numbers<[1], [0], [0], [1], [0, 0, 1, 1], [], []>, transpose_lhs_hint = false} : vector<400x128xf32>, vector<128x32xf32>, vector<400x32xf32> -> vector<400x32xf32>
        %add3A_317 = arith.addf %add3A_288, %dot_general3A_316 : vector<400x32xf32>
        %slice3A_318 = vector.extract_strided_slice %dot_general3A_5 {offsets = [0, 6], sizes = [400, 1], strides = [1, 1]} : vector<400x16xf32> to vector<400x1xf32>
        %slice3A_319 = vector.extract_strided_slice %add3A_143 {offsets = [6, 0], sizes = [1, 128], strides = [1, 1]} : vector<16x128xf32> to vector<1x128xf32>
        %add3A_320 = vector.broadcast %slice3A_318 : vector<400x1xf32> to vector<400x128xf32>
        %add3A_321 = vector.broadcast %slice3A_319 : vector<1x128xf32> to vector<400x128xf32>
        %add3A_322 = arith.addf %add3A_320, %add3A_321 : vector<400x128xf32>
        %integer_pow3A_323 = arith.mulf %add3A_322, %add3A_322 : vector<400x128xf32>
        %integer_pow3A_324 = arith.mulf %add3A_322, %integer_pow3A_323 : vector<400x128xf32>
        %mul3A_325 = arith.constant 4.471500e-02 : f32
        %mul3A_326 = vector.broadcast %mul3A_325 : f32 to vector<400x128xf32>
        %mul3A_327 = arith.mulf %mul3A_326, %integer_pow3A_324 : vector<400x128xf32>
        %add3A_328 = arith.addf %add3A_322, %mul3A_327 : vector<400x128xf32>
        %mul3A_329 = arith.constant 0.797884583 : f32
        %mul3A_330 = vector.broadcast %mul3A_329 : f32 to vector<400x128xf32>
        %mul3A_331 = arith.mulf %mul3A_330, %add3A_328 : vector<400x128xf32>
        %tanh3A_332 = math.tanh %mul3A_331 : vector<400x128xf32>
        %add3A_333 = arith.constant 1.000000e+00 : f32
        %add3A_334 = vector.broadcast %add3A_333 : f32 to vector<400x128xf32>
        %add3A_335 = arith.addf %add3A_334, %tanh3A_332 : vector<400x128xf32>
        %mul3A_336 = arith.constant 5.000000e-01 : f32
        %mul3A_337 = vector.broadcast %mul3A_336 : f32 to vector<400x128xf32>
        %mul3A_338 = arith.mulf %mul3A_337, %add3A_335 : vector<400x128xf32>
        %mul3A_339 = arith.mulf %add3A_322, %mul3A_338 : vector<400x128xf32>
        %mul3A_340 = arith.mulf %mul3A_339, %convert_element_type3A_136 : vector<400x128xf32>
        %slice3A_341 = vector.extract_strided_slice %get3A_8 {offsets = [6, 0], sizes = [1, 32], strides = [1, 1]} : vector<16x32xf32> to vector<1x32xf32>
        %mul3A_342 = vector.broadcast %slice3A_341 : vector<1x32xf32> to vector<128x32xf32>
        %mul3A_343 = arith.mulf %get3A_111, %mul3A_342 : vector<128x32xf32>
        %dot_general3A_344 = arith.constant dense<0.000000e+00> : vector<400x32xf32>
        %dot_general3A_345 = tpu.matmul %mul3A_340, %mul3A_343, %dot_general3A_344 {dimension_numbers = #tpu.dot_dimension_numbers<[1], [0], [0], [1], [0, 0, 1, 1], [], []>, transpose_lhs_hint = false} : vector<400x128xf32>, vector<128x32xf32>, vector<400x32xf32> -> vector<400x32xf32>
        %add3A_346 = arith.addf %add3A_317, %dot_general3A_345 : vector<400x32xf32>
        %slice3A_347 = vector.extract_strided_slice %dot_general3A_5 {offsets = [0, 7], sizes = [400, 1], strides = [1, 1]} : vector<400x16xf32> to vector<400x1xf32>
        %slice3A_348 = vector.extract_strided_slice %add3A_143 {offsets = [7, 0], sizes = [1, 128], strides = [1, 1]} : vector<16x128xf32> to vector<1x128xf32>
        %add3A_349 = vector.broadcast %slice3A_347 : vector<400x1xf32> to vector<400x128xf32>
        %add3A_350 = vector.broadcast %slice3A_348 : vector<1x128xf32> to vector<400x128xf32>
        %add3A_351 = arith.addf %add3A_349, %add3A_350 : vector<400x128xf32>
        %integer_pow3A_352 = arith.mulf %add3A_351, %add3A_351 : vector<400x128xf32>
        %integer_pow3A_353 = arith.mulf %add3A_351, %integer_pow3A_352 : vector<400x128xf32>
        %mul3A_354 = arith.constant 4.471500e-02 : f32
        %mul3A_355 = vector.broadcast %mul3A_354 : f32 to vector<400x128xf32>
        %mul3A_356 = arith.mulf %mul3A_355, %integer_pow3A_353 : vector<400x128xf32>
        %add3A_357 = arith.addf %add3A_351, %mul3A_356 : vector<400x128xf32>
        %mul3A_358 = arith.constant 0.797884583 : f32
        %mul3A_359 = vector.broadcast %mul3A_358 : f32 to vector<400x128xf32>
        %mul3A_360 = arith.mulf %mul3A_359, %add3A_357 : vector<400x128xf32>
        %tanh3A_361 = math.tanh %mul3A_360 : vector<400x128xf32>
        %add3A_362 = arith.constant 1.000000e+00 : f32
        %add3A_363 = vector.broadcast %add3A_362 : f32 to vector<400x128xf32>
        %add3A_364 = arith.addf %add3A_363, %tanh3A_361 : vector<400x128xf32>
        %mul3A_365 = arith.constant 5.000000e-01 : f32
        %mul3A_366 = vector.broadcast %mul3A_365 : f32 to vector<400x128xf32>
        %mul3A_367 = arith.mulf %mul3A_366, %add3A_364 : vector<400x128xf32>
        %mul3A_368 = arith.mulf %add3A_351, %mul3A_367 : vector<400x128xf32>
        %mul3A_369 = arith.mulf %mul3A_368, %convert_element_type3A_136 : vector<400x128xf32>
        %slice3A_370 = vector.extract_strided_slice %get3A_8 {offsets = [7, 0], sizes = [1, 32], strides = [1, 1]} : vector<16x32xf32> to vector<1x32xf32>
        %mul3A_371 = vector.broadcast %slice3A_370 : vector<1x32xf32> to vector<128x32xf32>
        %mul3A_372 = arith.mulf %get3A_111, %mul3A_371 : vector<128x32xf32>
        %dot_general3A_373 = arith.constant dense<0.000000e+00> : vector<400x32xf32>
        %dot_general3A_374 = tpu.matmul %mul3A_369, %mul3A_372, %dot_general3A_373 {dimension_numbers = #tpu.dot_dimension_numbers<[1], [0], [0], [1], [0, 0, 1, 1], [], []>, transpose_lhs_hint = false} : vector<400x128xf32>, vector<128x32xf32>, vector<400x32xf32> -> vector<400x32xf32>
        %add3A_375 = arith.addf %add3A_346, %dot_general3A_374 : vector<400x32xf32>
        %slice3A_376 = vector.extract_strided_slice %dot_general3A_5 {offsets = [0, 8], sizes = [400, 1], strides = [1, 1]} : vector<400x16xf32> to vector<400x1xf32>
        %slice3A_377 = vector.extract_strided_slice %add3A_143 {offsets = [8, 0], sizes = [1, 128], strides = [1, 1]} : vector<16x128xf32> to vector<1x128xf32>
        %add3A_378 = vector.broadcast %slice3A_376 : vector<400x1xf32> to vector<400x128xf32>
        %add3A_379 = vector.broadcast %slice3A_377 : vector<1x128xf32> to vector<400x128xf32>
        %add3A_380 = arith.addf %add3A_378, %add3A_379 : vector<400x128xf32>
        %integer_pow3A_381 = arith.mulf %add3A_380, %add3A_380 : vector<400x128xf32>
        %integer_pow3A_382 = arith.mulf %add3A_380, %integer_pow3A_381 : vector<400x128xf32>
        %mul3A_383 = arith.constant 4.471500e-02 : f32
        %mul3A_384 = vector.broadcast %mul3A_383 : f32 to vector<400x128xf32>
        %mul3A_385 = arith.mulf %mul3A_384, %integer_pow3A_382 : vector<400x128xf32>
        %add3A_386 = arith.addf %add3A_380, %mul3A_385 : vector<400x128xf32>
        %mul3A_387 = arith.constant 0.797884583 : f32
        %mul3A_388 = vector.broadcast %mul3A_387 : f32 to vector<400x128xf32>
        %mul3A_389 = arith.mulf %mul3A_388, %add3A_386 : vector<400x128xf32>
        %tanh3A_390 = math.tanh %mul3A_389 : vector<400x128xf32>
        %add3A_391 = arith.constant 1.000000e+00 : f32
        %add3A_392 = vector.broadcast %add3A_391 : f32 to vector<400x128xf32>
        %add3A_393 = arith.addf %add3A_392, %tanh3A_390 : vector<400x128xf32>
        %mul3A_394 = arith.constant 5.000000e-01 : f32
        %mul3A_395 = vector.broadcast %mul3A_394 : f32 to vector<400x128xf32>
        %mul3A_396 = arith.mulf %mul3A_395, %add3A_393 : vector<400x128xf32>
        %mul3A_397 = arith.mulf %add3A_380, %mul3A_396 : vector<400x128xf32>
        %mul3A_398 = arith.mulf %mul3A_397, %convert_element_type3A_136 : vector<400x128xf32>
        %slice3A_399 = vector.extract_strided_slice %get3A_8 {offsets = [8, 0], sizes = [1, 32], strides = [1, 1]} : vector<16x32xf32> to vector<1x32xf32>
        %mul3A_400 = vector.broadcast %slice3A_399 : vector<1x32xf32> to vector<128x32xf32>
        %mul3A_401 = arith.mulf %get3A_111, %mul3A_400 : vector<128x32xf32>
        %dot_general3A_402 = arith.constant dense<0.000000e+00> : vector<400x32xf32>
        %dot_general3A_403 = tpu.matmul %mul3A_398, %mul3A_401, %dot_general3A_402 {dimension_numbers = #tpu.dot_dimension_numbers<[1], [0], [0], [1], [0, 0, 1, 1], [], []>, transpose_lhs_hint = false} : vector<400x128xf32>, vector<128x32xf32>, vector<400x32xf32> -> vector<400x32xf32>
        %add3A_404 = arith.addf %add3A_375, %dot_general3A_403 : vector<400x32xf32>
        %slice3A_405 = vector.extract_strided_slice %dot_general3A_5 {offsets = [0, 9], sizes = [400, 1], strides = [1, 1]} : vector<400x16xf32> to vector<400x1xf32>
        %slice3A_406 = vector.extract_strided_slice %add3A_143 {offsets = [9, 0], sizes = [1, 128], strides = [1, 1]} : vector<16x128xf32> to vector<1x128xf32>
        %add3A_407 = vector.broadcast %slice3A_405 : vector<400x1xf32> to vector<400x128xf32>
        %add3A_408 = vector.broadcast %slice3A_406 : vector<1x128xf32> to vector<400x128xf32>
        %add3A_409 = arith.addf %add3A_407, %add3A_408 : vector<400x128xf32>
        %integer_pow3A_410 = arith.mulf %add3A_409, %add3A_409 : vector<400x128xf32>
        %integer_pow3A_411 = arith.mulf %add3A_409, %integer_pow3A_410 : vector<400x128xf32>
        %mul3A_412 = arith.constant 4.471500e-02 : f32
        %mul3A_413 = vector.broadcast %mul3A_412 : f32 to vector<400x128xf32>
        %mul3A_414 = arith.mulf %mul3A_413, %integer_pow3A_411 : vector<400x128xf32>
        %add3A_415 = arith.addf %add3A_409, %mul3A_414 : vector<400x128xf32>
        %mul3A_416 = arith.constant 0.797884583 : f32
        %mul3A_417 = vector.broadcast %mul3A_416 : f32 to vector<400x128xf32>
        %mul3A_418 = arith.mulf %mul3A_417, %add3A_415 : vector<400x128xf32>
        %tanh3A_419 = math.tanh %mul3A_418 : vector<400x128xf32>
        %add3A_420 = arith.constant 1.000000e+00 : f32
        %add3A_421 = vector.broadcast %add3A_420 : f32 to vector<400x128xf32>
        %add3A_422 = arith.addf %add3A_421, %tanh3A_419 : vector<400x128xf32>
        %mul3A_423 = arith.constant 5.000000e-01 : f32
        %mul3A_424 = vector.broadcast %mul3A_423 : f32 to vector<400x128xf32>
        %mul3A_425 = arith.mulf %mul3A_424, %add3A_422 : vector<400x128xf32>
        %mul3A_426 = arith.mulf %add3A_409, %mul3A_425 : vector<400x128xf32>
        %mul3A_427 = arith.mulf %mul3A_426, %convert_element_type3A_136 : vector<400x128xf32>
        %slice3A_428 = vector.extract_strided_slice %get3A_8 {offsets = [9, 0], sizes = [1, 32], strides = [1, 1]} : vector<16x32xf32> to vector<1x32xf32>
        %mul3A_429 = vector.broadcast %slice3A_428 : vector<1x32xf32> to vector<128x32xf32>
        %mul3A_430 = arith.mulf %get3A_111, %mul3A_429 : vector<128x32xf32>
        %dot_general3A_431 = arith.constant dense<0.000000e+00> : vector<400x32xf32>
        %dot_general3A_432 = tpu.matmul %mul3A_427, %mul3A_430, %dot_general3A_431 {dimension_numbers = #tpu.dot_dimension_numbers<[1], [0], [0], [1], [0, 0, 1, 1], [], []>, transpose_lhs_hint = false} : vector<400x128xf32>, vector<128x32xf32>, vector<400x32xf32> -> vector<400x32xf32>
        %add3A_433 = arith.addf %add3A_404, %dot_general3A_432 : vector<400x32xf32>
        %slice3A_434 = vector.extract_strided_slice %dot_general3A_5 {offsets = [0, 10], sizes = [400, 1], strides = [1, 1]} : vector<400x16xf32> to vector<400x1xf32>
        %slice3A_435 = vector.extract_strided_slice %add3A_143 {offsets = [10, 0], sizes = [1, 128], strides = [1, 1]} : vector<16x128xf32> to vector<1x128xf32>
        %add3A_436 = vector.broadcast %slice3A_434 : vector<400x1xf32> to vector<400x128xf32>
        %add3A_437 = vector.broadcast %slice3A_435 : vector<1x128xf32> to vector<400x128xf32>
        %add3A_438 = arith.addf %add3A_436, %add3A_437 : vector<400x128xf32>
        %integer_pow3A_439 = arith.mulf %add3A_438, %add3A_438 : vector<400x128xf32>
        %integer_pow3A_440 = arith.mulf %add3A_438, %integer_pow3A_439 : vector<400x128xf32>
        %mul3A_441 = arith.constant 4.471500e-02 : f32
        %mul3A_442 = vector.broadcast %mul3A_441 : f32 to vector<400x128xf32>
        %mul3A_443 = arith.mulf %mul3A_442, %integer_pow3A_440 : vector<400x128xf32>
        %add3A_444 = arith.addf %add3A_438, %mul3A_443 : vector<400x128xf32>
        %mul3A_445 = arith.constant 0.797884583 : f32
        %mul3A_446 = vector.broadcast %mul3A_445 : f32 to vector<400x128xf32>
        %mul3A_447 = arith.mulf %mul3A_446, %add3A_444 : vector<400x128xf32>
        %tanh3A_448 = math.tanh %mul3A_447 : vector<400x128xf32>
        %add3A_449 = arith.constant 1.000000e+00 : f32
        %add3A_450 = vector.broadcast %add3A_449 : f32 to vector<400x128xf32>
        %add3A_451 = arith.addf %add3A_450, %tanh3A_448 : vector<400x128xf32>
        %mul3A_452 = arith.constant 5.000000e-01 : f32
        %mul3A_453 = vector.broadcast %mul3A_452 : f32 to vector<400x128xf32>
        %mul3A_454 = arith.mulf %mul3A_453, %add3A_451 : vector<400x128xf32>
        %mul3A_455 = arith.mulf %add3A_438, %mul3A_454 : vector<400x128xf32>
        %mul3A_456 = arith.mulf %mul3A_455, %convert_element_type3A_136 : vector<400x128xf32>
        %slice3A_457 = vector.extract_strided_slice %get3A_8 {offsets = [10, 0], sizes = [1, 32], strides = [1, 1]} : vector<16x32xf32> to vector<1x32xf32>
        %mul3A_458 = vector.broadcast %slice3A_457 : vector<1x32xf32> to vector<128x32xf32>
        %mul3A_459 = arith.mulf %get3A_111, %mul3A_458 : vector<128x32xf32>
        %dot_general3A_460 = arith.constant dense<0.000000e+00> : vector<400x32xf32>
        %dot_general3A_461 = tpu.matmul %mul3A_456, %mul3A_459, %dot_general3A_460 {dimension_numbers = #tpu.dot_dimension_numbers<[1], [0], [0], [1], [0, 0, 1, 1], [], []>, transpose_lhs_hint = false} : vector<400x128xf32>, vector<128x32xf32>, vector<400x32xf32> -> vector<400x32xf32>
        %add3A_462 = arith.addf %add3A_433, %dot_general3A_461 : vector<400x32xf32>
        %slice3A_463 = vector.extract_strided_slice %dot_general3A_5 {offsets = [0, 11], sizes = [400, 1], strides = [1, 1]} : vector<400x16xf32> to vector<400x1xf32>
        %slice3A_464 = vector.extract_strided_slice %add3A_143 {offsets = [11, 0], sizes = [1, 128], strides = [1, 1]} : vector<16x128xf32> to vector<1x128xf32>
        %add3A_465 = vector.broadcast %slice3A_463 : vector<400x1xf32> to vector<400x128xf32>
        %add3A_466 = vector.broadcast %slice3A_464 : vector<1x128xf32> to vector<400x128xf32>
        %add3A_467 = arith.addf %add3A_465, %add3A_466 : vector<400x128xf32>
        %integer_pow3A_468 = arith.mulf %add3A_467, %add3A_467 : vector<400x128xf32>
        %integer_pow3A_469 = arith.mulf %add3A_467, %integer_pow3A_468 : vector<400x128xf32>
        %mul3A_470 = arith.constant 4.471500e-02 : f32
        %mul3A_471 = vector.broadcast %mul3A_470 : f32 to vector<400x128xf32>
        %mul3A_472 = arith.mulf %mul3A_471, %integer_pow3A_469 : vector<400x128xf32>
        %add3A_473 = arith.addf %add3A_467, %mul3A_472 : vector<400x128xf32>
        %mul3A_474 = arith.constant 0.797884583 : f32
        %mul3A_475 = vector.broadcast %mul3A_474 : f32 to vector<400x128xf32>
        %mul3A_476 = arith.mulf %mul3A_475, %add3A_473 : vector<400x128xf32>
        %tanh3A_477 = math.tanh %mul3A_476 : vector<400x128xf32>
        %add3A_478 = arith.constant 1.000000e+00 : f32
        %add3A_479 = vector.broadcast %add3A_478 : f32 to vector<400x128xf32>
        %add3A_480 = arith.addf %add3A_479, %tanh3A_477 : vector<400x128xf32>
        %mul3A_481 = arith.constant 5.000000e-01 : f32
        %mul3A_482 = vector.broadcast %mul3A_481 : f32 to vector<400x128xf32>
        %mul3A_483 = arith.mulf %mul3A_482, %add3A_480 : vector<400x128xf32>
        %mul3A_484 = arith.mulf %add3A_467, %mul3A_483 : vector<400x128xf32>
        %mul3A_485 = arith.mulf %mul3A_484, %convert_element_type3A_136 : vector<400x128xf32>
        %slice3A_486 = vector.extract_strided_slice %get3A_8 {offsets = [11, 0], sizes = [1, 32], strides = [1, 1]} : vector<16x32xf32> to vector<1x32xf32>
        %mul3A_487 = vector.broadcast %slice3A_486 : vector<1x32xf32> to vector<128x32xf32>
        %mul3A_488 = arith.mulf %get3A_111, %mul3A_487 : vector<128x32xf32>
        %dot_general3A_489 = arith.constant dense<0.000000e+00> : vector<400x32xf32>
        %dot_general3A_490 = tpu.matmul %mul3A_485, %mul3A_488, %dot_general3A_489 {dimension_numbers = #tpu.dot_dimension_numbers<[1], [0], [0], [1], [0, 0, 1, 1], [], []>, transpose_lhs_hint = false} : vector<400x128xf32>, vector<128x32xf32>, vector<400x32xf32> -> vector<400x32xf32>
        %add3A_491 = arith.addf %add3A_462, %dot_general3A_490 : vector<400x32xf32>
        %slice3A_492 = vector.extract_strided_slice %dot_general3A_5 {offsets = [0, 12], sizes = [400, 1], strides = [1, 1]} : vector<400x16xf32> to vector<400x1xf32>
        %slice3A_493 = vector.extract_strided_slice %add3A_143 {offsets = [12, 0], sizes = [1, 128], strides = [1, 1]} : vector<16x128xf32> to vector<1x128xf32>
        %add3A_494 = vector.broadcast %slice3A_492 : vector<400x1xf32> to vector<400x128xf32>
        %add3A_495 = vector.broadcast %slice3A_493 : vector<1x128xf32> to vector<400x128xf32>
        %add3A_496 = arith.addf %add3A_494, %add3A_495 : vector<400x128xf32>
        %integer_pow3A_497 = arith.mulf %add3A_496, %add3A_496 : vector<400x128xf32>
        %integer_pow3A_498 = arith.mulf %add3A_496, %integer_pow3A_497 : vector<400x128xf32>
        %mul3A_499 = arith.constant 4.471500e-02 : f32
        %mul3A_500 = vector.broadcast %mul3A_499 : f32 to vector<400x128xf32>
        %mul3A_501 = arith.mulf %mul3A_500, %integer_pow3A_498 : vector<400x128xf32>
        %add3A_502 = arith.addf %add3A_496, %mul3A_501 : vector<400x128xf32>
        %mul3A_503 = arith.constant 0.797884583 : f32
        %mul3A_504 = vector.broadcast %mul3A_503 : f32 to vector<400x128xf32>
        %mul3A_505 = arith.mulf %mul3A_504, %add3A_502 : vector<400x128xf32>
        %tanh3A_506 = math.tanh %mul3A_505 : vector<400x128xf32>
        %add3A_507 = arith.constant 1.000000e+00 : f32
        %add3A_508 = vector.broadcast %add3A_507 : f32 to vector<400x128xf32>
        %add3A_509 = arith.addf %add3A_508, %tanh3A_506 : vector<400x128xf32>
        %mul3A_510 = arith.constant 5.000000e-01 : f32
        %mul3A_511 = vector.broadcast %mul3A_510 : f32 to vector<400x128xf32>
        %mul3A_512 = arith.mulf %mul3A_511, %add3A_509 : vector<400x128xf32>
        %mul3A_513 = arith.mulf %add3A_496, %mul3A_512 : vector<400x128xf32>
        %mul3A_514 = arith.mulf %mul3A_513, %convert_element_type3A_136 : vector<400x128xf32>
        %slice3A_515 = vector.extract_strided_slice %get3A_8 {offsets = [12, 0], sizes = [1, 32], strides = [1, 1]} : vector<16x32xf32> to vector<1x32xf32>
        %mul3A_516 = vector.broadcast %slice3A_515 : vector<1x32xf32> to vector<128x32xf32>
        %mul3A_517 = arith.mulf %get3A_111, %mul3A_516 : vector<128x32xf32>
        %dot_general3A_518 = arith.constant dense<0.000000e+00> : vector<400x32xf32>
        %dot_general3A_519 = tpu.matmul %mul3A_514, %mul3A_517, %dot_general3A_518 {dimension_numbers = #tpu.dot_dimension_numbers<[1], [0], [0], [1], [0, 0, 1, 1], [], []>, transpose_lhs_hint = false} : vector<400x128xf32>, vector<128x32xf32>, vector<400x32xf32> -> vector<400x32xf32>
        %add3A_520 = arith.addf %add3A_491, %dot_general3A_519 : vector<400x32xf32>
        %slice3A_521 = vector.extract_strided_slice %dot_general3A_5 {offsets = [0, 13], sizes = [400, 1], strides = [1, 1]} : vector<400x16xf32> to vector<400x1xf32>
        %slice3A_522 = vector.extract_strided_slice %add3A_143 {offsets = [13, 0], sizes = [1, 128], strides = [1, 1]} : vector<16x128xf32> to vector<1x128xf32>
        %add3A_523 = vector.broadcast %slice3A_521 : vector<400x1xf32> to vector<400x128xf32>
        %add3A_524 = vector.broadcast %slice3A_522 : vector<1x128xf32> to vector<400x128xf32>
        %add3A_525 = arith.addf %add3A_523, %add3A_524 : vector<400x128xf32>
        %integer_pow3A_526 = arith.mulf %add3A_525, %add3A_525 : vector<400x128xf32>
        %integer_pow3A_527 = arith.mulf %add3A_525, %integer_pow3A_526 : vector<400x128xf32>
        %mul3A_528 = arith.constant 4.471500e-02 : f32
        %mul3A_529 = vector.broadcast %mul3A_528 : f32 to vector<400x128xf32>
        %mul3A_530 = arith.mulf %mul3A_529, %integer_pow3A_527 : vector<400x128xf32>
        %add3A_531 = arith.addf %add3A_525, %mul3A_530 : vector<400x128xf32>
        %mul3A_532 = arith.constant 0.797884583 : f32
        %mul3A_533 = vector.broadcast %mul3A_532 : f32 to vector<400x128xf32>
        %mul3A_534 = arith.mulf %mul3A_533, %add3A_531 : vector<400x128xf32>
        %tanh3A_535 = math.tanh %mul3A_534 : vector<400x128xf32>
        %add3A_536 = arith.constant 1.000000e+00 : f32
        %add3A_537 = vector.broadcast %add3A_536 : f32 to vector<400x128xf32>
        %add3A_538 = arith.addf %add3A_537, %tanh3A_535 : vector<400x128xf32>
        %mul3A_539 = arith.constant 5.000000e-01 : f32
        %mul3A_540 = vector.broadcast %mul3A_539 : f32 to vector<400x128xf32>
        %mul3A_541 = arith.mulf %mul3A_540, %add3A_538 : vector<400x128xf32>
        %mul3A_542 = arith.mulf %add3A_525, %mul3A_541 : vector<400x128xf32>
        %mul3A_543 = arith.mulf %mul3A_542, %convert_element_type3A_136 : vector<400x128xf32>
        %slice3A_544 = vector.extract_strided_slice %get3A_8 {offsets = [13, 0], sizes = [1, 32], strides = [1, 1]} : vector<16x32xf32> to vector<1x32xf32>
        %mul3A_545 = vector.broadcast %slice3A_544 : vector<1x32xf32> to vector<128x32xf32>
        %mul3A_546 = arith.mulf %get3A_111, %mul3A_545 : vector<128x32xf32>
        %dot_general3A_547 = arith.constant dense<0.000000e+00> : vector<400x32xf32>
        %dot_general3A_548 = tpu.matmul %mul3A_543, %mul3A_546, %dot_general3A_547 {dimension_numbers = #tpu.dot_dimension_numbers<[1], [0], [0], [1], [0, 0, 1, 1], [], []>, transpose_lhs_hint = false} : vector<400x128xf32>, vector<128x32xf32>, vector<400x32xf32> -> vector<400x32xf32>
        %add3A_549 = arith.addf %add3A_520, %dot_general3A_548 : vector<400x32xf32>
        %slice3A_550 = vector.extract_strided_slice %dot_general3A_5 {offsets = [0, 14], sizes = [400, 1], strides = [1, 1]} : vector<400x16xf32> to vector<400x1xf32>
        %slice3A_551 = vector.extract_strided_slice %add3A_143 {offsets = [14, 0], sizes = [1, 128], strides = [1, 1]} : vector<16x128xf32> to vector<1x128xf32>
        %add3A_552 = vector.broadcast %slice3A_550 : vector<400x1xf32> to vector<400x128xf32>
        %add3A_553 = vector.broadcast %slice3A_551 : vector<1x128xf32> to vector<400x128xf32>
        %add3A_554 = arith.addf %add3A_552, %add3A_553 : vector<400x128xf32>
        %integer_pow3A_555 = arith.mulf %add3A_554, %add3A_554 : vector<400x128xf32>
        %integer_pow3A_556 = arith.mulf %add3A_554, %integer_pow3A_555 : vector<400x128xf32>
        %mul3A_557 = arith.constant 4.471500e-02 : f32
        %mul3A_558 = vector.broadcast %mul3A_557 : f32 to vector<400x128xf32>
        %mul3A_559 = arith.mulf %mul3A_558, %integer_pow3A_556 : vector<400x128xf32>
        %add3A_560 = arith.addf %add3A_554, %mul3A_559 : vector<400x128xf32>
        %mul3A_561 = arith.constant 0.797884583 : f32
        %mul3A_562 = vector.broadcast %mul3A_561 : f32 to vector<400x128xf32>
        %mul3A_563 = arith.mulf %mul3A_562, %add3A_560 : vector<400x128xf32>
        %tanh3A_564 = math.tanh %mul3A_563 : vector<400x128xf32>
        %add3A_565 = arith.constant 1.000000e+00 : f32
        %add3A_566 = vector.broadcast %add3A_565 : f32 to vector<400x128xf32>
        %add3A_567 = arith.addf %add3A_566, %tanh3A_564 : vector<400x128xf32>
        %mul3A_568 = arith.constant 5.000000e-01 : f32
        %mul3A_569 = vector.broadcast %mul3A_568 : f32 to vector<400x128xf32>
        %mul3A_570 = arith.mulf %mul3A_569, %add3A_567 : vector<400x128xf32>
        %mul3A_571 = arith.mulf %add3A_554, %mul3A_570 : vector<400x128xf32>
        %mul3A_572 = arith.mulf %mul3A_571, %convert_element_type3A_136 : vector<400x128xf32>
        %slice3A_573 = vector.extract_strided_slice %get3A_8 {offsets = [14, 0], sizes = [1, 32], strides = [1, 1]} : vector<16x32xf32> to vector<1x32xf32>
        %mul3A_574 = vector.broadcast %slice3A_573 : vector<1x32xf32> to vector<128x32xf32>
        %mul3A_575 = arith.mulf %get3A_111, %mul3A_574 : vector<128x32xf32>
        %dot_general3A_576 = arith.constant dense<0.000000e+00> : vector<400x32xf32>
        %dot_general3A_577 = tpu.matmul %mul3A_572, %mul3A_575, %dot_general3A_576 {dimension_numbers = #tpu.dot_dimension_numbers<[1], [0], [0], [1], [0, 0, 1, 1], [], []>, transpose_lhs_hint = false} : vector<400x128xf32>, vector<128x32xf32>, vector<400x32xf32> -> vector<400x32xf32>
        %add3A_578 = arith.addf %add3A_549, %dot_general3A_577 : vector<400x32xf32>
        %slice3A_579 = vector.extract_strided_slice %dot_general3A_5 {offsets = [0, 15], sizes = [400, 1], strides = [1, 1]} : vector<400x16xf32> to vector<400x1xf32>
        %slice3A_580 = vector.extract_strided_slice %add3A_143 {offsets = [15, 0], sizes = [1, 128], strides = [1, 1]} : vector<16x128xf32> to vector<1x128xf32>
        %add3A_581 = vector.broadcast %slice3A_579 : vector<400x1xf32> to vector<400x128xf32>
        %add3A_582 = vector.broadcast %slice3A_580 : vector<1x128xf32> to vector<400x128xf32>
        %add3A_583 = arith.addf %add3A_581, %add3A_582 : vector<400x128xf32>
        %integer_pow3A_584 = arith.mulf %add3A_583, %add3A_583 : vector<400x128xf32>
        %integer_pow3A_585 = arith.mulf %add3A_583, %integer_pow3A_584 : vector<400x128xf32>
        %mul3A_586 = arith.constant 4.471500e-02 : f32
        %mul3A_587 = vector.broadcast %mul3A_586 : f32 to vector<400x128xf32>
        %mul3A_588 = arith.mulf %mul3A_587, %integer_pow3A_585 : vector<400x128xf32>
        %add3A_589 = arith.addf %add3A_583, %mul3A_588 : vector<400x128xf32>
        %mul3A_590 = arith.constant 0.797884583 : f32
        %mul3A_591 = vector.broadcast %mul3A_590 : f32 to vector<400x128xf32>
        %mul3A_592 = arith.mulf %mul3A_591, %add3A_589 : vector<400x128xf32>
        %tanh3A_593 = math.tanh %mul3A_592 : vector<400x128xf32>
        %add3A_594 = arith.constant 1.000000e+00 : f32
        %add3A_595 = vector.broadcast %add3A_594 : f32 to vector<400x128xf32>
        %add3A_596 = arith.addf %add3A_595, %tanh3A_593 : vector<400x128xf32>
        %mul3A_597 = arith.constant 5.000000e-01 : f32
        %mul3A_598 = vector.broadcast %mul3A_597 : f32 to vector<400x128xf32>
        %mul3A_599 = arith.mulf %mul3A_598, %add3A_596 : vector<400x128xf32>
        %mul3A_600 = arith.mulf %add3A_583, %mul3A_599 : vector<400x128xf32>
        %mul3A_601 = arith.mulf %mul3A_600, %convert_element_type3A_136 : vector<400x128xf32>
        %slice3A_602 = vector.extract_strided_slice %get3A_8 {offsets = [15, 0], sizes = [1, 32], strides = [1, 1]} : vector<16x32xf32> to vector<1x32xf32>
        %mul3A_603 = vector.broadcast %slice3A_602 : vector<1x32xf32> to vector<128x32xf32>
        %mul3A_604 = arith.mulf %get3A_111, %mul3A_603 : vector<128x32xf32>
        %dot_general3A_605 = arith.constant dense<0.000000e+00> : vector<400x32xf32>
        %dot_general3A_606 = tpu.matmul %mul3A_601, %mul3A_604, %dot_general3A_605 {dimension_numbers = #tpu.dot_dimension_numbers<[1], [0], [0], [1], [0, 0, 1, 1], [], []>, transpose_lhs_hint = false} : vector<400x128xf32>, vector<128x32xf32>, vector<400x32xf32> -> vector<400x32xf32>
        %add3A_607 = arith.addf %add3A_578, %dot_general3A_606 : vector<400x32xf32>
        %mul3A_608 = vector.broadcast %get3A_11 : vector<1x32xf32> to vector<128x32xf32>
        %mul3A_609 = arith.mulf %get3A_111, %mul3A_608 : vector<128x32xf32>
        %dot_general3A_610 = arith.constant dense<0.000000e+00> : vector<400x32xf32>
        %dot_general3A_611 = tpu.matmul %convert_element_type3A_136, %mul3A_609, %dot_general3A_610 {dimension_numbers = #tpu.dot_dimension_numbers<[1], [0], [0], [1], [0, 0, 1, 1], [], []>, transpose_lhs_hint = false} : vector<400x128xf32>, vector<128x32xf32>, vector<400x32xf32> -> vector<400x32xf32>
        %add3A_612 = arith.addf %add3A_607, %dot_general3A_611 : vector<400x32xf32>
        scf.yield %add3A_612, %add3A_139 : vector<400x32xf32>, vector<400x1xf32>
      }
      scf.yield %while3A_100#0, %while3A_100#1 : vector<400x32xf32>, vector<400x1xf32>
    }
    %while3A_35 = arith.constant 1 : i32
    %while3A_36:2 = scf.for %while3A_75 = %while3A_32 to %while3A_28 step %while3A_35 iter_args(%while3A_76 = %while3A_34#0, %while3A_77 = %while3A_34#1) -> (vector<400x32xf32>, vector<400x1xf32>)  : i32 {
      %get3A_78 = arith.index_cast %arg0 : i32 to index
      %get3A_79 = arith.index_cast %while3A_75 : i32 to index
      %get3A_80 = memref.load %arg1[%get3A_78, %get3A_79] : memref<125x30xi32, #tpu.memory_space<smem>>
      %get3A_81 = arith.index_cast %arg0 : i32 to index
      %get3A_82 = arith.index_cast %while3A_75 : i32 to index
      %get3A_83 = memref.load %arg2[%get3A_81, %get3A_82] : memref<125x30xi32, #tpu.memory_space<smem>>
      %get3A_84 = arith.index_cast %arg0 : i32 to index
      %get3A_85 = arith.index_cast %while3A_75 : i32 to index
      %get3A_86 = memref.load %arg3[%get3A_84, %get3A_85] : memref<125x30xi32, #tpu.memory_space<smem>>
      %get3A_87 = arith.index_cast %arg0 : i32 to index
      %get3A_88 = arith.index_cast %while3A_75 : i32 to index
      %get3A_89 = memref.load %arg4[%get3A_87, %get3A_88] : memref<125x30xi32, #tpu.memory_space<smem>>
      %while3A_90 = arith.constant 0 : i32
      %while3A_91 = arith.subi %get3A_89, %while3A_90 : i32
      %while3A_92 = arith.addi %while3A_90, %while3A_91 : i32
      %while3A_93 = arith.constant 1 : i32
      %while3A_94 = arith.divsi %while3A_91, %while3A_93 : i32
      %while3A_95 = arith.muli %while3A_94, %while3A_93 : i32
      %while3A_96 = arith.addi %while3A_90, %while3A_95 : i32
      %while3A_97 = arith.constant 1 : i32
      %while3A_98:2 = scf.for %while3A_101 = %while3A_90 to %while3A_96 step %while3A_97 iter_args(%while3A_102 = %while3A_76, %while3A_103 = %while3A_77) -> (vector<400x32xf32>, vector<400x1xf32>)  : i32 {
        %mul3A_104 = arith.constant 16 : i32
        %mul3A_105 = arith.muli %while3A_101, %mul3A_104 : i32
        %add3A_106 = arith.addi %get3A_86, %mul3A_105 : i32
        %mul3A_107 = arith.constant 8 : i32
        %mul3A_108 = arith.muli %add3A_106, %mul3A_107 : i32
        %get3A_109 = arith.index_cast %mul3A_108 : i32 to index
        %get3A_110 = arith.constant 0 : index
        %get3A_111 = vector.load %arg7[%get3A_109, %get3A_110] : memref<10128x32xf32, #tpu.memory_space<vmem>>, vector<128x32xf32>
        %get3A_112 = arith.index_cast %mul3A_108 : i32 to index
        %get3A_113 = arith.constant 0 : index
        %get3A_114 = vector.load %arg8[%get3A_112, %get3A_113] : memref<10128x8xf32, #tpu.memory_space<vmem>>, vector<128x2xf32>
        %dot_general3A_115 = arith.constant dense<0.000000e+00> : vector<18x128xf32>
        %dot_general3A_116 = tpu.matmul %concatenate3A, %get3A_114, %dot_general3A_115 {dimension_numbers = #tpu.dot_dimension_numbers<[1], [1], [0], [0], [0, 0, 1, 0], [], []>, precision = #tpu.contract_precision<fp32>, transpose_lhs_hint = false} : vector<18x2xf32>, vector<128x2xf32>, vector<18x128xf32> -> vector<18x128xf32>
        %add3A_117 = vector.broadcast %mul3A_108 : i32 to vector<1x128xi32>
        %add3A_118 = arith.addi %iota3A_21, %add3A_117 : vector<1x128xi32>
        %ge3A = vector.broadcast %get3A_80 : i32 to vector<1x128xi32>
        %ge3A_119 = arith.cmpi sge, %add3A_118, %ge3A : vector<1x128xi32>
        %lt3A = vector.broadcast %get3A_83 : i32 to vector<1x128xi32>
        %lt3A_120 = arith.cmpi slt, %add3A_118, %lt3A : vector<1x128xi32>
        %and3A = arith.andi %ge3A_119, %lt3A_120 : vector<1x128xi1>
        %slice3A_121 = vector.extract_strided_slice %dot_general3A_116 {offsets = [0, 0], sizes = [1, 128], strides = [1, 1]} : vector<18x128xf32> to vector<1x128xf32>
        %sub3A = vector.broadcast %slice3A : vector<400x1xf32> to vector<400x128xf32>
        %sub3A_122 = vector.broadcast %slice3A_121 : vector<1x128xf32> to vector<400x128xf32>
        %sub3A_123 = arith.subf %sub3A, %sub3A_122 : vector<400x128xf32>
        %slice3A_124 = vector.extract_strided_slice %dot_general3A_116 {offsets = [1, 0], sizes = [1, 128], strides = [1, 1]} : vector<18x128xf32> to vector<1x128xf32>
        %sub3A_125 = vector.broadcast %slice3A_20 : vector<400x1xf32> to vector<400x128xf32>
        %sub3A_126 = vector.broadcast %slice3A_124 : vector<1x128xf32> to vector<400x128xf32>
        %sub3A_127 = arith.subf %sub3A_125, %sub3A_126 : vector<400x128xf32>
        %mul3A_128 = arith.mulf %sub3A_123, %sub3A_123 : vector<400x128xf32>
        %mul3A_129 = arith.mulf %sub3A_127, %sub3A_127 : vector<400x128xf32>
        %add3A_130 = arith.addf %mul3A_128, %mul3A_129 : vector<400x128xf32>
        %le3A = arith.constant 1.089000e-03 : f32
        %le3A_131 = vector.broadcast %le3A : f32 to vector<400x128xf32>
        %le3A_132 = arith.cmpf ole, %add3A_130, %le3A_131 : vector<400x128xf32>
        %and3A_133 = vector.broadcast %and3A : vector<1x128xi1> to vector<400x128xi1>
        %and3A_134 = arith.andi %le3A_132, %and3A_133 : vector<400x128xi1>
        %convert_element_type3A_135 = arith.extui %and3A_134 : vector<400x128xi1> to vector<400x128xi32>
        %convert_element_type3A_136 = arith.sitofp %convert_element_type3A_135 : vector<400x128xi32> to vector<400x128xf32>
        %reduce_sum3A = arith.constant dense<0.000000e+00> : vector<400xf32>
        %reduce_sum3A_137 = vector.multi_reduction <add>, %convert_element_type3A_136, %reduce_sum3A [1] : vector<400x128xf32> to vector<400xf32>
        %broadcast_in_dim3A_138 = vector.shape_cast %reduce_sum3A_137 : vector<400xf32> to vector<400x1xf32>
        %add3A_139 = arith.addf %while3A_103, %broadcast_in_dim3A_138 : vector<400x1xf32>
        %slice3A_140 = vector.extract_strided_slice %dot_general3A_116 {offsets = [2, 0], sizes = [16, 128], strides = [1, 1]} : vector<18x128xf32> to vector<16x128xf32>
        %transpose3A_141 = tpu.transpose %get3A_14, [1, 0] : vector<1x16xf32> -> vector<16x1xf32>
        %add3A_142 = vector.broadcast %transpose3A_141 : vector<16x1xf32> to vector<16x128xf32>
        %add3A_143 = arith.addf %slice3A_140, %add3A_142 : vector<16x128xf32>
        %slice3A_144 = vector.extract_strided_slice %dot_general3A_5 {offsets = [0, 0], sizes = [400, 1], strides = [1, 1]} : vector<400x16xf32> to vector<400x1xf32>
        %slice3A_145 = vector.extract_strided_slice %add3A_143 {offsets = [0, 0], sizes = [1, 128], strides = [1, 1]} : vector<16x128xf32> to vector<1x128xf32>
        %add3A_146 = vector.broadcast %slice3A_144 : vector<400x1xf32> to vector<400x128xf32>
        %add3A_147 = vector.broadcast %slice3A_145 : vector<1x128xf32> to vector<400x128xf32>
        %add3A_148 = arith.addf %add3A_146, %add3A_147 : vector<400x128xf32>
        %integer_pow3A_149 = arith.mulf %add3A_148, %add3A_148 : vector<400x128xf32>
        %integer_pow3A_150 = arith.mulf %add3A_148, %integer_pow3A_149 : vector<400x128xf32>
        %mul3A_151 = arith.constant 4.471500e-02 : f32
        %mul3A_152 = vector.broadcast %mul3A_151 : f32 to vector<400x128xf32>
        %mul3A_153 = arith.mulf %mul3A_152, %integer_pow3A_150 : vector<400x128xf32>
        %add3A_154 = arith.addf %add3A_148, %mul3A_153 : vector<400x128xf32>
        %mul3A_155 = arith.constant 0.797884583 : f32
        %mul3A_156 = vector.broadcast %mul3A_155 : f32 to vector<400x128xf32>
        %mul3A_157 = arith.mulf %mul3A_156, %add3A_154 : vector<400x128xf32>
        %tanh3A_158 = math.tanh %mul3A_157 : vector<400x128xf32>
        %add3A_159 = arith.constant 1.000000e+00 : f32
        %add3A_160 = vector.broadcast %add3A_159 : f32 to vector<400x128xf32>
        %add3A_161 = arith.addf %add3A_160, %tanh3A_158 : vector<400x128xf32>
        %mul3A_162 = arith.constant 5.000000e-01 : f32
        %mul3A_163 = vector.broadcast %mul3A_162 : f32 to vector<400x128xf32>
        %mul3A_164 = arith.mulf %mul3A_163, %add3A_161 : vector<400x128xf32>
        %mul3A_165 = arith.mulf %add3A_148, %mul3A_164 : vector<400x128xf32>
        %mul3A_166 = arith.mulf %mul3A_165, %convert_element_type3A_136 : vector<400x128xf32>
        %slice3A_167 = vector.extract_strided_slice %get3A_8 {offsets = [0, 0], sizes = [1, 32], strides = [1, 1]} : vector<16x32xf32> to vector<1x32xf32>
        %mul3A_168 = vector.broadcast %slice3A_167 : vector<1x32xf32> to vector<128x32xf32>
        %mul3A_169 = arith.mulf %get3A_111, %mul3A_168 : vector<128x32xf32>
        %dot_general3A_170 = arith.constant dense<0.000000e+00> : vector<400x32xf32>
        %dot_general3A_171 = tpu.matmul %mul3A_166, %mul3A_169, %dot_general3A_170 {dimension_numbers = #tpu.dot_dimension_numbers<[1], [0], [0], [1], [0, 0, 1, 1], [], []>, transpose_lhs_hint = false} : vector<400x128xf32>, vector<128x32xf32>, vector<400x32xf32> -> vector<400x32xf32>
        %add3A_172 = arith.addf %while3A_102, %dot_general3A_171 : vector<400x32xf32>
        %slice3A_173 = vector.extract_strided_slice %dot_general3A_5 {offsets = [0, 1], sizes = [400, 1], strides = [1, 1]} : vector<400x16xf32> to vector<400x1xf32>
        %slice3A_174 = vector.extract_strided_slice %add3A_143 {offsets = [1, 0], sizes = [1, 128], strides = [1, 1]} : vector<16x128xf32> to vector<1x128xf32>
        %add3A_175 = vector.broadcast %slice3A_173 : vector<400x1xf32> to vector<400x128xf32>
        %add3A_176 = vector.broadcast %slice3A_174 : vector<1x128xf32> to vector<400x128xf32>
        %add3A_177 = arith.addf %add3A_175, %add3A_176 : vector<400x128xf32>
        %integer_pow3A_178 = arith.mulf %add3A_177, %add3A_177 : vector<400x128xf32>
        %integer_pow3A_179 = arith.mulf %add3A_177, %integer_pow3A_178 : vector<400x128xf32>
        %mul3A_180 = arith.constant 4.471500e-02 : f32
        %mul3A_181 = vector.broadcast %mul3A_180 : f32 to vector<400x128xf32>
        %mul3A_182 = arith.mulf %mul3A_181, %integer_pow3A_179 : vector<400x128xf32>
        %add3A_183 = arith.addf %add3A_177, %mul3A_182 : vector<400x128xf32>
        %mul3A_184 = arith.constant 0.797884583 : f32
        %mul3A_185 = vector.broadcast %mul3A_184 : f32 to vector<400x128xf32>
        %mul3A_186 = arith.mulf %mul3A_185, %add3A_183 : vector<400x128xf32>
        %tanh3A_187 = math.tanh %mul3A_186 : vector<400x128xf32>
        %add3A_188 = arith.constant 1.000000e+00 : f32
        %add3A_189 = vector.broadcast %add3A_188 : f32 to vector<400x128xf32>
        %add3A_190 = arith.addf %add3A_189, %tanh3A_187 : vector<400x128xf32>
        %mul3A_191 = arith.constant 5.000000e-01 : f32
        %mul3A_192 = vector.broadcast %mul3A_191 : f32 to vector<400x128xf32>
        %mul3A_193 = arith.mulf %mul3A_192, %add3A_190 : vector<400x128xf32>
        %mul3A_194 = arith.mulf %add3A_177, %mul3A_193 : vector<400x128xf32>
        %mul3A_195 = arith.mulf %mul3A_194, %convert_element_type3A_136 : vector<400x128xf32>
        %slice3A_196 = vector.extract_strided_slice %get3A_8 {offsets = [1, 0], sizes = [1, 32], strides = [1, 1]} : vector<16x32xf32> to vector<1x32xf32>
        %mul3A_197 = vector.broadcast %slice3A_196 : vector<1x32xf32> to vector<128x32xf32>
        %mul3A_198 = arith.mulf %get3A_111, %mul3A_197 : vector<128x32xf32>
        %dot_general3A_199 = arith.constant dense<0.000000e+00> : vector<400x32xf32>
        %dot_general3A_200 = tpu.matmul %mul3A_195, %mul3A_198, %dot_general3A_199 {dimension_numbers = #tpu.dot_dimension_numbers<[1], [0], [0], [1], [0, 0, 1, 1], [], []>, transpose_lhs_hint = false} : vector<400x128xf32>, vector<128x32xf32>, vector<400x32xf32> -> vector<400x32xf32>
        %add3A_201 = arith.addf %add3A_172, %dot_general3A_200 : vector<400x32xf32>
        %slice3A_202 = vector.extract_strided_slice %dot_general3A_5 {offsets = [0, 2], sizes = [400, 1], strides = [1, 1]} : vector<400x16xf32> to vector<400x1xf32>
        %slice3A_203 = vector.extract_strided_slice %add3A_143 {offsets = [2, 0], sizes = [1, 128], strides = [1, 1]} : vector<16x128xf32> to vector<1x128xf32>
        %add3A_204 = vector.broadcast %slice3A_202 : vector<400x1xf32> to vector<400x128xf32>
        %add3A_205 = vector.broadcast %slice3A_203 : vector<1x128xf32> to vector<400x128xf32>
        %add3A_206 = arith.addf %add3A_204, %add3A_205 : vector<400x128xf32>
        %integer_pow3A_207 = arith.mulf %add3A_206, %add3A_206 : vector<400x128xf32>
        %integer_pow3A_208 = arith.mulf %add3A_206, %integer_pow3A_207 : vector<400x128xf32>
        %mul3A_209 = arith.constant 4.471500e-02 : f32
        %mul3A_210 = vector.broadcast %mul3A_209 : f32 to vector<400x128xf32>
        %mul3A_211 = arith.mulf %mul3A_210, %integer_pow3A_208 : vector<400x128xf32>
        %add3A_212 = arith.addf %add3A_206, %mul3A_211 : vector<400x128xf32>
        %mul3A_213 = arith.constant 0.797884583 : f32
        %mul3A_214 = vector.broadcast %mul3A_213 : f32 to vector<400x128xf32>
        %mul3A_215 = arith.mulf %mul3A_214, %add3A_212 : vector<400x128xf32>
        %tanh3A_216 = math.tanh %mul3A_215 : vector<400x128xf32>
        %add3A_217 = arith.constant 1.000000e+00 : f32
        %add3A_218 = vector.broadcast %add3A_217 : f32 to vector<400x128xf32>
        %add3A_219 = arith.addf %add3A_218, %tanh3A_216 : vector<400x128xf32>
        %mul3A_220 = arith.constant 5.000000e-01 : f32
        %mul3A_221 = vector.broadcast %mul3A_220 : f32 to vector<400x128xf32>
        %mul3A_222 = arith.mulf %mul3A_221, %add3A_219 : vector<400x128xf32>
        %mul3A_223 = arith.mulf %add3A_206, %mul3A_222 : vector<400x128xf32>
        %mul3A_224 = arith.mulf %mul3A_223, %convert_element_type3A_136 : vector<400x128xf32>
        %slice3A_225 = vector.extract_strided_slice %get3A_8 {offsets = [2, 0], sizes = [1, 32], strides = [1, 1]} : vector<16x32xf32> to vector<1x32xf32>
        %mul3A_226 = vector.broadcast %slice3A_225 : vector<1x32xf32> to vector<128x32xf32>
        %mul3A_227 = arith.mulf %get3A_111, %mul3A_226 : vector<128x32xf32>
        %dot_general3A_228 = arith.constant dense<0.000000e+00> : vector<400x32xf32>
        %dot_general3A_229 = tpu.matmul %mul3A_224, %mul3A_227, %dot_general3A_228 {dimension_numbers = #tpu.dot_dimension_numbers<[1], [0], [0], [1], [0, 0, 1, 1], [], []>, transpose_lhs_hint = false} : vector<400x128xf32>, vector<128x32xf32>, vector<400x32xf32> -> vector<400x32xf32>
        %add3A_230 = arith.addf %add3A_201, %dot_general3A_229 : vector<400x32xf32>
        %slice3A_231 = vector.extract_strided_slice %dot_general3A_5 {offsets = [0, 3], sizes = [400, 1], strides = [1, 1]} : vector<400x16xf32> to vector<400x1xf32>
        %slice3A_232 = vector.extract_strided_slice %add3A_143 {offsets = [3, 0], sizes = [1, 128], strides = [1, 1]} : vector<16x128xf32> to vector<1x128xf32>
        %add3A_233 = vector.broadcast %slice3A_231 : vector<400x1xf32> to vector<400x128xf32>
        %add3A_234 = vector.broadcast %slice3A_232 : vector<1x128xf32> to vector<400x128xf32>
        %add3A_235 = arith.addf %add3A_233, %add3A_234 : vector<400x128xf32>
        %integer_pow3A_236 = arith.mulf %add3A_235, %add3A_235 : vector<400x128xf32>
        %integer_pow3A_237 = arith.mulf %add3A_235, %integer_pow3A_236 : vector<400x128xf32>
        %mul3A_238 = arith.constant 4.471500e-02 : f32
        %mul3A_239 = vector.broadcast %mul3A_238 : f32 to vector<400x128xf32>
        %mul3A_240 = arith.mulf %mul3A_239, %integer_pow3A_237 : vector<400x128xf32>
        %add3A_241 = arith.addf %add3A_235, %mul3A_240 : vector<400x128xf32>
        %mul3A_242 = arith.constant 0.797884583 : f32
        %mul3A_243 = vector.broadcast %mul3A_242 : f32 to vector<400x128xf32>
        %mul3A_244 = arith.mulf %mul3A_243, %add3A_241 : vector<400x128xf32>
        %tanh3A_245 = math.tanh %mul3A_244 : vector<400x128xf32>
        %add3A_246 = arith.constant 1.000000e+00 : f32
        %add3A_247 = vector.broadcast %add3A_246 : f32 to vector<400x128xf32>
        %add3A_248 = arith.addf %add3A_247, %tanh3A_245 : vector<400x128xf32>
        %mul3A_249 = arith.constant 5.000000e-01 : f32
        %mul3A_250 = vector.broadcast %mul3A_249 : f32 to vector<400x128xf32>
        %mul3A_251 = arith.mulf %mul3A_250, %add3A_248 : vector<400x128xf32>
        %mul3A_252 = arith.mulf %add3A_235, %mul3A_251 : vector<400x128xf32>
        %mul3A_253 = arith.mulf %mul3A_252, %convert_element_type3A_136 : vector<400x128xf32>
        %slice3A_254 = vector.extract_strided_slice %get3A_8 {offsets = [3, 0], sizes = [1, 32], strides = [1, 1]} : vector<16x32xf32> to vector<1x32xf32>
        %mul3A_255 = vector.broadcast %slice3A_254 : vector<1x32xf32> to vector<128x32xf32>
        %mul3A_256 = arith.mulf %get3A_111, %mul3A_255 : vector<128x32xf32>
        %dot_general3A_257 = arith.constant dense<0.000000e+00> : vector<400x32xf32>
        %dot_general3A_258 = tpu.matmul %mul3A_253, %mul3A_256, %dot_general3A_257 {dimension_numbers = #tpu.dot_dimension_numbers<[1], [0], [0], [1], [0, 0, 1, 1], [], []>, transpose_lhs_hint = false} : vector<400x128xf32>, vector<128x32xf32>, vector<400x32xf32> -> vector<400x32xf32>
        %add3A_259 = arith.addf %add3A_230, %dot_general3A_258 : vector<400x32xf32>
        %slice3A_260 = vector.extract_strided_slice %dot_general3A_5 {offsets = [0, 4], sizes = [400, 1], strides = [1, 1]} : vector<400x16xf32> to vector<400x1xf32>
        %slice3A_261 = vector.extract_strided_slice %add3A_143 {offsets = [4, 0], sizes = [1, 128], strides = [1, 1]} : vector<16x128xf32> to vector<1x128xf32>
        %add3A_262 = vector.broadcast %slice3A_260 : vector<400x1xf32> to vector<400x128xf32>
        %add3A_263 = vector.broadcast %slice3A_261 : vector<1x128xf32> to vector<400x128xf32>
        %add3A_264 = arith.addf %add3A_262, %add3A_263 : vector<400x128xf32>
        %integer_pow3A_265 = arith.mulf %add3A_264, %add3A_264 : vector<400x128xf32>
        %integer_pow3A_266 = arith.mulf %add3A_264, %integer_pow3A_265 : vector<400x128xf32>
        %mul3A_267 = arith.constant 4.471500e-02 : f32
        %mul3A_268 = vector.broadcast %mul3A_267 : f32 to vector<400x128xf32>
        %mul3A_269 = arith.mulf %mul3A_268, %integer_pow3A_266 : vector<400x128xf32>
        %add3A_270 = arith.addf %add3A_264, %mul3A_269 : vector<400x128xf32>
        %mul3A_271 = arith.constant 0.797884583 : f32
        %mul3A_272 = vector.broadcast %mul3A_271 : f32 to vector<400x128xf32>
        %mul3A_273 = arith.mulf %mul3A_272, %add3A_270 : vector<400x128xf32>
        %tanh3A_274 = math.tanh %mul3A_273 : vector<400x128xf32>
        %add3A_275 = arith.constant 1.000000e+00 : f32
        %add3A_276 = vector.broadcast %add3A_275 : f32 to vector<400x128xf32>
        %add3A_277 = arith.addf %add3A_276, %tanh3A_274 : vector<400x128xf32>
        %mul3A_278 = arith.constant 5.000000e-01 : f32
        %mul3A_279 = vector.broadcast %mul3A_278 : f32 to vector<400x128xf32>
        %mul3A_280 = arith.mulf %mul3A_279, %add3A_277 : vector<400x128xf32>
        %mul3A_281 = arith.mulf %add3A_264, %mul3A_280 : vector<400x128xf32>
        %mul3A_282 = arith.mulf %mul3A_281, %convert_element_type3A_136 : vector<400x128xf32>
        %slice3A_283 = vector.extract_strided_slice %get3A_8 {offsets = [4, 0], sizes = [1, 32], strides = [1, 1]} : vector<16x32xf32> to vector<1x32xf32>
        %mul3A_284 = vector.broadcast %slice3A_283 : vector<1x32xf32> to vector<128x32xf32>
        %mul3A_285 = arith.mulf %get3A_111, %mul3A_284 : vector<128x32xf32>
        %dot_general3A_286 = arith.constant dense<0.000000e+00> : vector<400x32xf32>
        %dot_general3A_287 = tpu.matmul %mul3A_282, %mul3A_285, %dot_general3A_286 {dimension_numbers = #tpu.dot_dimension_numbers<[1], [0], [0], [1], [0, 0, 1, 1], [], []>, transpose_lhs_hint = false} : vector<400x128xf32>, vector<128x32xf32>, vector<400x32xf32> -> vector<400x32xf32>
        %add3A_288 = arith.addf %add3A_259, %dot_general3A_287 : vector<400x32xf32>
        %slice3A_289 = vector.extract_strided_slice %dot_general3A_5 {offsets = [0, 5], sizes = [400, 1], strides = [1, 1]} : vector<400x16xf32> to vector<400x1xf32>
        %slice3A_290 = vector.extract_strided_slice %add3A_143 {offsets = [5, 0], sizes = [1, 128], strides = [1, 1]} : vector<16x128xf32> to vector<1x128xf32>
        %add3A_291 = vector.broadcast %slice3A_289 : vector<400x1xf32> to vector<400x128xf32>
        %add3A_292 = vector.broadcast %slice3A_290 : vector<1x128xf32> to vector<400x128xf32>
        %add3A_293 = arith.addf %add3A_291, %add3A_292 : vector<400x128xf32>
        %integer_pow3A_294 = arith.mulf %add3A_293, %add3A_293 : vector<400x128xf32>
        %integer_pow3A_295 = arith.mulf %add3A_293, %integer_pow3A_294 : vector<400x128xf32>
        %mul3A_296 = arith.constant 4.471500e-02 : f32
        %mul3A_297 = vector.broadcast %mul3A_296 : f32 to vector<400x128xf32>
        %mul3A_298 = arith.mulf %mul3A_297, %integer_pow3A_295 : vector<400x128xf32>
        %add3A_299 = arith.addf %add3A_293, %mul3A_298 : vector<400x128xf32>
        %mul3A_300 = arith.constant 0.797884583 : f32
        %mul3A_301 = vector.broadcast %mul3A_300 : f32 to vector<400x128xf32>
        %mul3A_302 = arith.mulf %mul3A_301, %add3A_299 : vector<400x128xf32>
        %tanh3A_303 = math.tanh %mul3A_302 : vector<400x128xf32>
        %add3A_304 = arith.constant 1.000000e+00 : f32
        %add3A_305 = vector.broadcast %add3A_304 : f32 to vector<400x128xf32>
        %add3A_306 = arith.addf %add3A_305, %tanh3A_303 : vector<400x128xf32>
        %mul3A_307 = arith.constant 5.000000e-01 : f32
        %mul3A_308 = vector.broadcast %mul3A_307 : f32 to vector<400x128xf32>
        %mul3A_309 = arith.mulf %mul3A_308, %add3A_306 : vector<400x128xf32>
        %mul3A_310 = arith.mulf %add3A_293, %mul3A_309 : vector<400x128xf32>
        %mul3A_311 = arith.mulf %mul3A_310, %convert_element_type3A_136 : vector<400x128xf32>
        %slice3A_312 = vector.extract_strided_slice %get3A_8 {offsets = [5, 0], sizes = [1, 32], strides = [1, 1]} : vector<16x32xf32> to vector<1x32xf32>
        %mul3A_313 = vector.broadcast %slice3A_312 : vector<1x32xf32> to vector<128x32xf32>
        %mul3A_314 = arith.mulf %get3A_111, %mul3A_313 : vector<128x32xf32>
        %dot_general3A_315 = arith.constant dense<0.000000e+00> : vector<400x32xf32>
        %dot_general3A_316 = tpu.matmul %mul3A_311, %mul3A_314, %dot_general3A_315 {dimension_numbers = #tpu.dot_dimension_numbers<[1], [0], [0], [1], [0, 0, 1, 1], [], []>, transpose_lhs_hint = false} : vector<400x128xf32>, vector<128x32xf32>, vector<400x32xf32> -> vector<400x32xf32>
        %add3A_317 = arith.addf %add3A_288, %dot_general3A_316 : vector<400x32xf32>
        %slice3A_318 = vector.extract_strided_slice %dot_general3A_5 {offsets = [0, 6], sizes = [400, 1], strides = [1, 1]} : vector<400x16xf32> to vector<400x1xf32>
        %slice3A_319 = vector.extract_strided_slice %add3A_143 {offsets = [6, 0], sizes = [1, 128], strides = [1, 1]} : vector<16x128xf32> to vector<1x128xf32>
        %add3A_320 = vector.broadcast %slice3A_318 : vector<400x1xf32> to vector<400x128xf32>
        %add3A_321 = vector.broadcast %slice3A_319 : vector<1x128xf32> to vector<400x128xf32>
        %add3A_322 = arith.addf %add3A_320, %add3A_321 : vector<400x128xf32>
        %integer_pow3A_323 = arith.mulf %add3A_322, %add3A_322 : vector<400x128xf32>
        %integer_pow3A_324 = arith.mulf %add3A_322, %integer_pow3A_323 : vector<400x128xf32>
        %mul3A_325 = arith.constant 4.471500e-02 : f32
        %mul3A_326 = vector.broadcast %mul3A_325 : f32 to vector<400x128xf32>
        %mul3A_327 = arith.mulf %mul3A_326, %integer_pow3A_324 : vector<400x128xf32>
        %add3A_328 = arith.addf %add3A_322, %mul3A_327 : vector<400x128xf32>
        %mul3A_329 = arith.constant 0.797884583 : f32
        %mul3A_330 = vector.broadcast %mul3A_329 : f32 to vector<400x128xf32>
        %mul3A_331 = arith.mulf %mul3A_330, %add3A_328 : vector<400x128xf32>
        %tanh3A_332 = math.tanh %mul3A_331 : vector<400x128xf32>
        %add3A_333 = arith.constant 1.000000e+00 : f32
        %add3A_334 = vector.broadcast %add3A_333 : f32 to vector<400x128xf32>
        %add3A_335 = arith.addf %add3A_334, %tanh3A_332 : vector<400x128xf32>
        %mul3A_336 = arith.constant 5.000000e-01 : f32
        %mul3A_337 = vector.broadcast %mul3A_336 : f32 to vector<400x128xf32>
        %mul3A_338 = arith.mulf %mul3A_337, %add3A_335 : vector<400x128xf32>
        %mul3A_339 = arith.mulf %add3A_322, %mul3A_338 : vector<400x128xf32>
        %mul3A_340 = arith.mulf %mul3A_339, %convert_element_type3A_136 : vector<400x128xf32>
        %slice3A_341 = vector.extract_strided_slice %get3A_8 {offsets = [6, 0], sizes = [1, 32], strides = [1, 1]} : vector<16x32xf32> to vector<1x32xf32>
        %mul3A_342 = vector.broadcast %slice3A_341 : vector<1x32xf32> to vector<128x32xf32>
        %mul3A_343 = arith.mulf %get3A_111, %mul3A_342 : vector<128x32xf32>
        %dot_general3A_344 = arith.constant dense<0.000000e+00> : vector<400x32xf32>
        %dot_general3A_345 = tpu.matmul %mul3A_340, %mul3A_343, %dot_general3A_344 {dimension_numbers = #tpu.dot_dimension_numbers<[1], [0], [0], [1], [0, 0, 1, 1], [], []>, transpose_lhs_hint = false} : vector<400x128xf32>, vector<128x32xf32>, vector<400x32xf32> -> vector<400x32xf32>
        %add3A_346 = arith.addf %add3A_317, %dot_general3A_345 : vector<400x32xf32>
        %slice3A_347 = vector.extract_strided_slice %dot_general3A_5 {offsets = [0, 7], sizes = [400, 1], strides = [1, 1]} : vector<400x16xf32> to vector<400x1xf32>
        %slice3A_348 = vector.extract_strided_slice %add3A_143 {offsets = [7, 0], sizes = [1, 128], strides = [1, 1]} : vector<16x128xf32> to vector<1x128xf32>
        %add3A_349 = vector.broadcast %slice3A_347 : vector<400x1xf32> to vector<400x128xf32>
        %add3A_350 = vector.broadcast %slice3A_348 : vector<1x128xf32> to vector<400x128xf32>
        %add3A_351 = arith.addf %add3A_349, %add3A_350 : vector<400x128xf32>
        %integer_pow3A_352 = arith.mulf %add3A_351, %add3A_351 : vector<400x128xf32>
        %integer_pow3A_353 = arith.mulf %add3A_351, %integer_pow3A_352 : vector<400x128xf32>
        %mul3A_354 = arith.constant 4.471500e-02 : f32
        %mul3A_355 = vector.broadcast %mul3A_354 : f32 to vector<400x128xf32>
        %mul3A_356 = arith.mulf %mul3A_355, %integer_pow3A_353 : vector<400x128xf32>
        %add3A_357 = arith.addf %add3A_351, %mul3A_356 : vector<400x128xf32>
        %mul3A_358 = arith.constant 0.797884583 : f32
        %mul3A_359 = vector.broadcast %mul3A_358 : f32 to vector<400x128xf32>
        %mul3A_360 = arith.mulf %mul3A_359, %add3A_357 : vector<400x128xf32>
        %tanh3A_361 = math.tanh %mul3A_360 : vector<400x128xf32>
        %add3A_362 = arith.constant 1.000000e+00 : f32
        %add3A_363 = vector.broadcast %add3A_362 : f32 to vector<400x128xf32>
        %add3A_364 = arith.addf %add3A_363, %tanh3A_361 : vector<400x128xf32>
        %mul3A_365 = arith.constant 5.000000e-01 : f32
        %mul3A_366 = vector.broadcast %mul3A_365 : f32 to vector<400x128xf32>
        %mul3A_367 = arith.mulf %mul3A_366, %add3A_364 : vector<400x128xf32>
        %mul3A_368 = arith.mulf %add3A_351, %mul3A_367 : vector<400x128xf32>
        %mul3A_369 = arith.mulf %mul3A_368, %convert_element_type3A_136 : vector<400x128xf32>
        %slice3A_370 = vector.extract_strided_slice %get3A_8 {offsets = [7, 0], sizes = [1, 32], strides = [1, 1]} : vector<16x32xf32> to vector<1x32xf32>
        %mul3A_371 = vector.broadcast %slice3A_370 : vector<1x32xf32> to vector<128x32xf32>
        %mul3A_372 = arith.mulf %get3A_111, %mul3A_371 : vector<128x32xf32>
        %dot_general3A_373 = arith.constant dense<0.000000e+00> : vector<400x32xf32>
        %dot_general3A_374 = tpu.matmul %mul3A_369, %mul3A_372, %dot_general3A_373 {dimension_numbers = #tpu.dot_dimension_numbers<[1], [0], [0], [1], [0, 0, 1, 1], [], []>, transpose_lhs_hint = false} : vector<400x128xf32>, vector<128x32xf32>, vector<400x32xf32> -> vector<400x32xf32>
        %add3A_375 = arith.addf %add3A_346, %dot_general3A_374 : vector<400x32xf32>
        %slice3A_376 = vector.extract_strided_slice %dot_general3A_5 {offsets = [0, 8], sizes = [400, 1], strides = [1, 1]} : vector<400x16xf32> to vector<400x1xf32>
        %slice3A_377 = vector.extract_strided_slice %add3A_143 {offsets = [8, 0], sizes = [1, 128], strides = [1, 1]} : vector<16x128xf32> to vector<1x128xf32>
        %add3A_378 = vector.broadcast %slice3A_376 : vector<400x1xf32> to vector<400x128xf32>
        %add3A_379 = vector.broadcast %slice3A_377 : vector<1x128xf32> to vector<400x128xf32>
        %add3A_380 = arith.addf %add3A_378, %add3A_379 : vector<400x128xf32>
        %integer_pow3A_381 = arith.mulf %add3A_380, %add3A_380 : vector<400x128xf32>
        %integer_pow3A_382 = arith.mulf %add3A_380, %integer_pow3A_381 : vector<400x128xf32>
        %mul3A_383 = arith.constant 4.471500e-02 : f32
        %mul3A_384 = vector.broadcast %mul3A_383 : f32 to vector<400x128xf32>
        %mul3A_385 = arith.mulf %mul3A_384, %integer_pow3A_382 : vector<400x128xf32>
        %add3A_386 = arith.addf %add3A_380, %mul3A_385 : vector<400x128xf32>
        %mul3A_387 = arith.constant 0.797884583 : f32
        %mul3A_388 = vector.broadcast %mul3A_387 : f32 to vector<400x128xf32>
        %mul3A_389 = arith.mulf %mul3A_388, %add3A_386 : vector<400x128xf32>
        %tanh3A_390 = math.tanh %mul3A_389 : vector<400x128xf32>
        %add3A_391 = arith.constant 1.000000e+00 : f32
        %add3A_392 = vector.broadcast %add3A_391 : f32 to vector<400x128xf32>
        %add3A_393 = arith.addf %add3A_392, %tanh3A_390 : vector<400x128xf32>
        %mul3A_394 = arith.constant 5.000000e-01 : f32
        %mul3A_395 = vector.broadcast %mul3A_394 : f32 to vector<400x128xf32>
        %mul3A_396 = arith.mulf %mul3A_395, %add3A_393 : vector<400x128xf32>
        %mul3A_397 = arith.mulf %add3A_380, %mul3A_396 : vector<400x128xf32>
        %mul3A_398 = arith.mulf %mul3A_397, %convert_element_type3A_136 : vector<400x128xf32>
        %slice3A_399 = vector.extract_strided_slice %get3A_8 {offsets = [8, 0], sizes = [1, 32], strides = [1, 1]} : vector<16x32xf32> to vector<1x32xf32>
        %mul3A_400 = vector.broadcast %slice3A_399 : vector<1x32xf32> to vector<128x32xf32>
        %mul3A_401 = arith.mulf %get3A_111, %mul3A_400 : vector<128x32xf32>
        %dot_general3A_402 = arith.constant dense<0.000000e+00> : vector<400x32xf32>
        %dot_general3A_403 = tpu.matmul %mul3A_398, %mul3A_401, %dot_general3A_402 {dimension_numbers = #tpu.dot_dimension_numbers<[1], [0], [0], [1], [0, 0, 1, 1], [], []>, transpose_lhs_hint = false} : vector<400x128xf32>, vector<128x32xf32>, vector<400x32xf32> -> vector<400x32xf32>
        %add3A_404 = arith.addf %add3A_375, %dot_general3A_403 : vector<400x32xf32>
        %slice3A_405 = vector.extract_strided_slice %dot_general3A_5 {offsets = [0, 9], sizes = [400, 1], strides = [1, 1]} : vector<400x16xf32> to vector<400x1xf32>
        %slice3A_406 = vector.extract_strided_slice %add3A_143 {offsets = [9, 0], sizes = [1, 128], strides = [1, 1]} : vector<16x128xf32> to vector<1x128xf32>
        %add3A_407 = vector.broadcast %slice3A_405 : vector<400x1xf32> to vector<400x128xf32>
        %add3A_408 = vector.broadcast %slice3A_406 : vector<1x128xf32> to vector<400x128xf32>
        %add3A_409 = arith.addf %add3A_407, %add3A_408 : vector<400x128xf32>
        %integer_pow3A_410 = arith.mulf %add3A_409, %add3A_409 : vector<400x128xf32>
        %integer_pow3A_411 = arith.mulf %add3A_409, %integer_pow3A_410 : vector<400x128xf32>
        %mul3A_412 = arith.constant 4.471500e-02 : f32
        %mul3A_413 = vector.broadcast %mul3A_412 : f32 to vector<400x128xf32>
        %mul3A_414 = arith.mulf %mul3A_413, %integer_pow3A_411 : vector<400x128xf32>
        %add3A_415 = arith.addf %add3A_409, %mul3A_414 : vector<400x128xf32>
        %mul3A_416 = arith.constant 0.797884583 : f32
        %mul3A_417 = vector.broadcast %mul3A_416 : f32 to vector<400x128xf32>
        %mul3A_418 = arith.mulf %mul3A_417, %add3A_415 : vector<400x128xf32>
        %tanh3A_419 = math.tanh %mul3A_418 : vector<400x128xf32>
        %add3A_420 = arith.constant 1.000000e+00 : f32
        %add3A_421 = vector.broadcast %add3A_420 : f32 to vector<400x128xf32>
        %add3A_422 = arith.addf %add3A_421, %tanh3A_419 : vector<400x128xf32>
        %mul3A_423 = arith.constant 5.000000e-01 : f32
        %mul3A_424 = vector.broadcast %mul3A_423 : f32 to vector<400x128xf32>
        %mul3A_425 = arith.mulf %mul3A_424, %add3A_422 : vector<400x128xf32>
        %mul3A_426 = arith.mulf %add3A_409, %mul3A_425 : vector<400x128xf32>
        %mul3A_427 = arith.mulf %mul3A_426, %convert_element_type3A_136 : vector<400x128xf32>
        %slice3A_428 = vector.extract_strided_slice %get3A_8 {offsets = [9, 0], sizes = [1, 32], strides = [1, 1]} : vector<16x32xf32> to vector<1x32xf32>
        %mul3A_429 = vector.broadcast %slice3A_428 : vector<1x32xf32> to vector<128x32xf32>
        %mul3A_430 = arith.mulf %get3A_111, %mul3A_429 : vector<128x32xf32>
        %dot_general3A_431 = arith.constant dense<0.000000e+00> : vector<400x32xf32>
        %dot_general3A_432 = tpu.matmul %mul3A_427, %mul3A_430, %dot_general3A_431 {dimension_numbers = #tpu.dot_dimension_numbers<[1], [0], [0], [1], [0, 0, 1, 1], [], []>, transpose_lhs_hint = false} : vector<400x128xf32>, vector<128x32xf32>, vector<400x32xf32> -> vector<400x32xf32>
        %add3A_433 = arith.addf %add3A_404, %dot_general3A_432 : vector<400x32xf32>
        %slice3A_434 = vector.extract_strided_slice %dot_general3A_5 {offsets = [0, 10], sizes = [400, 1], strides = [1, 1]} : vector<400x16xf32> to vector<400x1xf32>
        %slice3A_435 = vector.extract_strided_slice %add3A_143 {offsets = [10, 0], sizes = [1, 128], strides = [1, 1]} : vector<16x128xf32> to vector<1x128xf32>
        %add3A_436 = vector.broadcast %slice3A_434 : vector<400x1xf32> to vector<400x128xf32>
        %add3A_437 = vector.broadcast %slice3A_435 : vector<1x128xf32> to vector<400x128xf32>
        %add3A_438 = arith.addf %add3A_436, %add3A_437 : vector<400x128xf32>
        %integer_pow3A_439 = arith.mulf %add3A_438, %add3A_438 : vector<400x128xf32>
        %integer_pow3A_440 = arith.mulf %add3A_438, %integer_pow3A_439 : vector<400x128xf32>
        %mul3A_441 = arith.constant 4.471500e-02 : f32
        %mul3A_442 = vector.broadcast %mul3A_441 : f32 to vector<400x128xf32>
        %mul3A_443 = arith.mulf %mul3A_442, %integer_pow3A_440 : vector<400x128xf32>
        %add3A_444 = arith.addf %add3A_438, %mul3A_443 : vector<400x128xf32>
        %mul3A_445 = arith.constant 0.797884583 : f32
        %mul3A_446 = vector.broadcast %mul3A_445 : f32 to vector<400x128xf32>
        %mul3A_447 = arith.mulf %mul3A_446, %add3A_444 : vector<400x128xf32>
        %tanh3A_448 = math.tanh %mul3A_447 : vector<400x128xf32>
        %add3A_449 = arith.constant 1.000000e+00 : f32
        %add3A_450 = vector.broadcast %add3A_449 : f32 to vector<400x128xf32>
        %add3A_451 = arith.addf %add3A_450, %tanh3A_448 : vector<400x128xf32>
        %mul3A_452 = arith.constant 5.000000e-01 : f32
        %mul3A_453 = vector.broadcast %mul3A_452 : f32 to vector<400x128xf32>
        %mul3A_454 = arith.mulf %mul3A_453, %add3A_451 : vector<400x128xf32>
        %mul3A_455 = arith.mulf %add3A_438, %mul3A_454 : vector<400x128xf32>
        %mul3A_456 = arith.mulf %mul3A_455, %convert_element_type3A_136 : vector<400x128xf32>
        %slice3A_457 = vector.extract_strided_slice %get3A_8 {offsets = [10, 0], sizes = [1, 32], strides = [1, 1]} : vector<16x32xf32> to vector<1x32xf32>
        %mul3A_458 = vector.broadcast %slice3A_457 : vector<1x32xf32> to vector<128x32xf32>
        %mul3A_459 = arith.mulf %get3A_111, %mul3A_458 : vector<128x32xf32>
        %dot_general3A_460 = arith.constant dense<0.000000e+00> : vector<400x32xf32>
        %dot_general3A_461 = tpu.matmul %mul3A_456, %mul3A_459, %dot_general3A_460 {dimension_numbers = #tpu.dot_dimension_numbers<[1], [0], [0], [1], [0, 0, 1, 1], [], []>, transpose_lhs_hint = false} : vector<400x128xf32>, vector<128x32xf32>, vector<400x32xf32> -> vector<400x32xf32>
        %add3A_462 = arith.addf %add3A_433, %dot_general3A_461 : vector<400x32xf32>
        %slice3A_463 = vector.extract_strided_slice %dot_general3A_5 {offsets = [0, 11], sizes = [400, 1], strides = [1, 1]} : vector<400x16xf32> to vector<400x1xf32>
        %slice3A_464 = vector.extract_strided_slice %add3A_143 {offsets = [11, 0], sizes = [1, 128], strides = [1, 1]} : vector<16x128xf32> to vector<1x128xf32>
        %add3A_465 = vector.broadcast %slice3A_463 : vector<400x1xf32> to vector<400x128xf32>
        %add3A_466 = vector.broadcast %slice3A_464 : vector<1x128xf32> to vector<400x128xf32>
        %add3A_467 = arith.addf %add3A_465, %add3A_466 : vector<400x128xf32>
        %integer_pow3A_468 = arith.mulf %add3A_467, %add3A_467 : vector<400x128xf32>
        %integer_pow3A_469 = arith.mulf %add3A_467, %integer_pow3A_468 : vector<400x128xf32>
        %mul3A_470 = arith.constant 4.471500e-02 : f32
        %mul3A_471 = vector.broadcast %mul3A_470 : f32 to vector<400x128xf32>
        %mul3A_472 = arith.mulf %mul3A_471, %integer_pow3A_469 : vector<400x128xf32>
        %add3A_473 = arith.addf %add3A_467, %mul3A_472 : vector<400x128xf32>
        %mul3A_474 = arith.constant 0.797884583 : f32
        %mul3A_475 = vector.broadcast %mul3A_474 : f32 to vector<400x128xf32>
        %mul3A_476 = arith.mulf %mul3A_475, %add3A_473 : vector<400x128xf32>
        %tanh3A_477 = math.tanh %mul3A_476 : vector<400x128xf32>
        %add3A_478 = arith.constant 1.000000e+00 : f32
        %add3A_479 = vector.broadcast %add3A_478 : f32 to vector<400x128xf32>
        %add3A_480 = arith.addf %add3A_479, %tanh3A_477 : vector<400x128xf32>
        %mul3A_481 = arith.constant 5.000000e-01 : f32
        %mul3A_482 = vector.broadcast %mul3A_481 : f32 to vector<400x128xf32>
        %mul3A_483 = arith.mulf %mul3A_482, %add3A_480 : vector<400x128xf32>
        %mul3A_484 = arith.mulf %add3A_467, %mul3A_483 : vector<400x128xf32>
        %mul3A_485 = arith.mulf %mul3A_484, %convert_element_type3A_136 : vector<400x128xf32>
        %slice3A_486 = vector.extract_strided_slice %get3A_8 {offsets = [11, 0], sizes = [1, 32], strides = [1, 1]} : vector<16x32xf32> to vector<1x32xf32>
        %mul3A_487 = vector.broadcast %slice3A_486 : vector<1x32xf32> to vector<128x32xf32>
        %mul3A_488 = arith.mulf %get3A_111, %mul3A_487 : vector<128x32xf32>
        %dot_general3A_489 = arith.constant dense<0.000000e+00> : vector<400x32xf32>
        %dot_general3A_490 = tpu.matmul %mul3A_485, %mul3A_488, %dot_general3A_489 {dimension_numbers = #tpu.dot_dimension_numbers<[1], [0], [0], [1], [0, 0, 1, 1], [], []>, transpose_lhs_hint = false} : vector<400x128xf32>, vector<128x32xf32>, vector<400x32xf32> -> vector<400x32xf32>
        %add3A_491 = arith.addf %add3A_462, %dot_general3A_490 : vector<400x32xf32>
        %slice3A_492 = vector.extract_strided_slice %dot_general3A_5 {offsets = [0, 12], sizes = [400, 1], strides = [1, 1]} : vector<400x16xf32> to vector<400x1xf32>
        %slice3A_493 = vector.extract_strided_slice %add3A_143 {offsets = [12, 0], sizes = [1, 128], strides = [1, 1]} : vector<16x128xf32> to vector<1x128xf32>
        %add3A_494 = vector.broadcast %slice3A_492 : vector<400x1xf32> to vector<400x128xf32>
        %add3A_495 = vector.broadcast %slice3A_493 : vector<1x128xf32> to vector<400x128xf32>
        %add3A_496 = arith.addf %add3A_494, %add3A_495 : vector<400x128xf32>
        %integer_pow3A_497 = arith.mulf %add3A_496, %add3A_496 : vector<400x128xf32>
        %integer_pow3A_498 = arith.mulf %add3A_496, %integer_pow3A_497 : vector<400x128xf32>
        %mul3A_499 = arith.constant 4.471500e-02 : f32
        %mul3A_500 = vector.broadcast %mul3A_499 : f32 to vector<400x128xf32>
        %mul3A_501 = arith.mulf %mul3A_500, %integer_pow3A_498 : vector<400x128xf32>
        %add3A_502 = arith.addf %add3A_496, %mul3A_501 : vector<400x128xf32>
        %mul3A_503 = arith.constant 0.797884583 : f32
        %mul3A_504 = vector.broadcast %mul3A_503 : f32 to vector<400x128xf32>
        %mul3A_505 = arith.mulf %mul3A_504, %add3A_502 : vector<400x128xf32>
        %tanh3A_506 = math.tanh %mul3A_505 : vector<400x128xf32>
        %add3A_507 = arith.constant 1.000000e+00 : f32
        %add3A_508 = vector.broadcast %add3A_507 : f32 to vector<400x128xf32>
        %add3A_509 = arith.addf %add3A_508, %tanh3A_506 : vector<400x128xf32>
        %mul3A_510 = arith.constant 5.000000e-01 : f32
        %mul3A_511 = vector.broadcast %mul3A_510 : f32 to vector<400x128xf32>
        %mul3A_512 = arith.mulf %mul3A_511, %add3A_509 : vector<400x128xf32>
        %mul3A_513 = arith.mulf %add3A_496, %mul3A_512 : vector<400x128xf32>
        %mul3A_514 = arith.mulf %mul3A_513, %convert_element_type3A_136 : vector<400x128xf32>
        %slice3A_515 = vector.extract_strided_slice %get3A_8 {offsets = [12, 0], sizes = [1, 32], strides = [1, 1]} : vector<16x32xf32> to vector<1x32xf32>
        %mul3A_516 = vector.broadcast %slice3A_515 : vector<1x32xf32> to vector<128x32xf32>
        %mul3A_517 = arith.mulf %get3A_111, %mul3A_516 : vector<128x32xf32>
        %dot_general3A_518 = arith.constant dense<0.000000e+00> : vector<400x32xf32>
        %dot_general3A_519 = tpu.matmul %mul3A_514, %mul3A_517, %dot_general3A_518 {dimension_numbers = #tpu.dot_dimension_numbers<[1], [0], [0], [1], [0, 0, 1, 1], [], []>, transpose_lhs_hint = false} : vector<400x128xf32>, vector<128x32xf32>, vector<400x32xf32> -> vector<400x32xf32>
        %add3A_520 = arith.addf %add3A_491, %dot_general3A_519 : vector<400x32xf32>
        %slice3A_521 = vector.extract_strided_slice %dot_general3A_5 {offsets = [0, 13], sizes = [400, 1], strides = [1, 1]} : vector<400x16xf32> to vector<400x1xf32>
        %slice3A_522 = vector.extract_strided_slice %add3A_143 {offsets = [13, 0], sizes = [1, 128], strides = [1, 1]} : vector<16x128xf32> to vector<1x128xf32>
        %add3A_523 = vector.broadcast %slice3A_521 : vector<400x1xf32> to vector<400x128xf32>
        %add3A_524 = vector.broadcast %slice3A_522 : vector<1x128xf32> to vector<400x128xf32>
        %add3A_525 = arith.addf %add3A_523, %add3A_524 : vector<400x128xf32>
        %integer_pow3A_526 = arith.mulf %add3A_525, %add3A_525 : vector<400x128xf32>
        %integer_pow3A_527 = arith.mulf %add3A_525, %integer_pow3A_526 : vector<400x128xf32>
        %mul3A_528 = arith.constant 4.471500e-02 : f32
        %mul3A_529 = vector.broadcast %mul3A_528 : f32 to vector<400x128xf32>
        %mul3A_530 = arith.mulf %mul3A_529, %integer_pow3A_527 : vector<400x128xf32>
        %add3A_531 = arith.addf %add3A_525, %mul3A_530 : vector<400x128xf32>
        %mul3A_532 = arith.constant 0.797884583 : f32
        %mul3A_533 = vector.broadcast %mul3A_532 : f32 to vector<400x128xf32>
        %mul3A_534 = arith.mulf %mul3A_533, %add3A_531 : vector<400x128xf32>
        %tanh3A_535 = math.tanh %mul3A_534 : vector<400x128xf32>
        %add3A_536 = arith.constant 1.000000e+00 : f32
        %add3A_537 = vector.broadcast %add3A_536 : f32 to vector<400x128xf32>
        %add3A_538 = arith.addf %add3A_537, %tanh3A_535 : vector<400x128xf32>
        %mul3A_539 = arith.constant 5.000000e-01 : f32
        %mul3A_540 = vector.broadcast %mul3A_539 : f32 to vector<400x128xf32>
        %mul3A_541 = arith.mulf %mul3A_540, %add3A_538 : vector<400x128xf32>
        %mul3A_542 = arith.mulf %add3A_525, %mul3A_541 : vector<400x128xf32>
        %mul3A_543 = arith.mulf %mul3A_542, %convert_element_type3A_136 : vector<400x128xf32>
        %slice3A_544 = vector.extract_strided_slice %get3A_8 {offsets = [13, 0], sizes = [1, 32], strides = [1, 1]} : vector<16x32xf32> to vector<1x32xf32>
        %mul3A_545 = vector.broadcast %slice3A_544 : vector<1x32xf32> to vector<128x32xf32>
        %mul3A_546 = arith.mulf %get3A_111, %mul3A_545 : vector<128x32xf32>
        %dot_general3A_547 = arith.constant dense<0.000000e+00> : vector<400x32xf32>
        %dot_general3A_548 = tpu.matmul %mul3A_543, %mul3A_546, %dot_general3A_547 {dimension_numbers = #tpu.dot_dimension_numbers<[1], [0], [0], [1], [0, 0, 1, 1], [], []>, transpose_lhs_hint = false} : vector<400x128xf32>, vector<128x32xf32>, vector<400x32xf32> -> vector<400x32xf32>
        %add3A_549 = arith.addf %add3A_520, %dot_general3A_548 : vector<400x32xf32>
        %slice3A_550 = vector.extract_strided_slice %dot_general3A_5 {offsets = [0, 14], sizes = [400, 1], strides = [1, 1]} : vector<400x16xf32> to vector<400x1xf32>
        %slice3A_551 = vector.extract_strided_slice %add3A_143 {offsets = [14, 0], sizes = [1, 128], strides = [1, 1]} : vector<16x128xf32> to vector<1x128xf32>
        %add3A_552 = vector.broadcast %slice3A_550 : vector<400x1xf32> to vector<400x128xf32>
        %add3A_553 = vector.broadcast %slice3A_551 : vector<1x128xf32> to vector<400x128xf32>
        %add3A_554 = arith.addf %add3A_552, %add3A_553 : vector<400x128xf32>
        %integer_pow3A_555 = arith.mulf %add3A_554, %add3A_554 : vector<400x128xf32>
        %integer_pow3A_556 = arith.mulf %add3A_554, %integer_pow3A_555 : vector<400x128xf32>
        %mul3A_557 = arith.constant 4.471500e-02 : f32
        %mul3A_558 = vector.broadcast %mul3A_557 : f32 to vector<400x128xf32>
        %mul3A_559 = arith.mulf %mul3A_558, %integer_pow3A_556 : vector<400x128xf32>
        %add3A_560 = arith.addf %add3A_554, %mul3A_559 : vector<400x128xf32>
        %mul3A_561 = arith.constant 0.797884583 : f32
        %mul3A_562 = vector.broadcast %mul3A_561 : f32 to vector<400x128xf32>
        %mul3A_563 = arith.mulf %mul3A_562, %add3A_560 : vector<400x128xf32>
        %tanh3A_564 = math.tanh %mul3A_563 : vector<400x128xf32>
        %add3A_565 = arith.constant 1.000000e+00 : f32
        %add3A_566 = vector.broadcast %add3A_565 : f32 to vector<400x128xf32>
        %add3A_567 = arith.addf %add3A_566, %tanh3A_564 : vector<400x128xf32>
        %mul3A_568 = arith.constant 5.000000e-01 : f32
        %mul3A_569 = vector.broadcast %mul3A_568 : f32 to vector<400x128xf32>
        %mul3A_570 = arith.mulf %mul3A_569, %add3A_567 : vector<400x128xf32>
        %mul3A_571 = arith.mulf %add3A_554, %mul3A_570 : vector<400x128xf32>
        %mul3A_572 = arith.mulf %mul3A_571, %convert_element_type3A_136 : vector<400x128xf32>
        %slice3A_573 = vector.extract_strided_slice %get3A_8 {offsets = [14, 0], sizes = [1, 32], strides = [1, 1]} : vector<16x32xf32> to vector<1x32xf32>
        %mul3A_574 = vector.broadcast %slice3A_573 : vector<1x32xf32> to vector<128x32xf32>
        %mul3A_575 = arith.mulf %get3A_111, %mul3A_574 : vector<128x32xf32>
        %dot_general3A_576 = arith.constant dense<0.000000e+00> : vector<400x32xf32>
        %dot_general3A_577 = tpu.matmul %mul3A_572, %mul3A_575, %dot_general3A_576 {dimension_numbers = #tpu.dot_dimension_numbers<[1], [0], [0], [1], [0, 0, 1, 1], [], []>, transpose_lhs_hint = false} : vector<400x128xf32>, vector<128x32xf32>, vector<400x32xf32> -> vector<400x32xf32>
        %add3A_578 = arith.addf %add3A_549, %dot_general3A_577 : vector<400x32xf32>
        %slice3A_579 = vector.extract_strided_slice %dot_general3A_5 {offsets = [0, 15], sizes = [400, 1], strides = [1, 1]} : vector<400x16xf32> to vector<400x1xf32>
        %slice3A_580 = vector.extract_strided_slice %add3A_143 {offsets = [15, 0], sizes = [1, 128], strides = [1, 1]} : vector<16x128xf32> to vector<1x128xf32>
        %add3A_581 = vector.broadcast %slice3A_579 : vector<400x1xf32> to vector<400x128xf32>
        %add3A_582 = vector.broadcast %slice3A_580 : vector<1x128xf32> to vector<400x128xf32>
        %add3A_583 = arith.addf %add3A_581, %add3A_582 : vector<400x128xf32>
        %integer_pow3A_584 = arith.mulf %add3A_583, %add3A_583 : vector<400x128xf32>
        %integer_pow3A_585 = arith.mulf %add3A_583, %integer_pow3A_584 : vector<400x128xf32>
        %mul3A_586 = arith.constant 4.471500e-02 : f32
        %mul3A_587 = vector.broadcast %mul3A_586 : f32 to vector<400x128xf32>
        %mul3A_588 = arith.mulf %mul3A_587, %integer_pow3A_585 : vector<400x128xf32>
        %add3A_589 = arith.addf %add3A_583, %mul3A_588 : vector<400x128xf32>
        %mul3A_590 = arith.constant 0.797884583 : f32
        %mul3A_591 = vector.broadcast %mul3A_590 : f32 to vector<400x128xf32>
        %mul3A_592 = arith.mulf %mul3A_591, %add3A_589 : vector<400x128xf32>
        %tanh3A_593 = math.tanh %mul3A_592 : vector<400x128xf32>
        %add3A_594 = arith.constant 1.000000e+00 : f32
        %add3A_595 = vector.broadcast %add3A_594 : f32 to vector<400x128xf32>
        %add3A_596 = arith.addf %add3A_595, %tanh3A_593 : vector<400x128xf32>
        %mul3A_597 = arith.constant 5.000000e-01 : f32
        %mul3A_598 = vector.broadcast %mul3A_597 : f32 to vector<400x128xf32>
        %mul3A_599 = arith.mulf %mul3A_598, %add3A_596 : vector<400x128xf32>
        %mul3A_600 = arith.mulf %add3A_583, %mul3A_599 : vector<400x128xf32>
        %mul3A_601 = arith.mulf %mul3A_600, %convert_element_type3A_136 : vector<400x128xf32>
        %slice3A_602 = vector.extract_strided_slice %get3A_8 {offsets = [15, 0], sizes = [1, 32], strides = [1, 1]} : vector<16x32xf32> to vector<1x32xf32>
        %mul3A_603 = vector.broadcast %slice3A_602 : vector<1x32xf32> to vector<128x32xf32>
        %mul3A_604 = arith.mulf %get3A_111, %mul3A_603 : vector<128x32xf32>
        %dot_general3A_605 = arith.constant dense<0.000000e+00> : vector<400x32xf32>
        %dot_general3A_606 = tpu.matmul %mul3A_601, %mul3A_604, %dot_general3A_605 {dimension_numbers = #tpu.dot_dimension_numbers<[1], [0], [0], [1], [0, 0, 1, 1], [], []>, transpose_lhs_hint = false} : vector<400x128xf32>, vector<128x32xf32>, vector<400x32xf32> -> vector<400x32xf32>
        %add3A_607 = arith.addf %add3A_578, %dot_general3A_606 : vector<400x32xf32>
        %mul3A_608 = vector.broadcast %get3A_11 : vector<1x32xf32> to vector<128x32xf32>
        %mul3A_609 = arith.mulf %get3A_111, %mul3A_608 : vector<128x32xf32>
        %dot_general3A_610 = arith.constant dense<0.000000e+00> : vector<400x32xf32>
        %dot_general3A_611 = tpu.matmul %convert_element_type3A_136, %mul3A_609, %dot_general3A_610 {dimension_numbers = #tpu.dot_dimension_numbers<[1], [0], [0], [1], [0, 0, 1, 1], [], []>, transpose_lhs_hint = false} : vector<400x128xf32>, vector<128x32xf32>, vector<400x32xf32> -> vector<400x32xf32>
        %add3A_612 = arith.addf %add3A_607, %dot_general3A_611 : vector<400x32xf32>
        scf.yield %add3A_612, %add3A_139 : vector<400x32xf32>, vector<400x1xf32>
      }
      %while3A_99 = arith.constant 1 : i32
      %while3A_100:2 = scf.for %while3A_101 = %while3A_96 to %while3A_92 step %while3A_99 iter_args(%while3A_102 = %while3A_98#0, %while3A_103 = %while3A_98#1) -> (vector<400x32xf32>, vector<400x1xf32>)  : i32 {
        %mul3A_104 = arith.constant 16 : i32
        %mul3A_105 = arith.muli %while3A_101, %mul3A_104 : i32
        %add3A_106 = arith.addi %get3A_86, %mul3A_105 : i32
        %mul3A_107 = arith.constant 8 : i32
        %mul3A_108 = arith.muli %add3A_106, %mul3A_107 : i32
        %get3A_109 = arith.index_cast %mul3A_108 : i32 to index
        %get3A_110 = arith.constant 0 : index
        %get3A_111 = vector.load %arg7[%get3A_109, %get3A_110] : memref<10128x32xf32, #tpu.memory_space<vmem>>, vector<128x32xf32>
        %get3A_112 = arith.index_cast %mul3A_108 : i32 to index
        %get3A_113 = arith.constant 0 : index
        %get3A_114 = vector.load %arg8[%get3A_112, %get3A_113] : memref<10128x8xf32, #tpu.memory_space<vmem>>, vector<128x2xf32>
        %dot_general3A_115 = arith.constant dense<0.000000e+00> : vector<18x128xf32>
        %dot_general3A_116 = tpu.matmul %concatenate3A, %get3A_114, %dot_general3A_115 {dimension_numbers = #tpu.dot_dimension_numbers<[1], [1], [0], [0], [0, 0, 1, 0], [], []>, precision = #tpu.contract_precision<fp32>, transpose_lhs_hint = false} : vector<18x2xf32>, vector<128x2xf32>, vector<18x128xf32> -> vector<18x128xf32>
        %add3A_117 = vector.broadcast %mul3A_108 : i32 to vector<1x128xi32>
        %add3A_118 = arith.addi %iota3A_21, %add3A_117 : vector<1x128xi32>
        %ge3A = vector.broadcast %get3A_80 : i32 to vector<1x128xi32>
        %ge3A_119 = arith.cmpi sge, %add3A_118, %ge3A : vector<1x128xi32>
        %lt3A = vector.broadcast %get3A_83 : i32 to vector<1x128xi32>
        %lt3A_120 = arith.cmpi slt, %add3A_118, %lt3A : vector<1x128xi32>
        %and3A = arith.andi %ge3A_119, %lt3A_120 : vector<1x128xi1>
        %slice3A_121 = vector.extract_strided_slice %dot_general3A_116 {offsets = [0, 0], sizes = [1, 128], strides = [1, 1]} : vector<18x128xf32> to vector<1x128xf32>
        %sub3A = vector.broadcast %slice3A : vector<400x1xf32> to vector<400x128xf32>
        %sub3A_122 = vector.broadcast %slice3A_121 : vector<1x128xf32> to vector<400x128xf32>
        %sub3A_123 = arith.subf %sub3A, %sub3A_122 : vector<400x128xf32>
        %slice3A_124 = vector.extract_strided_slice %dot_general3A_116 {offsets = [1, 0], sizes = [1, 128], strides = [1, 1]} : vector<18x128xf32> to vector<1x128xf32>
        %sub3A_125 = vector.broadcast %slice3A_20 : vector<400x1xf32> to vector<400x128xf32>
        %sub3A_126 = vector.broadcast %slice3A_124 : vector<1x128xf32> to vector<400x128xf32>
        %sub3A_127 = arith.subf %sub3A_125, %sub3A_126 : vector<400x128xf32>
        %mul3A_128 = arith.mulf %sub3A_123, %sub3A_123 : vector<400x128xf32>
        %mul3A_129 = arith.mulf %sub3A_127, %sub3A_127 : vector<400x128xf32>
        %add3A_130 = arith.addf %mul3A_128, %mul3A_129 : vector<400x128xf32>
        %le3A = arith.constant 1.089000e-03 : f32
        %le3A_131 = vector.broadcast %le3A : f32 to vector<400x128xf32>
        %le3A_132 = arith.cmpf ole, %add3A_130, %le3A_131 : vector<400x128xf32>
        %and3A_133 = vector.broadcast %and3A : vector<1x128xi1> to vector<400x128xi1>
        %and3A_134 = arith.andi %le3A_132, %and3A_133 : vector<400x128xi1>
        %convert_element_type3A_135 = arith.extui %and3A_134 : vector<400x128xi1> to vector<400x128xi32>
        %convert_element_type3A_136 = arith.sitofp %convert_element_type3A_135 : vector<400x128xi32> to vector<400x128xf32>
        %reduce_sum3A = arith.constant dense<0.000000e+00> : vector<400xf32>
        %reduce_sum3A_137 = vector.multi_reduction <add>, %convert_element_type3A_136, %reduce_sum3A [1] : vector<400x128xf32> to vector<400xf32>
        %broadcast_in_dim3A_138 = vector.shape_cast %reduce_sum3A_137 : vector<400xf32> to vector<400x1xf32>
        %add3A_139 = arith.addf %while3A_103, %broadcast_in_dim3A_138 : vector<400x1xf32>
        %slice3A_140 = vector.extract_strided_slice %dot_general3A_116 {offsets = [2, 0], sizes = [16, 128], strides = [1, 1]} : vector<18x128xf32> to vector<16x128xf32>
        %transpose3A_141 = tpu.transpose %get3A_14, [1, 0] : vector<1x16xf32> -> vector<16x1xf32>
        %add3A_142 = vector.broadcast %transpose3A_141 : vector<16x1xf32> to vector<16x128xf32>
        %add3A_143 = arith.addf %slice3A_140, %add3A_142 : vector<16x128xf32>
        %slice3A_144 = vector.extract_strided_slice %dot_general3A_5 {offsets = [0, 0], sizes = [400, 1], strides = [1, 1]} : vector<400x16xf32> to vector<400x1xf32>
        %slice3A_145 = vector.extract_strided_slice %add3A_143 {offsets = [0, 0], sizes = [1, 128], strides = [1, 1]} : vector<16x128xf32> to vector<1x128xf32>
        %add3A_146 = vector.broadcast %slice3A_144 : vector<400x1xf32> to vector<400x128xf32>
        %add3A_147 = vector.broadcast %slice3A_145 : vector<1x128xf32> to vector<400x128xf32>
        %add3A_148 = arith.addf %add3A_146, %add3A_147 : vector<400x128xf32>
        %integer_pow3A_149 = arith.mulf %add3A_148, %add3A_148 : vector<400x128xf32>
        %integer_pow3A_150 = arith.mulf %add3A_148, %integer_pow3A_149 : vector<400x128xf32>
        %mul3A_151 = arith.constant 4.471500e-02 : f32
        %mul3A_152 = vector.broadcast %mul3A_151 : f32 to vector<400x128xf32>
        %mul3A_153 = arith.mulf %mul3A_152, %integer_pow3A_150 : vector<400x128xf32>
        %add3A_154 = arith.addf %add3A_148, %mul3A_153 : vector<400x128xf32>
        %mul3A_155 = arith.constant 0.797884583 : f32
        %mul3A_156 = vector.broadcast %mul3A_155 : f32 to vector<400x128xf32>
        %mul3A_157 = arith.mulf %mul3A_156, %add3A_154 : vector<400x128xf32>
        %tanh3A_158 = math.tanh %mul3A_157 : vector<400x128xf32>
        %add3A_159 = arith.constant 1.000000e+00 : f32
        %add3A_160 = vector.broadcast %add3A_159 : f32 to vector<400x128xf32>
        %add3A_161 = arith.addf %add3A_160, %tanh3A_158 : vector<400x128xf32>
        %mul3A_162 = arith.constant 5.000000e-01 : f32
        %mul3A_163 = vector.broadcast %mul3A_162 : f32 to vector<400x128xf32>
        %mul3A_164 = arith.mulf %mul3A_163, %add3A_161 : vector<400x128xf32>
        %mul3A_165 = arith.mulf %add3A_148, %mul3A_164 : vector<400x128xf32>
        %mul3A_166 = arith.mulf %mul3A_165, %convert_element_type3A_136 : vector<400x128xf32>
        %slice3A_167 = vector.extract_strided_slice %get3A_8 {offsets = [0, 0], sizes = [1, 32], strides = [1, 1]} : vector<16x32xf32> to vector<1x32xf32>
        %mul3A_168 = vector.broadcast %slice3A_167 : vector<1x32xf32> to vector<128x32xf32>
        %mul3A_169 = arith.mulf %get3A_111, %mul3A_168 : vector<128x32xf32>
        %dot_general3A_170 = arith.constant dense<0.000000e+00> : vector<400x32xf32>
        %dot_general3A_171 = tpu.matmul %mul3A_166, %mul3A_169, %dot_general3A_170 {dimension_numbers = #tpu.dot_dimension_numbers<[1], [0], [0], [1], [0, 0, 1, 1], [], []>, transpose_lhs_hint = false} : vector<400x128xf32>, vector<128x32xf32>, vector<400x32xf32> -> vector<400x32xf32>
        %add3A_172 = arith.addf %while3A_102, %dot_general3A_171 : vector<400x32xf32>
        %slice3A_173 = vector.extract_strided_slice %dot_general3A_5 {offsets = [0, 1], sizes = [400, 1], strides = [1, 1]} : vector<400x16xf32> to vector<400x1xf32>
        %slice3A_174 = vector.extract_strided_slice %add3A_143 {offsets = [1, 0], sizes = [1, 128], strides = [1, 1]} : vector<16x128xf32> to vector<1x128xf32>
        %add3A_175 = vector.broadcast %slice3A_173 : vector<400x1xf32> to vector<400x128xf32>
        %add3A_176 = vector.broadcast %slice3A_174 : vector<1x128xf32> to vector<400x128xf32>
        %add3A_177 = arith.addf %add3A_175, %add3A_176 : vector<400x128xf32>
        %integer_pow3A_178 = arith.mulf %add3A_177, %add3A_177 : vector<400x128xf32>
        %integer_pow3A_179 = arith.mulf %add3A_177, %integer_pow3A_178 : vector<400x128xf32>
        %mul3A_180 = arith.constant 4.471500e-02 : f32
        %mul3A_181 = vector.broadcast %mul3A_180 : f32 to vector<400x128xf32>
        %mul3A_182 = arith.mulf %mul3A_181, %integer_pow3A_179 : vector<400x128xf32>
        %add3A_183 = arith.addf %add3A_177, %mul3A_182 : vector<400x128xf32>
        %mul3A_184 = arith.constant 0.797884583 : f32
        %mul3A_185 = vector.broadcast %mul3A_184 : f32 to vector<400x128xf32>
        %mul3A_186 = arith.mulf %mul3A_185, %add3A_183 : vector<400x128xf32>
        %tanh3A_187 = math.tanh %mul3A_186 : vector<400x128xf32>
        %add3A_188 = arith.constant 1.000000e+00 : f32
        %add3A_189 = vector.broadcast %add3A_188 : f32 to vector<400x128xf32>
        %add3A_190 = arith.addf %add3A_189, %tanh3A_187 : vector<400x128xf32>
        %mul3A_191 = arith.constant 5.000000e-01 : f32
        %mul3A_192 = vector.broadcast %mul3A_191 : f32 to vector<400x128xf32>
        %mul3A_193 = arith.mulf %mul3A_192, %add3A_190 : vector<400x128xf32>
        %mul3A_194 = arith.mulf %add3A_177, %mul3A_193 : vector<400x128xf32>
        %mul3A_195 = arith.mulf %mul3A_194, %convert_element_type3A_136 : vector<400x128xf32>
        %slice3A_196 = vector.extract_strided_slice %get3A_8 {offsets = [1, 0], sizes = [1, 32], strides = [1, 1]} : vector<16x32xf32> to vector<1x32xf32>
        %mul3A_197 = vector.broadcast %slice3A_196 : vector<1x32xf32> to vector<128x32xf32>
        %mul3A_198 = arith.mulf %get3A_111, %mul3A_197 : vector<128x32xf32>
        %dot_general3A_199 = arith.constant dense<0.000000e+00> : vector<400x32xf32>
        %dot_general3A_200 = tpu.matmul %mul3A_195, %mul3A_198, %dot_general3A_199 {dimension_numbers = #tpu.dot_dimension_numbers<[1], [0], [0], [1], [0, 0, 1, 1], [], []>, transpose_lhs_hint = false} : vector<400x128xf32>, vector<128x32xf32>, vector<400x32xf32> -> vector<400x32xf32>
        %add3A_201 = arith.addf %add3A_172, %dot_general3A_200 : vector<400x32xf32>
        %slice3A_202 = vector.extract_strided_slice %dot_general3A_5 {offsets = [0, 2], sizes = [400, 1], strides = [1, 1]} : vector<400x16xf32> to vector<400x1xf32>
        %slice3A_203 = vector.extract_strided_slice %add3A_143 {offsets = [2, 0], sizes = [1, 128], strides = [1, 1]} : vector<16x128xf32> to vector<1x128xf32>
        %add3A_204 = vector.broadcast %slice3A_202 : vector<400x1xf32> to vector<400x128xf32>
        %add3A_205 = vector.broadcast %slice3A_203 : vector<1x128xf32> to vector<400x128xf32>
        %add3A_206 = arith.addf %add3A_204, %add3A_205 : vector<400x128xf32>
        %integer_pow3A_207 = arith.mulf %add3A_206, %add3A_206 : vector<400x128xf32>
        %integer_pow3A_208 = arith.mulf %add3A_206, %integer_pow3A_207 : vector<400x128xf32>
        %mul3A_209 = arith.constant 4.471500e-02 : f32
        %mul3A_210 = vector.broadcast %mul3A_209 : f32 to vector<400x128xf32>
        %mul3A_211 = arith.mulf %mul3A_210, %integer_pow3A_208 : vector<400x128xf32>
        %add3A_212 = arith.addf %add3A_206, %mul3A_211 : vector<400x128xf32>
        %mul3A_213 = arith.constant 0.797884583 : f32
        %mul3A_214 = vector.broadcast %mul3A_213 : f32 to vector<400x128xf32>
        %mul3A_215 = arith.mulf %mul3A_214, %add3A_212 : vector<400x128xf32>
        %tanh3A_216 = math.tanh %mul3A_215 : vector<400x128xf32>
        %add3A_217 = arith.constant 1.000000e+00 : f32
        %add3A_218 = vector.broadcast %add3A_217 : f32 to vector<400x128xf32>
        %add3A_219 = arith.addf %add3A_218, %tanh3A_216 : vector<400x128xf32>
        %mul3A_220 = arith.constant 5.000000e-01 : f32
        %mul3A_221 = vector.broadcast %mul3A_220 : f32 to vector<400x128xf32>
        %mul3A_222 = arith.mulf %mul3A_221, %add3A_219 : vector<400x128xf32>
        %mul3A_223 = arith.mulf %add3A_206, %mul3A_222 : vector<400x128xf32>
        %mul3A_224 = arith.mulf %mul3A_223, %convert_element_type3A_136 : vector<400x128xf32>
        %slice3A_225 = vector.extract_strided_slice %get3A_8 {offsets = [2, 0], sizes = [1, 32], strides = [1, 1]} : vector<16x32xf32> to vector<1x32xf32>
        %mul3A_226 = vector.broadcast %slice3A_225 : vector<1x32xf32> to vector<128x32xf32>
        %mul3A_227 = arith.mulf %get3A_111, %mul3A_226 : vector<128x32xf32>
        %dot_general3A_228 = arith.constant dense<0.000000e+00> : vector<400x32xf32>
        %dot_general3A_229 = tpu.matmul %mul3A_224, %mul3A_227, %dot_general3A_228 {dimension_numbers = #tpu.dot_dimension_numbers<[1], [0], [0], [1], [0, 0, 1, 1], [], []>, transpose_lhs_hint = false} : vector<400x128xf32>, vector<128x32xf32>, vector<400x32xf32> -> vector<400x32xf32>
        %add3A_230 = arith.addf %add3A_201, %dot_general3A_229 : vector<400x32xf32>
        %slice3A_231 = vector.extract_strided_slice %dot_general3A_5 {offsets = [0, 3], sizes = [400, 1], strides = [1, 1]} : vector<400x16xf32> to vector<400x1xf32>
        %slice3A_232 = vector.extract_strided_slice %add3A_143 {offsets = [3, 0], sizes = [1, 128], strides = [1, 1]} : vector<16x128xf32> to vector<1x128xf32>
        %add3A_233 = vector.broadcast %slice3A_231 : vector<400x1xf32> to vector<400x128xf32>
        %add3A_234 = vector.broadcast %slice3A_232 : vector<1x128xf32> to vector<400x128xf32>
        %add3A_235 = arith.addf %add3A_233, %add3A_234 : vector<400x128xf32>
        %integer_pow3A_236 = arith.mulf %add3A_235, %add3A_235 : vector<400x128xf32>
        %integer_pow3A_237 = arith.mulf %add3A_235, %integer_pow3A_236 : vector<400x128xf32>
        %mul3A_238 = arith.constant 4.471500e-02 : f32
        %mul3A_239 = vector.broadcast %mul3A_238 : f32 to vector<400x128xf32>
        %mul3A_240 = arith.mulf %mul3A_239, %integer_pow3A_237 : vector<400x128xf32>
        %add3A_241 = arith.addf %add3A_235, %mul3A_240 : vector<400x128xf32>
        %mul3A_242 = arith.constant 0.797884583 : f32
        %mul3A_243 = vector.broadcast %mul3A_242 : f32 to vector<400x128xf32>
        %mul3A_244 = arith.mulf %mul3A_243, %add3A_241 : vector<400x128xf32>
        %tanh3A_245 = math.tanh %mul3A_244 : vector<400x128xf32>
        %add3A_246 = arith.constant 1.000000e+00 : f32
        %add3A_247 = vector.broadcast %add3A_246 : f32 to vector<400x128xf32>
        %add3A_248 = arith.addf %add3A_247, %tanh3A_245 : vector<400x128xf32>
        %mul3A_249 = arith.constant 5.000000e-01 : f32
        %mul3A_250 = vector.broadcast %mul3A_249 : f32 to vector<400x128xf32>
        %mul3A_251 = arith.mulf %mul3A_250, %add3A_248 : vector<400x128xf32>
        %mul3A_252 = arith.mulf %add3A_235, %mul3A_251 : vector<400x128xf32>
        %mul3A_253 = arith.mulf %mul3A_252, %convert_element_type3A_136 : vector<400x128xf32>
        %slice3A_254 = vector.extract_strided_slice %get3A_8 {offsets = [3, 0], sizes = [1, 32], strides = [1, 1]} : vector<16x32xf32> to vector<1x32xf32>
        %mul3A_255 = vector.broadcast %slice3A_254 : vector<1x32xf32> to vector<128x32xf32>
        %mul3A_256 = arith.mulf %get3A_111, %mul3A_255 : vector<128x32xf32>
        %dot_general3A_257 = arith.constant dense<0.000000e+00> : vector<400x32xf32>
        %dot_general3A_258 = tpu.matmul %mul3A_253, %mul3A_256, %dot_general3A_257 {dimension_numbers = #tpu.dot_dimension_numbers<[1], [0], [0], [1], [0, 0, 1, 1], [], []>, transpose_lhs_hint = false} : vector<400x128xf32>, vector<128x32xf32>, vector<400x32xf32> -> vector<400x32xf32>
        %add3A_259 = arith.addf %add3A_230, %dot_general3A_258 : vector<400x32xf32>
        %slice3A_260 = vector.extract_strided_slice %dot_general3A_5 {offsets = [0, 4], sizes = [400, 1], strides = [1, 1]} : vector<400x16xf32> to vector<400x1xf32>
        %slice3A_261 = vector.extract_strided_slice %add3A_143 {offsets = [4, 0], sizes = [1, 128], strides = [1, 1]} : vector<16x128xf32> to vector<1x128xf32>
        %add3A_262 = vector.broadcast %slice3A_260 : vector<400x1xf32> to vector<400x128xf32>
        %add3A_263 = vector.broadcast %slice3A_261 : vector<1x128xf32> to vector<400x128xf32>
        %add3A_264 = arith.addf %add3A_262, %add3A_263 : vector<400x128xf32>
        %integer_pow3A_265 = arith.mulf %add3A_264, %add3A_264 : vector<400x128xf32>
        %integer_pow3A_266 = arith.mulf %add3A_264, %integer_pow3A_265 : vector<400x128xf32>
        %mul3A_267 = arith.constant 4.471500e-02 : f32
        %mul3A_268 = vector.broadcast %mul3A_267 : f32 to vector<400x128xf32>
        %mul3A_269 = arith.mulf %mul3A_268, %integer_pow3A_266 : vector<400x128xf32>
        %add3A_270 = arith.addf %add3A_264, %mul3A_269 : vector<400x128xf32>
        %mul3A_271 = arith.constant 0.797884583 : f32
        %mul3A_272 = vector.broadcast %mul3A_271 : f32 to vector<400x128xf32>
        %mul3A_273 = arith.mulf %mul3A_272, %add3A_270 : vector<400x128xf32>
        %tanh3A_274 = math.tanh %mul3A_273 : vector<400x128xf32>
        %add3A_275 = arith.constant 1.000000e+00 : f32
        %add3A_276 = vector.broadcast %add3A_275 : f32 to vector<400x128xf32>
        %add3A_277 = arith.addf %add3A_276, %tanh3A_274 : vector<400x128xf32>
        %mul3A_278 = arith.constant 5.000000e-01 : f32
        %mul3A_279 = vector.broadcast %mul3A_278 : f32 to vector<400x128xf32>
        %mul3A_280 = arith.mulf %mul3A_279, %add3A_277 : vector<400x128xf32>
        %mul3A_281 = arith.mulf %add3A_264, %mul3A_280 : vector<400x128xf32>
        %mul3A_282 = arith.mulf %mul3A_281, %convert_element_type3A_136 : vector<400x128xf32>
        %slice3A_283 = vector.extract_strided_slice %get3A_8 {offsets = [4, 0], sizes = [1, 32], strides = [1, 1]} : vector<16x32xf32> to vector<1x32xf32>
        %mul3A_284 = vector.broadcast %slice3A_283 : vector<1x32xf32> to vector<128x32xf32>
        %mul3A_285 = arith.mulf %get3A_111, %mul3A_284 : vector<128x32xf32>
        %dot_general3A_286 = arith.constant dense<0.000000e+00> : vector<400x32xf32>
        %dot_general3A_287 = tpu.matmul %mul3A_282, %mul3A_285, %dot_general3A_286 {dimension_numbers = #tpu.dot_dimension_numbers<[1], [0], [0], [1], [0, 0, 1, 1], [], []>, transpose_lhs_hint = false} : vector<400x128xf32>, vector<128x32xf32>, vector<400x32xf32> -> vector<400x32xf32>
        %add3A_288 = arith.addf %add3A_259, %dot_general3A_287 : vector<400x32xf32>
        %slice3A_289 = vector.extract_strided_slice %dot_general3A_5 {offsets = [0, 5], sizes = [400, 1], strides = [1, 1]} : vector<400x16xf32> to vector<400x1xf32>
        %slice3A_290 = vector.extract_strided_slice %add3A_143 {offsets = [5, 0], sizes = [1, 128], strides = [1, 1]} : vector<16x128xf32> to vector<1x128xf32>
        %add3A_291 = vector.broadcast %slice3A_289 : vector<400x1xf32> to vector<400x128xf32>
        %add3A_292 = vector.broadcast %slice3A_290 : vector<1x128xf32> to vector<400x128xf32>
        %add3A_293 = arith.addf %add3A_291, %add3A_292 : vector<400x128xf32>
        %integer_pow3A_294 = arith.mulf %add3A_293, %add3A_293 : vector<400x128xf32>
        %integer_pow3A_295 = arith.mulf %add3A_293, %integer_pow3A_294 : vector<400x128xf32>
        %mul3A_296 = arith.constant 4.471500e-02 : f32
        %mul3A_297 = vector.broadcast %mul3A_296 : f32 to vector<400x128xf32>
        %mul3A_298 = arith.mulf %mul3A_297, %integer_pow3A_295 : vector<400x128xf32>
        %add3A_299 = arith.addf %add3A_293, %mul3A_298 : vector<400x128xf32>
        %mul3A_300 = arith.constant 0.797884583 : f32
        %mul3A_301 = vector.broadcast %mul3A_300 : f32 to vector<400x128xf32>
        %mul3A_302 = arith.mulf %mul3A_301, %add3A_299 : vector<400x128xf32>
        %tanh3A_303 = math.tanh %mul3A_302 : vector<400x128xf32>
        %add3A_304 = arith.constant 1.000000e+00 : f32
        %add3A_305 = vector.broadcast %add3A_304 : f32 to vector<400x128xf32>
        %add3A_306 = arith.addf %add3A_305, %tanh3A_303 : vector<400x128xf32>
        %mul3A_307 = arith.constant 5.000000e-01 : f32
        %mul3A_308 = vector.broadcast %mul3A_307 : f32 to vector<400x128xf32>
        %mul3A_309 = arith.mulf %mul3A_308, %add3A_306 : vector<400x128xf32>
        %mul3A_310 = arith.mulf %add3A_293, %mul3A_309 : vector<400x128xf32>
        %mul3A_311 = arith.mulf %mul3A_310, %convert_element_type3A_136 : vector<400x128xf32>
        %slice3A_312 = vector.extract_strided_slice %get3A_8 {offsets = [5, 0], sizes = [1, 32], strides = [1, 1]} : vector<16x32xf32> to vector<1x32xf32>
        %mul3A_313 = vector.broadcast %slice3A_312 : vector<1x32xf32> to vector<128x32xf32>
        %mul3A_314 = arith.mulf %get3A_111, %mul3A_313 : vector<128x32xf32>
        %dot_general3A_315 = arith.constant dense<0.000000e+00> : vector<400x32xf32>
        %dot_general3A_316 = tpu.matmul %mul3A_311, %mul3A_314, %dot_general3A_315 {dimension_numbers = #tpu.dot_dimension_numbers<[1], [0], [0], [1], [0, 0, 1, 1], [], []>, transpose_lhs_hint = false} : vector<400x128xf32>, vector<128x32xf32>, vector<400x32xf32> -> vector<400x32xf32>
        %add3A_317 = arith.addf %add3A_288, %dot_general3A_316 : vector<400x32xf32>
        %slice3A_318 = vector.extract_strided_slice %dot_general3A_5 {offsets = [0, 6], sizes = [400, 1], strides = [1, 1]} : vector<400x16xf32> to vector<400x1xf32>
        %slice3A_319 = vector.extract_strided_slice %add3A_143 {offsets = [6, 0], sizes = [1, 128], strides = [1, 1]} : vector<16x128xf32> to vector<1x128xf32>
        %add3A_320 = vector.broadcast %slice3A_318 : vector<400x1xf32> to vector<400x128xf32>
        %add3A_321 = vector.broadcast %slice3A_319 : vector<1x128xf32> to vector<400x128xf32>
        %add3A_322 = arith.addf %add3A_320, %add3A_321 : vector<400x128xf32>
        %integer_pow3A_323 = arith.mulf %add3A_322, %add3A_322 : vector<400x128xf32>
        %integer_pow3A_324 = arith.mulf %add3A_322, %integer_pow3A_323 : vector<400x128xf32>
        %mul3A_325 = arith.constant 4.471500e-02 : f32
        %mul3A_326 = vector.broadcast %mul3A_325 : f32 to vector<400x128xf32>
        %mul3A_327 = arith.mulf %mul3A_326, %integer_pow3A_324 : vector<400x128xf32>
        %add3A_328 = arith.addf %add3A_322, %mul3A_327 : vector<400x128xf32>
        %mul3A_329 = arith.constant 0.797884583 : f32
        %mul3A_330 = vector.broadcast %mul3A_329 : f32 to vector<400x128xf32>
        %mul3A_331 = arith.mulf %mul3A_330, %add3A_328 : vector<400x128xf32>
        %tanh3A_332 = math.tanh %mul3A_331 : vector<400x128xf32>
        %add3A_333 = arith.constant 1.000000e+00 : f32
        %add3A_334 = vector.broadcast %add3A_333 : f32 to vector<400x128xf32>
        %add3A_335 = arith.addf %add3A_334, %tanh3A_332 : vector<400x128xf32>
        %mul3A_336 = arith.constant 5.000000e-01 : f32
        %mul3A_337 = vector.broadcast %mul3A_336 : f32 to vector<400x128xf32>
        %mul3A_338 = arith.mulf %mul3A_337, %add3A_335 : vector<400x128xf32>
        %mul3A_339 = arith.mulf %add3A_322, %mul3A_338 : vector<400x128xf32>
        %mul3A_340 = arith.mulf %mul3A_339, %convert_element_type3A_136 : vector<400x128xf32>
        %slice3A_341 = vector.extract_strided_slice %get3A_8 {offsets = [6, 0], sizes = [1, 32], strides = [1, 1]} : vector<16x32xf32> to vector<1x32xf32>
        %mul3A_342 = vector.broadcast %slice3A_341 : vector<1x32xf32> to vector<128x32xf32>
        %mul3A_343 = arith.mulf %get3A_111, %mul3A_342 : vector<128x32xf32>
        %dot_general3A_344 = arith.constant dense<0.000000e+00> : vector<400x32xf32>
        %dot_general3A_345 = tpu.matmul %mul3A_340, %mul3A_343, %dot_general3A_344 {dimension_numbers = #tpu.dot_dimension_numbers<[1], [0], [0], [1], [0, 0, 1, 1], [], []>, transpose_lhs_hint = false} : vector<400x128xf32>, vector<128x32xf32>, vector<400x32xf32> -> vector<400x32xf32>
        %add3A_346 = arith.addf %add3A_317, %dot_general3A_345 : vector<400x32xf32>
        %slice3A_347 = vector.extract_strided_slice %dot_general3A_5 {offsets = [0, 7], sizes = [400, 1], strides = [1, 1]} : vector<400x16xf32> to vector<400x1xf32>
        %slice3A_348 = vector.extract_strided_slice %add3A_143 {offsets = [7, 0], sizes = [1, 128], strides = [1, 1]} : vector<16x128xf32> to vector<1x128xf32>
        %add3A_349 = vector.broadcast %slice3A_347 : vector<400x1xf32> to vector<400x128xf32>
        %add3A_350 = vector.broadcast %slice3A_348 : vector<1x128xf32> to vector<400x128xf32>
        %add3A_351 = arith.addf %add3A_349, %add3A_350 : vector<400x128xf32>
        %integer_pow3A_352 = arith.mulf %add3A_351, %add3A_351 : vector<400x128xf32>
        %integer_pow3A_353 = arith.mulf %add3A_351, %integer_pow3A_352 : vector<400x128xf32>
        %mul3A_354 = arith.constant 4.471500e-02 : f32
        %mul3A_355 = vector.broadcast %mul3A_354 : f32 to vector<400x128xf32>
        %mul3A_356 = arith.mulf %mul3A_355, %integer_pow3A_353 : vector<400x128xf32>
        %add3A_357 = arith.addf %add3A_351, %mul3A_356 : vector<400x128xf32>
        %mul3A_358 = arith.constant 0.797884583 : f32
        %mul3A_359 = vector.broadcast %mul3A_358 : f32 to vector<400x128xf32>
        %mul3A_360 = arith.mulf %mul3A_359, %add3A_357 : vector<400x128xf32>
        %tanh3A_361 = math.tanh %mul3A_360 : vector<400x128xf32>
        %add3A_362 = arith.constant 1.000000e+00 : f32
        %add3A_363 = vector.broadcast %add3A_362 : f32 to vector<400x128xf32>
        %add3A_364 = arith.addf %add3A_363, %tanh3A_361 : vector<400x128xf32>
        %mul3A_365 = arith.constant 5.000000e-01 : f32
        %mul3A_366 = vector.broadcast %mul3A_365 : f32 to vector<400x128xf32>
        %mul3A_367 = arith.mulf %mul3A_366, %add3A_364 : vector<400x128xf32>
        %mul3A_368 = arith.mulf %add3A_351, %mul3A_367 : vector<400x128xf32>
        %mul3A_369 = arith.mulf %mul3A_368, %convert_element_type3A_136 : vector<400x128xf32>
        %slice3A_370 = vector.extract_strided_slice %get3A_8 {offsets = [7, 0], sizes = [1, 32], strides = [1, 1]} : vector<16x32xf32> to vector<1x32xf32>
        %mul3A_371 = vector.broadcast %slice3A_370 : vector<1x32xf32> to vector<128x32xf32>
        %mul3A_372 = arith.mulf %get3A_111, %mul3A_371 : vector<128x32xf32>
        %dot_general3A_373 = arith.constant dense<0.000000e+00> : vector<400x32xf32>
        %dot_general3A_374 = tpu.matmul %mul3A_369, %mul3A_372, %dot_general3A_373 {dimension_numbers = #tpu.dot_dimension_numbers<[1], [0], [0], [1], [0, 0, 1, 1], [], []>, transpose_lhs_hint = false} : vector<400x128xf32>, vector<128x32xf32>, vector<400x32xf32> -> vector<400x32xf32>
        %add3A_375 = arith.addf %add3A_346, %dot_general3A_374 : vector<400x32xf32>
        %slice3A_376 = vector.extract_strided_slice %dot_general3A_5 {offsets = [0, 8], sizes = [400, 1], strides = [1, 1]} : vector<400x16xf32> to vector<400x1xf32>
        %slice3A_377 = vector.extract_strided_slice %add3A_143 {offsets = [8, 0], sizes = [1, 128], strides = [1, 1]} : vector<16x128xf32> to vector<1x128xf32>
        %add3A_378 = vector.broadcast %slice3A_376 : vector<400x1xf32> to vector<400x128xf32>
        %add3A_379 = vector.broadcast %slice3A_377 : vector<1x128xf32> to vector<400x128xf32>
        %add3A_380 = arith.addf %add3A_378, %add3A_379 : vector<400x128xf32>
        %integer_pow3A_381 = arith.mulf %add3A_380, %add3A_380 : vector<400x128xf32>
        %integer_pow3A_382 = arith.mulf %add3A_380, %integer_pow3A_381 : vector<400x128xf32>
        %mul3A_383 = arith.constant 4.471500e-02 : f32
        %mul3A_384 = vector.broadcast %mul3A_383 : f32 to vector<400x128xf32>
        %mul3A_385 = arith.mulf %mul3A_384, %integer_pow3A_382 : vector<400x128xf32>
        %add3A_386 = arith.addf %add3A_380, %mul3A_385 : vector<400x128xf32>
        %mul3A_387 = arith.constant 0.797884583 : f32
        %mul3A_388 = vector.broadcast %mul3A_387 : f32 to vector<400x128xf32>
        %mul3A_389 = arith.mulf %mul3A_388, %add3A_386 : vector<400x128xf32>
        %tanh3A_390 = math.tanh %mul3A_389 : vector<400x128xf32>
        %add3A_391 = arith.constant 1.000000e+00 : f32
        %add3A_392 = vector.broadcast %add3A_391 : f32 to vector<400x128xf32>
        %add3A_393 = arith.addf %add3A_392, %tanh3A_390 : vector<400x128xf32>
        %mul3A_394 = arith.constant 5.000000e-01 : f32
        %mul3A_395 = vector.broadcast %mul3A_394 : f32 to vector<400x128xf32>
        %mul3A_396 = arith.mulf %mul3A_395, %add3A_393 : vector<400x128xf32>
        %mul3A_397 = arith.mulf %add3A_380, %mul3A_396 : vector<400x128xf32>
        %mul3A_398 = arith.mulf %mul3A_397, %convert_element_type3A_136 : vector<400x128xf32>
        %slice3A_399 = vector.extract_strided_slice %get3A_8 {offsets = [8, 0], sizes = [1, 32], strides = [1, 1]} : vector<16x32xf32> to vector<1x32xf32>
        %mul3A_400 = vector.broadcast %slice3A_399 : vector<1x32xf32> to vector<128x32xf32>
        %mul3A_401 = arith.mulf %get3A_111, %mul3A_400 : vector<128x32xf32>
        %dot_general3A_402 = arith.constant dense<0.000000e+00> : vector<400x32xf32>
        %dot_general3A_403 = tpu.matmul %mul3A_398, %mul3A_401, %dot_general3A_402 {dimension_numbers = #tpu.dot_dimension_numbers<[1], [0], [0], [1], [0, 0, 1, 1], [], []>, transpose_lhs_hint = false} : vector<400x128xf32>, vector<128x32xf32>, vector<400x32xf32> -> vector<400x32xf32>
        %add3A_404 = arith.addf %add3A_375, %dot_general3A_403 : vector<400x32xf32>
        %slice3A_405 = vector.extract_strided_slice %dot_general3A_5 {offsets = [0, 9], sizes = [400, 1], strides = [1, 1]} : vector<400x16xf32> to vector<400x1xf32>
        %slice3A_406 = vector.extract_strided_slice %add3A_143 {offsets = [9, 0], sizes = [1, 128], strides = [1, 1]} : vector<16x128xf32> to vector<1x128xf32>
        %add3A_407 = vector.broadcast %slice3A_405 : vector<400x1xf32> to vector<400x128xf32>
        %add3A_408 = vector.broadcast %slice3A_406 : vector<1x128xf32> to vector<400x128xf32>
        %add3A_409 = arith.addf %add3A_407, %add3A_408 : vector<400x128xf32>
        %integer_pow3A_410 = arith.mulf %add3A_409, %add3A_409 : vector<400x128xf32>
        %integer_pow3A_411 = arith.mulf %add3A_409, %integer_pow3A_410 : vector<400x128xf32>
        %mul3A_412 = arith.constant 4.471500e-02 : f32
        %mul3A_413 = vector.broadcast %mul3A_412 : f32 to vector<400x128xf32>
        %mul3A_414 = arith.mulf %mul3A_413, %integer_pow3A_411 : vector<400x128xf32>
        %add3A_415 = arith.addf %add3A_409, %mul3A_414 : vector<400x128xf32>
        %mul3A_416 = arith.constant 0.797884583 : f32
        %mul3A_417 = vector.broadcast %mul3A_416 : f32 to vector<400x128xf32>
        %mul3A_418 = arith.mulf %mul3A_417, %add3A_415 : vector<400x128xf32>
        %tanh3A_419 = math.tanh %mul3A_418 : vector<400x128xf32>
        %add3A_420 = arith.constant 1.000000e+00 : f32
        %add3A_421 = vector.broadcast %add3A_420 : f32 to vector<400x128xf32>
        %add3A_422 = arith.addf %add3A_421, %tanh3A_419 : vector<400x128xf32>
        %mul3A_423 = arith.constant 5.000000e-01 : f32
        %mul3A_424 = vector.broadcast %mul3A_423 : f32 to vector<400x128xf32>
        %mul3A_425 = arith.mulf %mul3A_424, %add3A_422 : vector<400x128xf32>
        %mul3A_426 = arith.mulf %add3A_409, %mul3A_425 : vector<400x128xf32>
        %mul3A_427 = arith.mulf %mul3A_426, %convert_element_type3A_136 : vector<400x128xf32>
        %slice3A_428 = vector.extract_strided_slice %get3A_8 {offsets = [9, 0], sizes = [1, 32], strides = [1, 1]} : vector<16x32xf32> to vector<1x32xf32>
        %mul3A_429 = vector.broadcast %slice3A_428 : vector<1x32xf32> to vector<128x32xf32>
        %mul3A_430 = arith.mulf %get3A_111, %mul3A_429 : vector<128x32xf32>
        %dot_general3A_431 = arith.constant dense<0.000000e+00> : vector<400x32xf32>
        %dot_general3A_432 = tpu.matmul %mul3A_427, %mul3A_430, %dot_general3A_431 {dimension_numbers = #tpu.dot_dimension_numbers<[1], [0], [0], [1], [0, 0, 1, 1], [], []>, transpose_lhs_hint = false} : vector<400x128xf32>, vector<128x32xf32>, vector<400x32xf32> -> vector<400x32xf32>
        %add3A_433 = arith.addf %add3A_404, %dot_general3A_432 : vector<400x32xf32>
        %slice3A_434 = vector.extract_strided_slice %dot_general3A_5 {offsets = [0, 10], sizes = [400, 1], strides = [1, 1]} : vector<400x16xf32> to vector<400x1xf32>
        %slice3A_435 = vector.extract_strided_slice %add3A_143 {offsets = [10, 0], sizes = [1, 128], strides = [1, 1]} : vector<16x128xf32> to vector<1x128xf32>
        %add3A_436 = vector.broadcast %slice3A_434 : vector<400x1xf32> to vector<400x128xf32>
        %add3A_437 = vector.broadcast %slice3A_435 : vector<1x128xf32> to vector<400x128xf32>
        %add3A_438 = arith.addf %add3A_436, %add3A_437 : vector<400x128xf32>
        %integer_pow3A_439 = arith.mulf %add3A_438, %add3A_438 : vector<400x128xf32>
        %integer_pow3A_440 = arith.mulf %add3A_438, %integer_pow3A_439 : vector<400x128xf32>
        %mul3A_441 = arith.constant 4.471500e-02 : f32
        %mul3A_442 = vector.broadcast %mul3A_441 : f32 to vector<400x128xf32>
        %mul3A_443 = arith.mulf %mul3A_442, %integer_pow3A_440 : vector<400x128xf32>
        %add3A_444 = arith.addf %add3A_438, %mul3A_443 : vector<400x128xf32>
        %mul3A_445 = arith.constant 0.797884583 : f32
        %mul3A_446 = vector.broadcast %mul3A_445 : f32 to vector<400x128xf32>
        %mul3A_447 = arith.mulf %mul3A_446, %add3A_444 : vector<400x128xf32>
        %tanh3A_448 = math.tanh %mul3A_447 : vector<400x128xf32>
        %add3A_449 = arith.constant 1.000000e+00 : f32
        %add3A_450 = vector.broadcast %add3A_449 : f32 to vector<400x128xf32>
        %add3A_451 = arith.addf %add3A_450, %tanh3A_448 : vector<400x128xf32>
        %mul3A_452 = arith.constant 5.000000e-01 : f32
        %mul3A_453 = vector.broadcast %mul3A_452 : f32 to vector<400x128xf32>
        %mul3A_454 = arith.mulf %mul3A_453, %add3A_451 : vector<400x128xf32>
        %mul3A_455 = arith.mulf %add3A_438, %mul3A_454 : vector<400x128xf32>
        %mul3A_456 = arith.mulf %mul3A_455, %convert_element_type3A_136 : vector<400x128xf32>
        %slice3A_457 = vector.extract_strided_slice %get3A_8 {offsets = [10, 0], sizes = [1, 32], strides = [1, 1]} : vector<16x32xf32> to vector<1x32xf32>
        %mul3A_458 = vector.broadcast %slice3A_457 : vector<1x32xf32> to vector<128x32xf32>
        %mul3A_459 = arith.mulf %get3A_111, %mul3A_458 : vector<128x32xf32>
        %dot_general3A_460 = arith.constant dense<0.000000e+00> : vector<400x32xf32>
        %dot_general3A_461 = tpu.matmul %mul3A_456, %mul3A_459, %dot_general3A_460 {dimension_numbers = #tpu.dot_dimension_numbers<[1], [0], [0], [1], [0, 0, 1, 1], [], []>, transpose_lhs_hint = false} : vector<400x128xf32>, vector<128x32xf32>, vector<400x32xf32> -> vector<400x32xf32>
        %add3A_462 = arith.addf %add3A_433, %dot_general3A_461 : vector<400x32xf32>
        %slice3A_463 = vector.extract_strided_slice %dot_general3A_5 {offsets = [0, 11], sizes = [400, 1], strides = [1, 1]} : vector<400x16xf32> to vector<400x1xf32>
        %slice3A_464 = vector.extract_strided_slice %add3A_143 {offsets = [11, 0], sizes = [1, 128], strides = [1, 1]} : vector<16x128xf32> to vector<1x128xf32>
        %add3A_465 = vector.broadcast %slice3A_463 : vector<400x1xf32> to vector<400x128xf32>
        %add3A_466 = vector.broadcast %slice3A_464 : vector<1x128xf32> to vector<400x128xf32>
        %add3A_467 = arith.addf %add3A_465, %add3A_466 : vector<400x128xf32>
        %integer_pow3A_468 = arith.mulf %add3A_467, %add3A_467 : vector<400x128xf32>
        %integer_pow3A_469 = arith.mulf %add3A_467, %integer_pow3A_468 : vector<400x128xf32>
        %mul3A_470 = arith.constant 4.471500e-02 : f32
        %mul3A_471 = vector.broadcast %mul3A_470 : f32 to vector<400x128xf32>
        %mul3A_472 = arith.mulf %mul3A_471, %integer_pow3A_469 : vector<400x128xf32>
        %add3A_473 = arith.addf %add3A_467, %mul3A_472 : vector<400x128xf32>
        %mul3A_474 = arith.constant 0.797884583 : f32
        %mul3A_475 = vector.broadcast %mul3A_474 : f32 to vector<400x128xf32>
        %mul3A_476 = arith.mulf %mul3A_475, %add3A_473 : vector<400x128xf32>
        %tanh3A_477 = math.tanh %mul3A_476 : vector<400x128xf32>
        %add3A_478 = arith.constant 1.000000e+00 : f32
        %add3A_479 = vector.broadcast %add3A_478 : f32 to vector<400x128xf32>
        %add3A_480 = arith.addf %add3A_479, %tanh3A_477 : vector<400x128xf32>
        %mul3A_481 = arith.constant 5.000000e-01 : f32
        %mul3A_482 = vector.broadcast %mul3A_481 : f32 to vector<400x128xf32>
        %mul3A_483 = arith.mulf %mul3A_482, %add3A_480 : vector<400x128xf32>
        %mul3A_484 = arith.mulf %add3A_467, %mul3A_483 : vector<400x128xf32>
        %mul3A_485 = arith.mulf %mul3A_484, %convert_element_type3A_136 : vector<400x128xf32>
        %slice3A_486 = vector.extract_strided_slice %get3A_8 {offsets = [11, 0], sizes = [1, 32], strides = [1, 1]} : vector<16x32xf32> to vector<1x32xf32>
        %mul3A_487 = vector.broadcast %slice3A_486 : vector<1x32xf32> to vector<128x32xf32>
        %mul3A_488 = arith.mulf %get3A_111, %mul3A_487 : vector<128x32xf32>
        %dot_general3A_489 = arith.constant dense<0.000000e+00> : vector<400x32xf32>
        %dot_general3A_490 = tpu.matmul %mul3A_485, %mul3A_488, %dot_general3A_489 {dimension_numbers = #tpu.dot_dimension_numbers<[1], [0], [0], [1], [0, 0, 1, 1], [], []>, transpose_lhs_hint = false} : vector<400x128xf32>, vector<128x32xf32>, vector<400x32xf32> -> vector<400x32xf32>
        %add3A_491 = arith.addf %add3A_462, %dot_general3A_490 : vector<400x32xf32>
        %slice3A_492 = vector.extract_strided_slice %dot_general3A_5 {offsets = [0, 12], sizes = [400, 1], strides = [1, 1]} : vector<400x16xf32> to vector<400x1xf32>
        %slice3A_493 = vector.extract_strided_slice %add3A_143 {offsets = [12, 0], sizes = [1, 128], strides = [1, 1]} : vector<16x128xf32> to vector<1x128xf32>
        %add3A_494 = vector.broadcast %slice3A_492 : vector<400x1xf32> to vector<400x128xf32>
        %add3A_495 = vector.broadcast %slice3A_493 : vector<1x128xf32> to vector<400x128xf32>
        %add3A_496 = arith.addf %add3A_494, %add3A_495 : vector<400x128xf32>
        %integer_pow3A_497 = arith.mulf %add3A_496, %add3A_496 : vector<400x128xf32>
        %integer_pow3A_498 = arith.mulf %add3A_496, %integer_pow3A_497 : vector<400x128xf32>
        %mul3A_499 = arith.constant 4.471500e-02 : f32
        %mul3A_500 = vector.broadcast %mul3A_499 : f32 to vector<400x128xf32>
        %mul3A_501 = arith.mulf %mul3A_500, %integer_pow3A_498 : vector<400x128xf32>
        %add3A_502 = arith.addf %add3A_496, %mul3A_501 : vector<400x128xf32>
        %mul3A_503 = arith.constant 0.797884583 : f32
        %mul3A_504 = vector.broadcast %mul3A_503 : f32 to vector<400x128xf32>
        %mul3A_505 = arith.mulf %mul3A_504, %add3A_502 : vector<400x128xf32>
        %tanh3A_506 = math.tanh %mul3A_505 : vector<400x128xf32>
        %add3A_507 = arith.constant 1.000000e+00 : f32
        %add3A_508 = vector.broadcast %add3A_507 : f32 to vector<400x128xf32>
        %add3A_509 = arith.addf %add3A_508, %tanh3A_506 : vector<400x128xf32>
        %mul3A_510 = arith.constant 5.000000e-01 : f32
        %mul3A_511 = vector.broadcast %mul3A_510 : f32 to vector<400x128xf32>
        %mul3A_512 = arith.mulf %mul3A_511, %add3A_509 : vector<400x128xf32>
        %mul3A_513 = arith.mulf %add3A_496, %mul3A_512 : vector<400x128xf32>
        %mul3A_514 = arith.mulf %mul3A_513, %convert_element_type3A_136 : vector<400x128xf32>
        %slice3A_515 = vector.extract_strided_slice %get3A_8 {offsets = [12, 0], sizes = [1, 32], strides = [1, 1]} : vector<16x32xf32> to vector<1x32xf32>
        %mul3A_516 = vector.broadcast %slice3A_515 : vector<1x32xf32> to vector<128x32xf32>
        %mul3A_517 = arith.mulf %get3A_111, %mul3A_516 : vector<128x32xf32>
        %dot_general3A_518 = arith.constant dense<0.000000e+00> : vector<400x32xf32>
        %dot_general3A_519 = tpu.matmul %mul3A_514, %mul3A_517, %dot_general3A_518 {dimension_numbers = #tpu.dot_dimension_numbers<[1], [0], [0], [1], [0, 0, 1, 1], [], []>, transpose_lhs_hint = false} : vector<400x128xf32>, vector<128x32xf32>, vector<400x32xf32> -> vector<400x32xf32>
        %add3A_520 = arith.addf %add3A_491, %dot_general3A_519 : vector<400x32xf32>
        %slice3A_521 = vector.extract_strided_slice %dot_general3A_5 {offsets = [0, 13], sizes = [400, 1], strides = [1, 1]} : vector<400x16xf32> to vector<400x1xf32>
        %slice3A_522 = vector.extract_strided_slice %add3A_143 {offsets = [13, 0], sizes = [1, 128], strides = [1, 1]} : vector<16x128xf32> to vector<1x128xf32>
        %add3A_523 = vector.broadcast %slice3A_521 : vector<400x1xf32> to vector<400x128xf32>
        %add3A_524 = vector.broadcast %slice3A_522 : vector<1x128xf32> to vector<400x128xf32>
        %add3A_525 = arith.addf %add3A_523, %add3A_524 : vector<400x128xf32>
        %integer_pow3A_526 = arith.mulf %add3A_525, %add3A_525 : vector<400x128xf32>
        %integer_pow3A_527 = arith.mulf %add3A_525, %integer_pow3A_526 : vector<400x128xf32>
        %mul3A_528 = arith.constant 4.471500e-02 : f32
        %mul3A_529 = vector.broadcast %mul3A_528 : f32 to vector<400x128xf32>
        %mul3A_530 = arith.mulf %mul3A_529, %integer_pow3A_527 : vector<400x128xf32>
        %add3A_531 = arith.addf %add3A_525, %mul3A_530 : vector<400x128xf32>
        %mul3A_532 = arith.constant 0.797884583 : f32
        %mul3A_533 = vector.broadcast %mul3A_532 : f32 to vector<400x128xf32>
        %mul3A_534 = arith.mulf %mul3A_533, %add3A_531 : vector<400x128xf32>
        %tanh3A_535 = math.tanh %mul3A_534 : vector<400x128xf32>
        %add3A_536 = arith.constant 1.000000e+00 : f32
        %add3A_537 = vector.broadcast %add3A_536 : f32 to vector<400x128xf32>
        %add3A_538 = arith.addf %add3A_537, %tanh3A_535 : vector<400x128xf32>
        %mul3A_539 = arith.constant 5.000000e-01 : f32
        %mul3A_540 = vector.broadcast %mul3A_539 : f32 to vector<400x128xf32>
        %mul3A_541 = arith.mulf %mul3A_540, %add3A_538 : vector<400x128xf32>
        %mul3A_542 = arith.mulf %add3A_525, %mul3A_541 : vector<400x128xf32>
        %mul3A_543 = arith.mulf %mul3A_542, %convert_element_type3A_136 : vector<400x128xf32>
        %slice3A_544 = vector.extract_strided_slice %get3A_8 {offsets = [13, 0], sizes = [1, 32], strides = [1, 1]} : vector<16x32xf32> to vector<1x32xf32>
        %mul3A_545 = vector.broadcast %slice3A_544 : vector<1x32xf32> to vector<128x32xf32>
        %mul3A_546 = arith.mulf %get3A_111, %mul3A_545 : vector<128x32xf32>
        %dot_general3A_547 = arith.constant dense<0.000000e+00> : vector<400x32xf32>
        %dot_general3A_548 = tpu.matmul %mul3A_543, %mul3A_546, %dot_general3A_547 {dimension_numbers = #tpu.dot_dimension_numbers<[1], [0], [0], [1], [0, 0, 1, 1], [], []>, transpose_lhs_hint = false} : vector<400x128xf32>, vector<128x32xf32>, vector<400x32xf32> -> vector<400x32xf32>
        %add3A_549 = arith.addf %add3A_520, %dot_general3A_548 : vector<400x32xf32>
        %slice3A_550 = vector.extract_strided_slice %dot_general3A_5 {offsets = [0, 14], sizes = [400, 1], strides = [1, 1]} : vector<400x16xf32> to vector<400x1xf32>
        %slice3A_551 = vector.extract_strided_slice %add3A_143 {offsets = [14, 0], sizes = [1, 128], strides = [1, 1]} : vector<16x128xf32> to vector<1x128xf32>
        %add3A_552 = vector.broadcast %slice3A_550 : vector<400x1xf32> to vector<400x128xf32>
        %add3A_553 = vector.broadcast %slice3A_551 : vector<1x128xf32> to vector<400x128xf32>
        %add3A_554 = arith.addf %add3A_552, %add3A_553 : vector<400x128xf32>
        %integer_pow3A_555 = arith.mulf %add3A_554, %add3A_554 : vector<400x128xf32>
        %integer_pow3A_556 = arith.mulf %add3A_554, %integer_pow3A_555 : vector<400x128xf32>
        %mul3A_557 = arith.constant 4.471500e-02 : f32
        %mul3A_558 = vector.broadcast %mul3A_557 : f32 to vector<400x128xf32>
        %mul3A_559 = arith.mulf %mul3A_558, %integer_pow3A_556 : vector<400x128xf32>
        %add3A_560 = arith.addf %add3A_554, %mul3A_559 : vector<400x128xf32>
        %mul3A_561 = arith.constant 0.797884583 : f32
        %mul3A_562 = vector.broadcast %mul3A_561 : f32 to vector<400x128xf32>
        %mul3A_563 = arith.mulf %mul3A_562, %add3A_560 : vector<400x128xf32>
        %tanh3A_564 = math.tanh %mul3A_563 : vector<400x128xf32>
        %add3A_565 = arith.constant 1.000000e+00 : f32
        %add3A_566 = vector.broadcast %add3A_565 : f32 to vector<400x128xf32>
        %add3A_567 = arith.addf %add3A_566, %tanh3A_564 : vector<400x128xf32>
        %mul3A_568 = arith.constant 5.000000e-01 : f32
        %mul3A_569 = vector.broadcast %mul3A_568 : f32 to vector<400x128xf32>
        %mul3A_570 = arith.mulf %mul3A_569, %add3A_567 : vector<400x128xf32>
        %mul3A_571 = arith.mulf %add3A_554, %mul3A_570 : vector<400x128xf32>
        %mul3A_572 = arith.mulf %mul3A_571, %convert_element_type3A_136 : vector<400x128xf32>
        %slice3A_573 = vector.extract_strided_slice %get3A_8 {offsets = [14, 0], sizes = [1, 32], strides = [1, 1]} : vector<16x32xf32> to vector<1x32xf32>
        %mul3A_574 = vector.broadcast %slice3A_573 : vector<1x32xf32> to vector<128x32xf32>
        %mul3A_575 = arith.mulf %get3A_111, %mul3A_574 : vector<128x32xf32>
        %dot_general3A_576 = arith.constant dense<0.000000e+00> : vector<400x32xf32>
        %dot_general3A_577 = tpu.matmul %mul3A_572, %mul3A_575, %dot_general3A_576 {dimension_numbers = #tpu.dot_dimension_numbers<[1], [0], [0], [1], [0, 0, 1, 1], [], []>, transpose_lhs_hint = false} : vector<400x128xf32>, vector<128x32xf32>, vector<400x32xf32> -> vector<400x32xf32>
        %add3A_578 = arith.addf %add3A_549, %dot_general3A_577 : vector<400x32xf32>
        %slice3A_579 = vector.extract_strided_slice %dot_general3A_5 {offsets = [0, 15], sizes = [400, 1], strides = [1, 1]} : vector<400x16xf32> to vector<400x1xf32>
        %slice3A_580 = vector.extract_strided_slice %add3A_143 {offsets = [15, 0], sizes = [1, 128], strides = [1, 1]} : vector<16x128xf32> to vector<1x128xf32>
        %add3A_581 = vector.broadcast %slice3A_579 : vector<400x1xf32> to vector<400x128xf32>
        %add3A_582 = vector.broadcast %slice3A_580 : vector<1x128xf32> to vector<400x128xf32>
        %add3A_583 = arith.addf %add3A_581, %add3A_582 : vector<400x128xf32>
        %integer_pow3A_584 = arith.mulf %add3A_583, %add3A_583 : vector<400x128xf32>
        %integer_pow3A_585 = arith.mulf %add3A_583, %integer_pow3A_584 : vector<400x128xf32>
        %mul3A_586 = arith.constant 4.471500e-02 : f32
        %mul3A_587 = vector.broadcast %mul3A_586 : f32 to vector<400x128xf32>
        %mul3A_588 = arith.mulf %mul3A_587, %integer_pow3A_585 : vector<400x128xf32>
        %add3A_589 = arith.addf %add3A_583, %mul3A_588 : vector<400x128xf32>
        %mul3A_590 = arith.constant 0.797884583 : f32
        %mul3A_591 = vector.broadcast %mul3A_590 : f32 to vector<400x128xf32>
        %mul3A_592 = arith.mulf %mul3A_591, %add3A_589 : vector<400x128xf32>
        %tanh3A_593 = math.tanh %mul3A_592 : vector<400x128xf32>
        %add3A_594 = arith.constant 1.000000e+00 : f32
        %add3A_595 = vector.broadcast %add3A_594 : f32 to vector<400x128xf32>
        %add3A_596 = arith.addf %add3A_595, %tanh3A_593 : vector<400x128xf32>
        %mul3A_597 = arith.constant 5.000000e-01 : f32
        %mul3A_598 = vector.broadcast %mul3A_597 : f32 to vector<400x128xf32>
        %mul3A_599 = arith.mulf %mul3A_598, %add3A_596 : vector<400x128xf32>
        %mul3A_600 = arith.mulf %add3A_583, %mul3A_599 : vector<400x128xf32>
        %mul3A_601 = arith.mulf %mul3A_600, %convert_element_type3A_136 : vector<400x128xf32>
        %slice3A_602 = vector.extract_strided_slice %get3A_8 {offsets = [15, 0], sizes = [1, 32], strides = [1, 1]} : vector<16x32xf32> to vector<1x32xf32>
        %mul3A_603 = vector.broadcast %slice3A_602 : vector<1x32xf32> to vector<128x32xf32>
        %mul3A_604 = arith.mulf %get3A_111, %mul3A_603 : vector<128x32xf32>
        %dot_general3A_605 = arith.constant dense<0.000000e+00> : vector<400x32xf32>
        %dot_general3A_606 = tpu.matmul %mul3A_601, %mul3A_604, %dot_general3A_605 {dimension_numbers = #tpu.dot_dimension_numbers<[1], [0], [0], [1], [0, 0, 1, 1], [], []>, transpose_lhs_hint = false} : vector<400x128xf32>, vector<128x32xf32>, vector<400x32xf32> -> vector<400x32xf32>
        %add3A_607 = arith.addf %add3A_578, %dot_general3A_606 : vector<400x32xf32>
        %mul3A_608 = vector.broadcast %get3A_11 : vector<1x32xf32> to vector<128x32xf32>
        %mul3A_609 = arith.mulf %get3A_111, %mul3A_608 : vector<128x32xf32>
        %dot_general3A_610 = arith.constant dense<0.000000e+00> : vector<400x32xf32>
        %dot_general3A_611 = tpu.matmul %convert_element_type3A_136, %mul3A_609, %dot_general3A_610 {dimension_numbers = #tpu.dot_dimension_numbers<[1], [0], [0], [1], [0, 0, 1, 1], [], []>, transpose_lhs_hint = false} : vector<400x128xf32>, vector<128x32xf32>, vector<400x32xf32> -> vector<400x32xf32>
        %add3A_612 = arith.addf %add3A_607, %dot_general3A_611 : vector<400x32xf32>
        scf.yield %add3A_612, %add3A_139 : vector<400x32xf32>, vector<400x1xf32>
      }
      scf.yield %while3A_100#0, %while3A_100#1 : vector<400x32xf32>, vector<400x1xf32>
    }
    %max3A = arith.constant 1.000000e+00 : f32
    %max3A_37 = vector.broadcast %max3A : f32 to vector<400x1xf32>
    %max3A_38 = arith.maximumf %while3A_36#1, %max3A_37 : vector<400x1xf32>
    %div3A = vector.broadcast %max3A_38 : vector<400x1xf32> to vector<400x32xf32>
    %div3A_39 = arith.divf %while3A_36#0, %div3A : vector<400x32xf32>
    %get3A_40 = arith.constant 0 : index
    %get3A_41 = arith.constant 0 : index
    %get3A_42 = vector.load %arg13[%get3A_40, %get3A_41] : memref<32x64xf32, #tpu.memory_space<vmem>>, vector<32x64xf32>
    %dot_general3A_43 = arith.constant dense<0.000000e+00> : vector<400x64xf32>
    %dot_general3A_44 = tpu.matmul %div3A_39, %get3A_42, %dot_general3A_43 {dimension_numbers = #tpu.dot_dimension_numbers<[1], [0], [0], [1], [0, 0, 1, 1], [], []>, transpose_lhs_hint = false} : vector<400x32xf32>, vector<32x64xf32>, vector<400x64xf32> -> vector<400x64xf32>
    %get3A_45 = arith.constant 0 : index
    %get3A_46 = arith.constant 0 : index
    %get3A_47 = vector.load %arg14[%get3A_45, %get3A_46] : memref<1x64xf32, #tpu.memory_space<vmem>>, vector<1x64xf32>
    %add3A = vector.broadcast %get3A_47 : vector<1x64xf32> to vector<400x64xf32>
    %add3A_48 = arith.addf %dot_general3A_44, %add3A : vector<400x64xf32>
    %integer_pow3A = arith.mulf %add3A_48, %add3A_48 : vector<400x64xf32>
    %integer_pow3A_49 = arith.mulf %add3A_48, %integer_pow3A : vector<400x64xf32>
    %mul3A = arith.constant 4.471500e-02 : f32
    %mul3A_50 = vector.broadcast %mul3A : f32 to vector<400x64xf32>
    %mul3A_51 = arith.mulf %mul3A_50, %integer_pow3A_49 : vector<400x64xf32>
    %add3A_52 = arith.addf %add3A_48, %mul3A_51 : vector<400x64xf32>
    %mul3A_53 = arith.constant 0.797884583 : f32
    %mul3A_54 = vector.broadcast %mul3A_53 : f32 to vector<400x64xf32>
    %mul3A_55 = arith.mulf %mul3A_54, %add3A_52 : vector<400x64xf32>
    %tanh3A = math.tanh %mul3A_55 : vector<400x64xf32>
    %add3A_56 = arith.constant 1.000000e+00 : f32
    %add3A_57 = vector.broadcast %add3A_56 : f32 to vector<400x64xf32>
    %add3A_58 = arith.addf %add3A_57, %tanh3A : vector<400x64xf32>
    %mul3A_59 = arith.constant 5.000000e-01 : f32
    %mul3A_60 = vector.broadcast %mul3A_59 : f32 to vector<400x64xf32>
    %mul3A_61 = arith.mulf %mul3A_60, %add3A_58 : vector<400x64xf32>
    %mul3A_62 = arith.mulf %add3A_48, %mul3A_61 : vector<400x64xf32>
    %get3A_63 = arith.constant 0 : index
    %get3A_64 = arith.constant 0 : index
    %get3A_65 = vector.load %arg15[%get3A_63, %get3A_64] : memref<64x3xf32, #tpu.memory_space<vmem>>, vector<64x3xf32>
    %dot_general3A_66 = arith.constant dense<0.000000e+00> : vector<400x3xf32>
    %dot_general3A_67 = tpu.matmul %mul3A_62, %get3A_65, %dot_general3A_66 {dimension_numbers = #tpu.dot_dimension_numbers<[1], [0], [0], [1], [0, 0, 1, 1], [], []>, transpose_lhs_hint = false} : vector<400x64xf32>, vector<64x3xf32>, vector<400x3xf32> -> vector<400x3xf32>
    %get3A_68 = arith.constant 0 : index
    %get3A_69 = arith.constant 0 : index
    %get3A_70 = vector.load %arg16[%get3A_68, %get3A_69] : memref<1x3xf32, #tpu.memory_space<vmem>>, vector<1x3xf32>
    %add3A_71 = vector.broadcast %get3A_70 : vector<1x3xf32> to vector<400x3xf32>
    %add3A_72 = arith.addf %dot_general3A_67, %add3A_71 : vector<400x3xf32>
    %swap3A = arith.constant 0 : index
    %swap3A_73 = arith.constant 0 : index
    %swap3A_74 = vector.load %arg17[%swap3A, %swap3A_73] : memref<400x3xf32, #tpu.memory_space<vmem>>, vector<400x3xf32>
    tpu.vector_store %arg17[%swap3A, %swap3A_73], %add3A_72 {strides = array<i32>} : memref<400x3xf32, #tpu.memory_space<vmem>>, vector<400x3xf32>,
    return
  }
  func.func @transform_0(%arg0: i32, %arg1: memref<125x30xi32, #tpu.memory_space<smem>>, %arg2: memref<125x30xi32, #tpu.memory_space<smem>>, %arg3: memref<125x30xi32, #tpu.memory_space<smem>>, %arg4: memref<125x30xi32, #tpu.memory_space<smem>>, %arg5: memref<125xi32, #tpu.memory_space<smem>>) -> (i32, i32) {
    %c0_i32 = arith.constant 0 : i32
    %c0_i32_0 = arith.constant 0 : i32
    return %arg0, %c0_i32 : i32, i32
  }
  func.func @transform_1(%arg0: i32, %arg1: memref<125x30xi32, #tpu.memory_space<smem>>, %arg2: memref<125x30xi32, #tpu.memory_space<smem>>, %arg3: memref<125x30xi32, #tpu.memory_space<smem>>, %arg4: memref<125x30xi32, #tpu.memory_space<smem>>, %arg5: memref<125xi32, #tpu.memory_space<smem>>) -> (i32, i32) {
    %c0_i32 = arith.constant 0 : i32
    %c0_i32_0 = arith.constant 0 : i32
    %c0_i32_1 = arith.constant 0 : i32
    return %c0_i32, %c0_i32_0 : i32, i32
  }
  func.func @transform_2(%arg0: i32, %arg1: memref<125x30xi32, #tpu.memory_space<smem>>, %arg2: memref<125x30xi32, #tpu.memory_space<smem>>, %arg3: memref<125x30xi32, #tpu.memory_space<smem>>, %arg4: memref<125x30xi32, #tpu.memory_space<smem>>, %arg5: memref<125xi32, #tpu.memory_space<smem>>) -> (i32, i32) {
    %c0_i32 = arith.constant 0 : i32
    %c0_i32_0 = arith.constant 0 : i32
    %c0_i32_1 = arith.constant 0 : i32
    return %c0_i32, %c0_i32_0 : i32, i32
  }
  func.func @transform_3(%arg0: i32, %arg1: memref<125x30xi32, #tpu.memory_space<smem>>, %arg2: memref<125x30xi32, #tpu.memory_space<smem>>, %arg3: memref<125x30xi32, #tpu.memory_space<smem>>, %arg4: memref<125x30xi32, #tpu.memory_space<smem>>, %arg5: memref<125xi32, #tpu.memory_space<smem>>) -> (i32, i32) {
    %c0_i32 = arith.constant 0 : i32
    %c0_i32_0 = arith.constant 0 : i32
    %c0_i32_1 = arith.constant 0 : i32
    return %c0_i32, %c0_i32_0 : i32, i32
  }
  func.func @transform_4(%arg0: i32, %arg1: memref<125x30xi32, #tpu.memory_space<smem>>, %arg2: memref<125x30xi32, #tpu.memory_space<smem>>, %arg3: memref<125x30xi32, #tpu.memory_space<smem>>, %arg4: memref<125x30xi32, #tpu.memory_space<smem>>, %arg5: memref<125xi32, #tpu.memory_space<smem>>) -> (i32, i32) {
    %c0_i32 = arith.constant 0 : i32
    %c0_i32_0 = arith.constant 0 : i32
    %c0_i32_1 = arith.constant 0 : i32
    return %c0_i32, %c0_i32_0 : i32, i32
  }
  func.func @transform_5(%arg0: i32, %arg1: memref<125x30xi32, #tpu.memory_space<smem>>, %arg2: memref<125x30xi32, #tpu.memory_space<smem>>, %arg3: memref<125x30xi32, #tpu.memory_space<smem>>, %arg4: memref<125x30xi32, #tpu.memory_space<smem>>, %arg5: memref<125xi32, #tpu.memory_space<smem>>) -> (i32, i32) {
    %c0_i32 = arith.constant 0 : i32
    %c0_i32_0 = arith.constant 0 : i32
    %c0_i32_1 = arith.constant 0 : i32
    return %c0_i32, %c0_i32_0 : i32, i32
  }
  func.func @transform_6(%arg0: i32, %arg1: memref<125x30xi32, #tpu.memory_space<smem>>, %arg2: memref<125x30xi32, #tpu.memory_space<smem>>, %arg3: memref<125x30xi32, #tpu.memory_space<smem>>, %arg4: memref<125x30xi32, #tpu.memory_space<smem>>, %arg5: memref<125xi32, #tpu.memory_space<smem>>) -> (i32, i32) {
    %c0_i32 = arith.constant 0 : i32
    %c0_i32_0 = arith.constant 0 : i32
    %c0_i32_1 = arith.constant 0 : i32
    return %c0_i32, %c0_i32_0 : i32, i32
  }
  func.func @transform_7(%arg0: i32, %arg1: memref<125x30xi32, #tpu.memory_space<smem>>, %arg2: memref<125x30xi32, #tpu.memory_space<smem>>, %arg3: memref<125x30xi32, #tpu.memory_space<smem>>, %arg4: memref<125x30xi32, #tpu.memory_space<smem>>, %arg5: memref<125xi32, #tpu.memory_space<smem>>) -> (i32, i32) {
    %c0_i32 = arith.constant 0 : i32
    %c0_i32_0 = arith.constant 0 : i32
    %c0_i32_1 = arith.constant 0 : i32
    return %c0_i32, %c0_i32_0 : i32, i32
  }
  func.func @transform_8(%arg0: i32, %arg1: memref<125x30xi32, #tpu.memory_space<smem>>, %arg2: memref<125x30xi32, #tpu.memory_space<smem>>, %arg3: memref<125x30xi32, #tpu.memory_space<smem>>, %arg4: memref<125x30xi32, #tpu.memory_space<smem>>, %arg5: memref<125xi32, #tpu.memory_space<smem>>) -> (i32, i32) {
    %c0_i32 = arith.constant 0 : i32
    %c0_i32_0 = arith.constant 0 : i32
    %c0_i32_1 = arith.constant 0 : i32
    return %c0_i32, %c0_i32_0 : i32, i32
  }
  func.func @transform_9(%arg0: i32, %arg1: memref<125x30xi32, #tpu.memory_space<smem>>, %arg2: memref<125x30xi32, #tpu.memory_space<smem>>, %arg3: memref<125x30xi32, #tpu.memory_space<smem>>, %arg4: memref<125x30xi32, #tpu.memory_space<smem>>, %arg5: memref<125xi32, #tpu.memory_space<smem>>) -> (i32, i32) {
    %c0_i32 = arith.constant 0 : i32
    %c0_i32_0 = arith.constant 0 : i32
    %c0_i32_1 = arith.constant 0 : i32
    return %c0_i32, %c0_i32_0 : i32, i32
  }
  func.func @transform_10(%arg0: i32, %arg1: memref<125x30xi32, #tpu.memory_space<smem>>, %arg2: memref<125x30xi32, #tpu.memory_space<smem>>, %arg3: memref<125x30xi32, #tpu.memory_space<smem>>, %arg4: memref<125x30xi32, #tpu.memory_space<smem>>, %arg5: memref<125xi32, #tpu.memory_space<smem>>) -> (i32, i32) {
    %c0_i32 = arith.constant 0 : i32
    %c0_i32_0 = arith.constant 0 : i32
    %c0_i32_1 = arith.constant 0 : i32
    return %c0_i32, %c0_i32_0 : i32, i32
  }
  func.func @transform_11(%arg0: i32, %arg1: memref<125x30xi32, #tpu.memory_space<smem>>, %arg2: memref<125x30xi32, #tpu.memory_space<smem>>, %arg3: memref<125x30xi32, #tpu.memory_space<smem>>, %arg4: memref<125x30xi32, #tpu.memory_space<smem>>, %arg5: memref<125xi32, #tpu.memory_space<smem>>) -> (i32, i32) {
    %c0_i32 = arith.constant 0 : i32
    %c0_i32_0 = arith.constant 0 : i32
    return %arg0, %c0_i32 : i32, i32
  }
}

</mosaic_0001>

<sc_bundles>
// kernel: gather_offload_async_start.1
scs
__scs_entry_jumppad:
0x0: {  	(pc) =	sbr.rel $0x88, $3  }
0x1: {  	(tag) =	ssettag $0x0;
	lr =	simm.s32 $0x1  }
0x2: {  	[smem:$0x3F96] =	sst lr;
	_ =	strace $0xD0000000  }
0x3: {  	_ = 	snop  }
0x4: {  	_ = 	snop  }
0x5: {  	_ = 	snop  }
0x6: {  	_ = 	snop  }
0x7: {  	_ = 	snop  }
__scs_overlays_trampoline_lowered:
0x8: {  	[smem:$0x3FA5] =	sst s0  }
0x9: {  	[smem:$0x3FA6] =	sst s1  }
0xa: {  	[smem:$0x3FA7] =	sst s2  }
0xb: {  	[smem:$0x3FA8] =	sst s3  }
0xc: {  	[smem:$0x3FA9] =	sst s4  }
0xd: {  	[smem:$0x3FAA] =	sst s5  }
0xe: {  	[smem:$0x3FAB] =	sst s6  }
0xf: {  	[smem:$0x3FAC] =	sst s7  }
0x10: {  	[smem:$0x3FAD] =	sst s8  }
0x11: {  	[smem:$0x3FAE] =	sst s9;
	s0 =	simm.s32 @!p0 $0x0  }
0x12: {  	s1 =	sld [smem:$0x3F94];
	s0 =	simm.s32 @p0 $0x1  }
0x13: {  	[smem:$0x3FAF] =	sst s0;
	s0 =	simm.s32 @!p1 $0x0  }
0x14: {  	s2 =	sld [smem:$0x3F93];
	s0 =	simm.s32 @p1 $0x1  }
0x15: {  	[smem:$0x3FB0] =	sst s0;
	s0 =	simm.s32 @!p2 $0x0  }
0x16: {  	s3 =	sld [smem:$0x3FDB];
	s0 =	simm.s32 @p2 $0x1  }
0x17: {  	s4 =	simm.s32 $0x1BF5;
	[smem:$0x3FB2] =	sst s0  }
0x18: {  	s0 =	sld [smem:$0x3F95];
	_ =	swait.ge [sflag:s4], $0x0  }
0x19: {  	s7 =	sld [smem:$0x3F96]  }
0x1a: {  	s8 =	sadd.s32 $0xFFFFE003, lr  }
0x1b: {  	s9 =	sadd.s32 $0xFFFFFEF7, lr;
	s5 =	simm.s32 $0xFFFFFFFF;
	p2 =	slt.u32 s8, $0xFFFFF086  }
0x1c: {  	p1 =	slt.u32 s9, $0xF7A;
	s5 =	simm.s32 @!p2 $0x0  }
0x1d: {  	s5 =	simm.s32 @p1 $0x1;
	p0 =	seq.s32 s7, s2  }
0x1e: {  	s7 =	smul.u32 @!p0 $0xF7A, s2;
	p2 =	seq.s32 @!p0 s5, $0x0  }
0x1f: {  	s9 =	smul.u32 $0xF7A, s1;
	s8 =	simm.s32 @!p0 $0x1BF5;
	p2 =	por !p2, p0  }
0x20: {  	[sflag:s8] =	ssyncset.s32 @!p0 $0xFFFFF086;
	s6 =	sadd.s32 @!p0 s3, s7;
	s7 =	simm.s32 @!p0 $0x108  }
0x21: {  	s3 =	sadd.s32 s3, s9;
	s6 =	sadd.s32 @!p0 $0x88, s6;
	s7 =	simm.s32 @p2 $0x1082  }
0x22: {  	[simem:s7], [sflag:s8] =	dma.local @!p0 [hbm:s6], $0xF7A  }
0x23: {  	s9 =	sor.u32 $0xD0000000, s2;
	s6 =	simm.s32 $0x108;
	_ =	swait.ge @!p0 [sflag:s8], $0x0  }
0x24: {  	s3 =	sadd.s32 $0x88, s3;
	s6 =	simm.s32 @!p1 $0x1082;
	[sflag:s4] =	ssyncset.s32 $0xFFFFF086  }
0x25: {  	[simem:s6], [sflag:s4] =	dma.local [hbm:s3], $0xF7A  }
0x26: {  	[smem:$0x3F96] =	sst s1;
	(tag) =	ssettag s2;
	_ =	strace s9  }
0x27: {  	s1 =	sld [smem:$0x3FA6]  }
0x28: {  	s2 =	sld [smem:$0x3FA7]  }
0x29: {  	s4 =	sld [smem:$0x3FA9]  }
0x2a: {  	p0 =	seq.s32 s5, $0x0;
	s5 =	sld [smem:$0x3FAA]  }
0x2b: {  	s6 =	sld [smem:$0x3FAB]  }
0x2c: {  	s7 =	sld [smem:$0x3FAC]  }
0x2d: {  	s3 =	simm.s32 $0x108;
	s8 =	sld [smem:$0x3FAD]  }
0x2e: {  	s3 =	simm.s32 @!p0 $0x1082;
	s9 =	sld [smem:$0x3FAE]  }
0x2f: {  	lr =	sadd.s32 s0, s3;
	s0 =	sld [smem:$0x3FA5]  }
0x30: {  	s3 =	sld [smem:$0x3FA8]  }
0x31: {  	[smem:$0x3FB1] =	sst s10  }
0x32: {  	s10 =	sld [smem:$0x3FAF];
	_ =	sdelay $0x3  }
0x33: {  	p0 =	seq.s32 s10, $0x1;
	s10 =	sld [smem:$0x3FB1];
	_ =	sdelay $0x3  }
0x34: {  	[smem:$0x3FB1] =	sst s10  }
0x35: {  	s10 =	sld [smem:$0x3FB0];
	_ =	sdelay $0x3  }
0x36: {  	p1 =	seq.s32 s10, $0x1;
	s10 =	sld [smem:$0x3FB1];
	_ =	sdelay $0x3  }
0x37: {  	[smem:$0x3FB1] =	sst s10  }
0x38: {  	s10 =	sld [smem:$0x3FB2]  }
0x39: {  	_ = 	snop;
	(pc) =	sbr.ind lr, $3  }
0x3a: {  	_ = 	snop  }
0x3b: {  	_ = 	snop  }
0x3c: {  	p2 =	seq.s32 s10, $0x1;
	s10 =	sld [smem:$0x3FB1]  }
0x3d: {  	_ =	shalt  }
0x3e: {  	_ =	shalt  }
0x3f: {  	_ =	shalt  }
0x40: {  	_ =	shalt  }
0x41: {  	_ =	shalt  }
0x42: {  	_ =	shalt  }
0x43: {  	_ =	shalt  }
0x44: {  	_ =	shalt  }
0x45: {  	_ =	shalt  }
0x46: {  	_ =	shalt  }
0x47: {  	_ =	shalt  }
0x48: {  	_ =	shalt  }
0x49: {  	_ =	shalt  }
0x4a: {  	_ =	shalt  }
0x4b: {  	_ =	shalt  }
0x4c: {  	_ =	shalt  }
0x4d: {  	_ =	shalt  }
0x4e: {  	_ =	shalt  }
0x4f: {  	_ =	shalt  }
0x50: {  	_ =	shalt  }
0x51: {  	_ =	shalt  }
0x52: {  	_ =	shalt  }
0x53: {  	_ =	shalt  }
0x54: {  	_ =	shalt  }
0x55: {  	_ =	shalt  }
0x56: {  	_ =	shalt  }
0x57: {  	_ =	shalt  }
0x58: {  	_ =	shalt  }
0x59: {  	_ =	shalt  }
0x5a: {  	_ =	shalt  }
0x5b: {  	_ =	shalt  }
0x5c: {  	_ =	shalt  }
0x5d: {  	_ =	shalt  }
0x5e: {  	_ =	shalt  }
0x5f: {  	_ =	shalt  }
0x60: {  	_ =	shalt  }
0x61: {  	_ =	shalt  }
0x62: {  	_ =	shalt  }
0x63: {  	_ =	shalt  }
0x64: {  	_ =	shalt  }
0x65: {  	_ =	shalt  }
0x66: {  	_ =	shalt  }
0x67: {  	_ =	shalt  }
0x68: {  	_ =	shalt  }
0x69: {  	_ =	shalt  }
0x6a: {  	_ =	shalt  }
0x6b: {  	_ =	shalt  }
0x6c: {  	_ =	shalt  }
0x6d: {  	_ =	shalt  }
0x6e: {  	_ =	shalt  }
0x6f: {  	_ =	shalt  }
0x70: {  	_ =	shalt  }
0x71: {  	_ =	shalt  }
0x72: {  	_ =	shalt  }
0x73: {  	_ =	shalt  }
0x74: {  	_ =	shalt  }
0x75: {  	_ =	shalt  }
0x76: {  	_ =	shalt  }
0x77: {  	_ =	shalt  }
0x78: {  	_ =	shalt  }
0x79: {  	_ =	shalt  }
0x7a: {  	_ =	shalt  }
0x7b: {  	_ =	shalt  }
0x7c: {  	_ =	shalt  }
0x7d: {  	_ =	shalt  }
0x7e: {  	_ =	shalt  }
0x7f: {  	_ =	shalt  }
0x80: {  	_ =	shalt  }
0x81: {  	_ =	shalt  }
0x82: {  	_ =	shalt  }
0x83: {  	_ =	shalt  }
0x84: {  	_ =	shalt  }
0x85: {  	_ =	shalt  }
0x86: {  	_ =	shalt  }
0x87: {  	_ =	shalt  }
.Lfunc_end0:
.L_simem_size_0:
called_computation.1_lowered:
.L_overlay_start_0:
0x88: {  	s0 =	sld [smem:$0x3FD9]  }
0x89: {  	s1 =	sld [smem:$0x3FFE];
	_ =	sdelay $0x3  }
0x8a: {  	s0 =	sadd.s32 s1, s0  }
0x8b: {  	[smem:$0x3FBD] =	sst s0  }
0x8c: {  	_ = 	snop  }
0x8d: {  	(tm) =	ssettm $0x1  }
0x8e: {  	s15 =	sld [smem:$0x3FFB];
	_ =	sdelay $0x3  }
0x8f: {  	_ =	strace s15  }
0x90: {  	s0 =	sld [smem:$0x3FFC];
	_ =	sdelay $0x3  }
0x91: {  	_ =	strace s0  }
0x92: {  	s0 =	sld [smem:$0x3FFD];
	_ =	sdelay $0x3  }
0x93: {  	_ =	strace s0  }
0x94: {  	_ =	strace $0x8FFFFFFF  }
0x95: {  	s16 =	sld [smem:$0x3FDB];
	_ =	sdelay $0x1  }
0x96: {  	s17 =	simm.s32 $_scs_section_size  }
0x97: {  	s2 =	simm.s32 $_size__tile_overlayer_lowered;
	s3 =	simm.s32 $_tile_overlayer_lowered  }
0x98: {  	s20 =	simm.s32 $0x1BFF;
	s19 =	sshll.u32 s3, $0x1;
	s0 =	sadd.s32 s17, s16  }
0x99: {  	s4 =	simm.s32 $0x0;
	s18 =	sshll.u32 s2, $0x1;
	s2 =	sadd.s32 s19, s0  }
0x9a: {  	[timem:s4], [sflag:s20] =	dma.local [hbm:s2], s18  }
0x9b: {  	_ =	swait.ge [sflag:s20], s18  }
0x9c: {  	s1 =	ssub.s32 $0x0, s18;
	[sflag:s20] =	ssyncset.done $0x0  }
0x9d: {  	[sflag:s20] =	ssyncadd.s32 s1;
	_ =	sdelay $0x1  }
0x9e: {  	s21 =	simm.s32 $0x1B8B  }
0x9f: {  	_ =	swait.ge [sflag:s21], $0x1  }
0xa0: {  	[sflag:s21] =	ssyncset.done $0x0  }
0xa1: {  	s23 =	simm.s32 $0x1B8E;
	s22 =	sld [smem:$0x3FFE];
	[sflag:s21] =	ssyncadd.s32 $0xFFFFFFFF  }
0xa2: {  	s24 =	simm.s32 $execute0_lowered;
	[smem:$0x3FD2] =	sst s23  }
0xa3: {  	s2 =	sshll.u32 s24, $0x1;
	_ =	strace $0x80000049;
	[dreg:$0x1] =	wrdreg $0xFFFFFFFF  }
0xa4: {  	s25 =	simm.s32 $_size_execute0_lowered;
	s0 =	sadd.s32 s0, s2;
	[dreg:$0x0] =	wrdreg $0x0  }
0xa5: {  	s2 =	sshll.u32 s25, $0x1;
	[dreg:$0x2] =	wrdreg s0  }
0xa6: {  	[dreg:$0x3] =	wrdreg s2  }
0xa7: {  	[dreg:$0x4] =	wrdreg $0xC0  }
0xa8: {  	_ =	task [dreg:s4], $0x5FFFF  }
0xa9: {  	[dreg:$0x1] =	wrdreg $0xFFFFFFFF  }
0xaa: {  	[dreg:$0x0] =	wrdreg $0x60  }
0xab: {  	[dreg:$0x2] =	wrdreg s22  }
0xac: {  	[dreg:$0x3] =	wrdreg $0x9  }
0xad: {  	_ =	task.clear_ibuf [dreg:s4], $0x4FFFF;
	_ =	strace $0x90000049  }
0xae: {  	s26 =	simm.s32 $0x9;
	_ =	strace $0x8000004B  }
0xaf: {  	_ =	swait.ge [sflag:s26], $0x1  }
0xb0: {  	[sflag:s26] =	ssyncadd.s32 $0xFFFFFFFF  }
0xb1: {  	_ =	strace $0x9000004B  }
0xb2: {  	_ =	sfence  }
0xb3: {  	s28 =	sld [smem:$0x0];
	_ =	sdelay $0x1  }
0xb4: {  	s29 =	srdreg.scid  }
0xb5: {  	s30 =	sshll.u32 s29, $0xD;
	s31 =	sshrl.u32 s29, $0x2  }
0xb6: {  	s1 =	sand.u32 $0x1, s29;
	s2 =	sand.u32 $0x4000, s30;
	s0 =	sadd.s32 s31, s28  }
0xb7: {  	s1 =	sor.u32 s2, s1;
	s0 =	sshll.u32 s0, $0x11  }
0xb8: {  	s0 =	sor.u32 s0, s1  }
0xb9: {  	s0 =	sadd.s32 $0x8F2B, s0  }
0xba: {  	[sflag:s0] =	ssyncadd.remote.s32 $0x1  }
0xbb: {  	_ =	sfence.sel $0xFFFF  }
0xbc: {  	[dreg:$0x0] =	wrdreg $0xFFFFFFFF;
	(pc) =	sbr.abs _section_cstart, $3  }
0xbd: {  	[dreg:$0x1] =	wrdreg $0xFFFFFFFF  }
0xbe: {  	_ =	task.clear_ibuf [dreg:s4], $0x2FFFF;
	_ =	strace $0x9FFFFFFF  }
0xbf: {  	(tm) =	ssettm $0x7FFFFFFF  }
tec
execute0_lowered:
.L_overlay_start_1:
0x0: {  	(tag) =	ssettag $0x1  }
0x1: {  	s0 =	stileid.u32  }
0x2: {  	s1 =	smin.u32 s0, $0x9  }
0x3: {  	s1 =	sadd.s32 s0, s1  }
0x4: {  	s2 =	simm.s32 $0x320;
	p0 =	slt.u32 s0, $0x9;
	s1 =	smul.u32 $0x190, s1  }
0x5: {  	s2 =	simm.s32 @!p0 $0x190  }
0x6: {  	s2 =	sadd.s32 s2, s1  }
0x7: {  	s3 =	smin.u32 s2, $0x2710  }
0x8: {  	s7 =	ssub.s32 s3, s1  }
0x9: {  	p0 =	sgt.s32 s7, $0x0  }
0xa: {  	s7 =	simm.s32 @!p0 $0x0  }
0xb: {  	s31 =	sand.u32 $0xFFF0, s7  }
0xc: {  	s2 =	sshrl.u32 s31, $0x4  }
0xd: {  	s2 =	smul.u32 $0xA3E, s2  }
0xe: {  	s9 =	rddreg [dreg:$0x0];
	s6 =	simm.s32 $0x1;
	s11 =	simm.s32 $0x3  }
0xf: {  	s13 =	simm.s32 $0x0;
	s12 =	simm.s32 $0x0;
	s8 =	sshrl.u32 s2, $0x10  }
0x10: {  	s4 =	sadd.s32 $0x800, s9;
	s5 =	sadd.s32 $0xEB600, s9;
	s10 =	smul.u32 $0x190, s8  }
.Ltmp0:
0x11: {  	s9 =	sadd.s32 $0x115400, s9;
	s2 =	rddreg [dreg:$0x1];
	(pc) =	sbr.rel .LBB2_1-.Ltmp0, $4  }
0x12: {  	_ =	strace $0x8000004A;
	p0 =	sne.s32 s7, s10;
	s10 =	simm.s32 $0x1  }
0x13: {  	[sflag:s6] =	ssyncpa.u1 $0x0;
	s7 =	simm.s32 $0x2;
	s10 =	simm.s32 @!p0 $0x0  }
0x14: {  	[sflag:s7] =	ssyncpa.u1 $0x0;
	p0 =	por $0x0, $0x0;
	s8 =	sadd.s32 s8, s10  }
0x15: {  	vm0 =	vmmov $0xff;
	vm1 =	vcmask $0x3F20;
	[sflag:s11] =	ssyncpa.u1 $0x0;
	s11 =	smov.u32 s1;
	s10 =	sadd.s32 $0x1, s8  }
.LBB2_6:
0x16: {  	[hbm:s17] =	stream.linear.scatter [tilespmem:s14], [sflag:$0x3], $0x400, $0x38;
	[tilespmem:$0x19320] =	vst v63  }
.LBB2_7:
0x17: {  	s13 =	sadd.s32 $0x190, s11  }
0x18: {  	s15 =	smov.u32 s1;
	p2 =	slt.s32 s13, s3  }
0x19: {  	s15 =	smov.u32 @p2 s13;
	p2 =	sne.s32 s12, s10  }
.Ltmp1:
0x1a: {  	p1 =	slt.u32 s12, $0x2;
	(pc) =	sbr.rel @!p2 .LBB2_8-.Ltmp1, $4  }
0x1b: {  	s14 =	simm.s32 @!p1 $0x3  }
0x1c: {  	s16 =	sadd.s32 $0x1, s12;
	_ =	swait.ge @!p1 [sflag:s14], $0xC800  }
0x1d: {  	p0 =	por !p0, !p0;
	s13 =	smov.u32 s11;
	[sflag:s14] =	ssyncset.done @!p1 $0x0  }
0x1e: {  	s12 =	smov.u32 s16;
	s11 =	smov.u32 s15;
	[sflag:s14] =	ssyncadd.s32 @!p1 $0xFFFF3800  }
.LBB2_1:
0x1f: {  	p1 =	sge.u32 s12, s8  }
0x20: {  	s14 =	sxor.u32 @!p1 $0xFFFFFFFF, s12  }
0x21: {  	s14 =	sand.u32 @!p1 $0x1, s14  }
0x22: {  	s14 =	smul.u32 @!p1 $0x640, s14  }
0x23: {  	s31 =	sadd.s32 $0xFFFFFFFF, s12;
	s15 =	sshrl.u32 @!p1 s11, $0x3  }
0x24: {  	s16 =	sand.u32 @!p1 $0x7, s11;
	s15 =	sadd.s32 @!p1 s5, s15;
	s14 =	sshrl.u32 @!p1 s14, $0x2  }
0x25: {  	[tilespmem:s14], [sflag:$0x2] =	stream.linear.gather @!p1 [hbm4b:s15+s16], $0x190, $0x38;
	[tilespmem:$0x19320] =	vst v63  }
0x26: {  	p1 =	sge.u32 s31, s8  }
.Ltmp2:
0x27: {  	_ = 	snop;
	(pc) =	sbr.rel @p1 .LBB2_7-.Ltmp2, $1  }
0x28: {  	_ =	sdelay $0x3  }
0x29: {  	s14 =	simm.s32 $0x1  }
0x2a: {  	s14 =	simm.s32 @!p0 $0x0  }
0x2b: {  	s15 =	smul.u32 $0x640, s14  }
0x2c: {  	_ =	swait.ge [sflag:s7], $0x190  }
0x2d: {  	[sflag:s7] =	ssyncset.done $0x0;
	s16 =	sshrl.u32 s15, $0x2  }
0x2e: {  	[sflag:s7] =	ssyncadd.s32 $0xFFFFFE70;
	s15 =	sadd.s32 $0x0, s16  }
0x2f: {  	v0 =	vld.msk [tilespmem:s15+$0x0 ss:$0x1], $0xffff;
	_ =	sdelay $0x4  }
0x30: {  	vm2 =	vgt.s32 v0, $0x0  }
0x31: {  	v0 =	vnsel vm2, $0x0, v0  }
0x32: {  	v0 =	vmin.u32 v0, $0x270F  }
0x33: {  	v0 =	vshll.u32 v0, $0x4  }
0x34: {  	s14 =	smul.u32 $0x32000, s14;
	_ =	sdelay $0x1  }
0x35: {  	s14 =	sshrl.u32 s14, $0x2  }
0x36: {  	s14 =	sor.u32 $0x320, s14  }
0x37: {  	[tilespmem:s14], [sflag:$0x1] =	stream.indirect_vreg.gather [hbm:s4], $0x80, v0, vm0, $0x38;
	[tilespmem:$0x19320] =	vst v63  }
0x38: {  	s17 =	sadd.s32 $0x10, s16;
	s15 =	sadd.s32 $0x400, s14  }
0x39: {  	[tilespmem:s15], [sflag:$0x1] =	stream.indirect_vreg.gather [hbm:s4], $0x80, v0, vm1, $0x38;
	[tilespmem:$0x19320] =	vst v63  }
0x3a: {  	s18 =	simm.s32 $0x80;
	v0 =	vld.msk [tilespmem:s17+$0x0 ss:$0x1], $0xffff;
	s17 =	smov.u32 s14  }
.LBB2_3:
0x3b: {  	p1 =	sne.s32 s18, $0x600;
	_ =	sdelay $0x4  }
0x3c: {  	vm2 =	vgt.s32 v0, $0x0  }
0x3d: {  	v0 =	vnsel vm2, $0x0, v0  }
0x3e: {  	v0 =	vmin.u32 v0, $0x270F  }
0x3f: {  	v0 =	vshll.u32 v0, $0x4;
	_ =	sdelay $0x3  }
.Ltmp3:
0x40: {  	s19 =	sshra.s32 s18, $0x2;
	s17 =	sadd.s32 $0x800, s17;
	(pc) =	sbr.rel @p1 .LBB2_3-.Ltmp3, $4  }
0x41: {  	[tilespmem:s17], [sflag:$0x1] =	stream.indirect_vreg.gather [hbm:s4], $0x80, v0, vm0, $0x38;
	[tilespmem:$0x19320] =	vst v63  }
0x42: {  	s19 =	sadd.s32 s19, s16;
	s20 =	sadd.s32 $0x400, s17  }
0x43: {  	[tilespmem:s20], [sflag:$0x1] =	stream.indirect_vreg.gather [hbm:s4], $0x80, v0, vm1, $0x38;
	[tilespmem:$0x19320] =	vst v63  }
0x44: {  	s18 =	sadd.s32 $0x40, s18;
	v0 =	vld.msk [tilespmem:s19+$0x0 ss:$0x1], $0xffff  }
0x45: {  	_ =	sdelay $0x3  }
0x46: {  	vm2 =	vgt.s32 v0, $0x0  }
0x47: {  	v0 =	vnsel vm2, $0x0, v0  }
0x48: {  	v0 =	vmin.u32 v0, $0x270F  }
0x49: {  	v0 =	vshll.u32 v0, $0x4;
	_ =	sdelay $0x3  }
0x4a: {  	s16 =	sadd.s32 $0x800, s17  }
0x4b: {  	[tilespmem:s16], [sflag:$0x1] =	stream.indirect_vreg.gather [hbm:s4], $0x80, v0, vm0, $0x38;
	[tilespmem:$0x19320] =	vst v63  }
0x4c: {  	s16 =	sadd.s32 $0x400, s16  }
0x4d: {  	[tilespmem:s16], [sflag:$0x1] =	stream.indirect_vreg.gather [hbm:s4], $0x80, v0, vm1, $0x38;
	[tilespmem:$0x19320] =	vst v63  }
0x4e: {  	s13 =	sshll.u32 s13, $0x4;
	_ =	swait.ge [sflag:s6], $0xC800  }
0x4f: {  	s13 =	sadd.s32 s13, s9;
	[sflag:s6] =	ssyncset.done $0x0  }
0x50: {  	s17 =	sadd.s32 $0x0, s13;
	s16 =	simm.s32 $0x80;
	[sflag:s6] =	ssyncadd.s32 $0xFFFF3800  }
.LBB2_5:
0x51: {  	[hbm:s17] =	stream.linear.scatter [tilespmem:s14], [sflag:$0x3], $0x400, $0x38;
	[tilespmem:$0x19320] =	vst v63  }
0x52: {  	s17 =	smov.u32 s16;
	s14 =	smov.u32 s15;
	p1 =	sne.s32 s16, $0x1880  }
.Ltmp4:
0x53: {  	s16 =	sadd.s32 $0x80, s16;
	(pc) =	sbr.rel @p1 .LBB2_5-.Ltmp4, $2  }
0x54: {  	_ =	sdelay $0x2  }
0x55: {  	s15 =	sadd.s32 $0x400, s15;
	s17 =	sadd.s32 s17, s13  }
.Ltmp5:
0x56: {  	_ = 	snop;
	(pc) =	sbr.rel .LBB2_6-.Ltmp5, $1  }
0x57: {  	_ =	sdelay $0x3  }
.LBB2_8:
0x58: {  	_ =	sfence.sel $0x180000  }
0x59: {  	s1 =	simm.s32 $0x2;
	[bflag:$0x0] =	sbarrier.arrive $0xFFFF  }
0x5a: {  	s30 =	simm.s32 $0x3;
	[sflag:s1] =	ssyncpa.u1 $0x1  }
0x5b: {  	s31 =	simm.s32 $0x1;
	[sflag:s30] =	ssyncpa.u1 $0x1  }
0x5c: {  	[sflag:s31] =	ssyncpa.u1 $0x1  }
0x5d: {  	p0 =	sne.s32 s0, $0x0;
	_ =	strace $0x9000004A  }
0x5e: {  	s0 =	sadd.s32 @!p0 $0x100000, s2;
	[bflag:$0x2] =	sbarrier.arrive $0xFFFF  }
0x5f: {  	[sflag:s0] =	ssyncadd.tile.s32 @!p0 $0x1;
	_ =	shalt  }
.Lfunc_end2:
_tile_overlayer_lowered:
.L_overlay_start_2:
0x60: {  	(tag) =	ssettag $0x2  }
0x61: {  	s0 =	rddreg [dreg:$0x0];
	s2 =	stileid.u32  }
0x62: {  	s1 =	rddreg [dreg:$0x1];
	p0 =	sne.s32 s2, $0x0  }
0x63: {  	s3 =	rddreg [dreg:$0x2];
	[bflag:$0x3] =	sbarrier.arrive $0xFFFF;
	s2 =	simm.s32 @!p0 $0x1C01  }
0x64: {  	[timem:s3], [sflag:s2] =	dma.local @!p0 [hbm:s0], s1  }
0x65: {  	s0 =	simm.s32 @!p0 $0x1  }
0x66: {  	_ =	swait.ge @!p0 [sflag:s0], s1  }
0x67: {  	s1 =	ssub.s32 @!p0 $0x0, s1;
	[sflag:s0] =	ssyncset.done @!p0 $0x0  }
0x68: {  	[sflag:s0] =	ssyncadd.s32 @!p0 s1  }
0x69: {  	[bflag:$0x3] =	sbarrier.arrive $0xFFFF  }
0x6a: {  	_ =	shalt  }

// kernel: gather_offload_async_start.2
scs
__scs_entry_jumppad:
0x0: {  	(pc) =	sbr.rel $0x88, $3  }
0x1: {  	(tag) =	ssettag $0x0;
	lr =	simm.s32 $0x1  }
0x2: {  	[smem:$0x3F96] =	sst lr;
	_ =	strace $0xD0000000  }
0x3: {  	_ = 	snop  }
0x4: {  	_ = 	snop  }
0x5: {  	_ = 	snop  }
0x6: {  	_ = 	snop  }
0x7: {  	_ = 	snop  }
__scs_overlays_trampoline_lowered:
0x8: {  	[smem:$0x3FA5] =	sst s0  }
0x9: {  	[smem:$0x3FA6] =	sst s1  }
0xa: {  	[smem:$0x3FA7] =	sst s2  }
0xb: {  	[smem:$0x3FA8] =	sst s3  }
0xc: {  	[smem:$0x3FA9] =	sst s4  }
0xd: {  	[smem:$0x3FAA] =	sst s5  }
0xe: {  	[smem:$0x3FAB] =	sst s6  }
0xf: {  	[smem:$0x3FAC] =	sst s7  }
0x10: {  	[smem:$0x3FAD] =	sst s8  }
0x11: {  	[smem:$0x3FAE] =	sst s9;
	s0 =	simm.s32 @!p0 $0x0  }
0x12: {  	s1 =	sld [smem:$0x3F94];
	s0 =	simm.s32 @p0 $0x1  }
0x13: {  	[smem:$0x3FAF] =	sst s0;
	s0 =	simm.s32 @!p1 $0x0  }
0x14: {  	s2 =	sld [smem:$0x3F93];
	s0 =	simm.s32 @p1 $0x1  }
0x15: {  	[smem:$0x3FB0] =	sst s0;
	s0 =	simm.s32 @!p2 $0x0  }
0x16: {  	s3 =	sld [smem:$0x3FDB];
	s0 =	simm.s32 @p2 $0x1  }
0x17: {  	s4 =	simm.s32 $0x1BF5;
	[smem:$0x3FB2] =	sst s0  }
0x18: {  	s0 =	sld [smem:$0x3F95];
	_ =	swait.ge [sflag:s4], $0x0  }
0x19: {  	s7 =	sld [smem:$0x3F96]  }
0x1a: {  	s8 =	sadd.s32 $0xFFFFE003, lr  }
0x1b: {  	s9 =	sadd.s32 $0xFFFFFEF7, lr;
	s5 =	simm.s32 $0xFFFFFFFF;
	p2 =	slt.u32 s8, $0xFFFFF086  }
0x1c: {  	p1 =	slt.u32 s9, $0xF7A;
	s5 =	simm.s32 @!p2 $0x0  }
0x1d: {  	s5 =	simm.s32 @p1 $0x1;
	p0 =	seq.s32 s7, s2  }
0x1e: {  	s7 =	smul.u32 @!p0 $0xF7A, s2;
	p2 =	seq.s32 @!p0 s5, $0x0  }
0x1f: {  	s9 =	smul.u32 $0xF7A, s1;
	s8 =	simm.s32 @!p0 $0x1BF5;
	p2 =	por !p2, p0  }
0x20: {  	[sflag:s8] =	ssyncset.s32 @!p0 $0xFFFFF086;
	s6 =	sadd.s32 @!p0 s3, s7;
	s7 =	simm.s32 @!p0 $0x108  }
0x21: {  	s3 =	sadd.s32 s3, s9;
	s6 =	sadd.s32 @!p0 $0x88, s6;
	s7 =	simm.s32 @p2 $0x1082  }
0x22: {  	[simem:s7], [sflag:s8] =	dma.local @!p0 [hbm:s6], $0xF7A  }
0x23: {  	s9 =	sor.u32 $0xD0000000, s2;
	s6 =	simm.s32 $0x108;
	_ =	swait.ge @!p0 [sflag:s8], $0x0  }
0x24: {  	s3 =	sadd.s32 $0x88, s3;
	s6 =	simm.s32 @!p1 $0x1082;
	[sflag:s4] =	ssyncset.s32 $0xFFFFF086  }
0x25: {  	[simem:s6], [sflag:s4] =	dma.local [hbm:s3], $0xF7A  }
0x26: {  	[smem:$0x3F96] =	sst s1;
	(tag) =	ssettag s2;
	_ =	strace s9  }
0x27: {  	s1 =	sld [smem:$0x3FA6]  }
0x28: {  	s2 =	sld [smem:$0x3FA7]  }
0x29: {  	s4 =	sld [smem:$0x3FA9]  }
0x2a: {  	p0 =	seq.s32 s5, $0x0;
	s5 =	sld [smem:$0x3FAA]  }
0x2b: {  	s6 =	sld [smem:$0x3FAB]  }
0x2c: {  	s7 =	sld [smem:$0x3FAC]  }
0x2d: {  	s3 =	simm.s32 $0x108;
	s8 =	sld [smem:$0x3FAD]  }
0x2e: {  	s3 =	simm.s32 @!p0 $0x1082;
	s9 =	sld [smem:$0x3FAE]  }
0x2f: {  	lr =	sadd.s32 s0, s3;
	s0 =	sld [smem:$0x3FA5]  }
0x30: {  	s3 =	sld [smem:$0x3FA8]  }
0x31: {  	[smem:$0x3FB1] =	sst s10  }
0x32: {  	s10 =	sld [smem:$0x3FAF];
	_ =	sdelay $0x3  }
0x33: {  	p0 =	seq.s32 s10, $0x1;
	s10 =	sld [smem:$0x3FB1];
	_ =	sdelay $0x3  }
0x34: {  	[smem:$0x3FB1] =	sst s10  }
0x35: {  	s10 =	sld [smem:$0x3FB0];
	_ =	sdelay $0x3  }
0x36: {  	p1 =	seq.s32 s10, $0x1;
	s10 =	sld [smem:$0x3FB1];
	_ =	sdelay $0x3  }
0x37: {  	[smem:$0x3FB1] =	sst s10  }
0x38: {  	s10 =	sld [smem:$0x3FB2]  }
0x39: {  	_ = 	snop;
	(pc) =	sbr.ind lr, $3  }
0x3a: {  	_ = 	snop  }
0x3b: {  	_ = 	snop  }
0x3c: {  	p2 =	seq.s32 s10, $0x1;
	s10 =	sld [smem:$0x3FB1]  }
0x3d: {  	_ =	shalt  }
0x3e: {  	_ =	shalt  }
0x3f: {  	_ =	shalt  }
0x40: {  	_ =	shalt  }
0x41: {  	_ =	shalt  }
0x42: {  	_ =	shalt  }
0x43: {  	_ =	shalt  }
0x44: {  	_ =	shalt  }
0x45: {  	_ =	shalt  }
0x46: {  	_ =	shalt  }
0x47: {  	_ =	shalt  }
0x48: {  	_ =	shalt  }
0x49: {  	_ =	shalt  }
0x4a: {  	_ =	shalt  }
0x4b: {  	_ =	shalt  }
0x4c: {  	_ =	shalt  }
0x4d: {  	_ =	shalt  }
0x4e: {  	_ =	shalt  }
0x4f: {  	_ =	shalt  }
0x50: {  	_ =	shalt  }
0x51: {  	_ =	shalt  }
0x52: {  	_ =	shalt  }
0x53: {  	_ =	shalt  }
0x54: {  	_ =	shalt  }
0x55: {  	_ =	shalt  }
0x56: {  	_ =	shalt  }
0x57: {  	_ =	shalt  }
0x58: {  	_ =	shalt  }
0x59: {  	_ =	shalt  }
0x5a: {  	_ =	shalt  }
0x5b: {  	_ =	shalt  }
0x5c: {  	_ =	shalt  }
0x5d: {  	_ =	shalt  }
0x5e: {  	_ =	shalt  }
0x5f: {  	_ =	shalt  }
0x60: {  	_ =	shalt  }
0x61: {  	_ =	shalt  }
0x62: {  	_ =	shalt  }
0x63: {  	_ =	shalt  }
0x64: {  	_ =	shalt  }
0x65: {  	_ =	shalt  }
0x66: {  	_ =	shalt  }
0x67: {  	_ =	shalt  }
0x68: {  	_ =	shalt  }
0x69: {  	_ =	shalt  }
0x6a: {  	_ =	shalt  }
0x6b: {  	_ =	shalt  }
0x6c: {  	_ =	shalt  }
0x6d: {  	_ =	shalt  }
0x6e: {  	_ =	shalt  }
0x6f: {  	_ =	shalt  }
0x70: {  	_ =	shalt  }
0x71: {  	_ =	shalt  }
0x72: {  	_ =	shalt  }
0x73: {  	_ =	shalt  }
0x74: {  	_ =	shalt  }
0x75: {  	_ =	shalt  }
0x76: {  	_ =	shalt  }
0x77: {  	_ =	shalt  }
0x78: {  	_ =	shalt  }
0x79: {  	_ =	shalt  }
0x7a: {  	_ =	shalt  }
0x7b: {  	_ =	shalt  }
0x7c: {  	_ =	shalt  }
0x7d: {  	_ =	shalt  }
0x7e: {  	_ =	shalt  }
0x7f: {  	_ =	shalt  }
0x80: {  	_ =	shalt  }
0x81: {  	_ =	shalt  }
0x82: {  	_ =	shalt  }
0x83: {  	_ =	shalt  }
0x84: {  	_ =	shalt  }
0x85: {  	_ =	shalt  }
0x86: {  	_ =	shalt  }
0x87: {  	_ =	shalt  }
.Lfunc_end0:
.L_simem_size_0:
called_computation.2_lowered:
.L_overlay_start_0:
0x88: {  	s0 =	sld [smem:$0x3FD9]  }
0x89: {  	s1 =	sld [smem:$0x3FFE];
	_ =	sdelay $0x3  }
0x8a: {  	s0 =	sadd.s32 s1, s0  }
0x8b: {  	[smem:$0x3FBD] =	sst s0  }
0x8c: {  	_ = 	snop  }
0x8d: {  	(tm) =	ssettm $0x1  }
0x8e: {  	s15 =	sld [smem:$0x3FFB];
	_ =	sdelay $0x3  }
0x8f: {  	_ =	strace s15  }
0x90: {  	s0 =	sld [smem:$0x3FFC];
	_ =	sdelay $0x3  }
0x91: {  	_ =	strace s0  }
0x92: {  	s0 =	sld [smem:$0x3FFD];
	_ =	sdelay $0x3  }
0x93: {  	_ =	strace s0  }
0x94: {  	_ =	strace $0x8FFFFFFF  }
0x95: {  	s16 =	sld [smem:$0x3FDB];
	_ =	sdelay $0x1  }
0x96: {  	s17 =	simm.s32 $_scs_section_size  }
0x97: {  	s2 =	simm.s32 $_size__tile_overlayer_lowered;
	s3 =	simm.s32 $_tile_overlayer_lowered  }
0x98: {  	s20 =	simm.s32 $0x1BFF;
	s19 =	sshll.u32 s3, $0x1;
	s0 =	sadd.s32 s17, s16  }
0x99: {  	s4 =	simm.s32 $0x0;
	s18 =	sshll.u32 s2, $0x1;
	s2 =	sadd.s32 s19, s0  }
0x9a: {  	[timem:s4], [sflag:s20] =	dma.local [hbm:s2], s18  }
0x9b: {  	_ =	swait.ge [sflag:s20], s18  }
0x9c: {  	s1 =	ssub.s32 $0x0, s18;
	[sflag:s20] =	ssyncset.done $0x0  }
0x9d: {  	[sflag:s20] =	ssyncadd.s32 s1;
	_ =	sdelay $0x1  }
0x9e: {  	s21 =	simm.s32 $0x1B8B  }
0x9f: {  	_ =	swait.ge [sflag:s21], $0x1  }
0xa0: {  	[sflag:s21] =	ssyncset.done $0x0  }
0xa1: {  	s23 =	simm.s32 $0x1B8E;
	s22 =	sld [smem:$0x3FFE];
	[sflag:s21] =	ssyncadd.s32 $0xFFFFFFFF  }
0xa2: {  	s24 =	simm.s32 $execute0_lowered;
	[smem:$0x3FD2] =	sst s23  }
0xa3: {  	s2 =	sshll.u32 s24, $0x1;
	_ =	strace $0x8000004C;
	[dreg:$0x1] =	wrdreg $0xFFFFFFFF  }
0xa4: {  	s25 =	simm.s32 $_size_execute0_lowered;
	s0 =	sadd.s32 s0, s2;
	[dreg:$0x0] =	wrdreg $0x0  }
0xa5: {  	s2 =	sshll.u32 s25, $0x1;
	[dreg:$0x2] =	wrdreg s0  }
0xa6: {  	[dreg:$0x3] =	wrdreg s2  }
0xa7: {  	[dreg:$0x4] =	wrdreg $0xC0  }
0xa8: {  	_ =	task [dreg:s4], $0x5FFFF  }
0xa9: {  	[dreg:$0x1] =	wrdreg $0xFFFFFFFF  }
0xaa: {  	[dreg:$0x0] =	wrdreg $0x60  }
0xab: {  	[dreg:$0x2] =	wrdreg s22  }
0xac: {  	[dreg:$0x3] =	wrdreg $0xB  }
0xad: {  	_ =	task.clear_ibuf [dreg:s4], $0x4FFFF;
	_ =	strace $0x9000004C  }
0xae: {  	s26 =	simm.s32 $0xB;
	_ =	strace $0x8000004E  }
0xaf: {  	_ =	swait.ge [sflag:s26], $0x1  }
0xb0: {  	[sflag:s26] =	ssyncadd.s32 $0xFFFFFFFF  }
0xb1: {  	_ =	strace $0x9000004E  }
0xb2: {  	_ =	sfence  }
0xb3: {  	s28 =	sld [smem:$0x0];
	_ =	sdelay $0x1  }
0xb4: {  	s29 =	srdreg.scid  }
0xb5: {  	s30 =	sshll.u32 s29, $0xD;
	s31 =	sshrl.u32 s29, $0x2  }
0xb6: {  	s1 =	sand.u32 $0x1, s29;
	s2 =	sand.u32 $0x4000, s30;
	s0 =	sadd.s32 s31, s28  }
0xb7: {  	s1 =	sor.u32 s2, s1;
	s0 =	sshll.u32 s0, $0x11  }
0xb8: {  	s0 =	sor.u32 s0, s1  }
0xb9: {  	s0 =	sadd.s32 $0x8F2B, s0  }
0xba: {  	[sflag:s0] =	ssyncadd.remote.s32 $0x1  }
0xbb: {  	_ =	sfence.sel $0xFFFF  }
0xbc: {  	[dreg:$0x0] =	wrdreg $0xFFFFFFFF;
	(pc) =	sbr.abs _section_cstart, $3  }
0xbd: {  	[dreg:$0x1] =	wrdreg $0xFFFFFFFF  }
0xbe: {  	_ =	task.clear_ibuf [dreg:s4], $0x2FFFF;
	_ =	strace $0x9FFFFFFF  }
0xbf: {  	(tm) =	ssettm $0x7FFFFFFF  }
tec
execute0_lowered:
.L_overlay_start_1:
0x0: {  	(tag) =	ssettag $0x1  }
0x1: {  	s0 =	stileid.u32  }
0x2: {  	s1 =	smin.u32 s0, $0x9  }
0x3: {  	s1 =	sadd.s32 s0, s1  }
0x4: {  	s2 =	simm.s32 $0x320;
	p0 =	slt.u32 s0, $0x9;
	s1 =	smul.u32 $0x190, s1  }
0x5: {  	s2 =	simm.s32 @!p0 $0x190  }
0x6: {  	s2 =	sadd.s32 s2, s1  }
0x7: {  	s3 =	smin.u32 s2, $0x2710  }
0x8: {  	s7 =	ssub.s32 s3, s1  }
0x9: {  	p0 =	sgt.s32 s7, $0x0  }
0xa: {  	s7 =	simm.s32 @!p0 $0x0  }
0xb: {  	s31 =	sand.u32 $0xFFF0, s7  }
0xc: {  	s2 =	sshrl.u32 s31, $0x4  }
0xd: {  	s2 =	smul.u32 $0xA3E, s2  }
0xe: {  	s9 =	rddreg [dreg:$0x0];
	s6 =	simm.s32 $0x1;
	s11 =	simm.s32 $0x3  }
0xf: {  	s13 =	simm.s32 $0x0;
	s12 =	simm.s32 $0x0;
	s8 =	sshrl.u32 s2, $0x10  }
0x10: {  	s4 =	sadd.s32 $0xED800, s9;
	s5 =	sadd.s32 $0xEB600, s9;
	s10 =	smul.u32 $0x190, s8  }
.Ltmp0:
0x11: {  	s9 =	sadd.s32 $0x13C600, s9;
	s2 =	rddreg [dreg:$0x1];
	(pc) =	sbr.rel .LBB2_1-.Ltmp0, $4  }
0x12: {  	_ =	strace $0x8000004D;
	p0 =	sne.s32 s7, s10;
	s10 =	simm.s32 $0x1  }
0x13: {  	[sflag:s6] =	ssyncpa.u1 $0x0;
	s7 =	simm.s32 $0x2;
	s10 =	simm.s32 @!p0 $0x0  }
0x14: {  	[sflag:s7] =	ssyncpa.u1 $0x0;
	p0 =	por $0x0, $0x0;
	s8 =	sadd.s32 s8, s10  }
0x15: {  	vm0 =	vmmov $0xff;
	vm1 =	vcmask $0x3F20;
	[sflag:s11] =	ssyncpa.u1 $0x0;
	s11 =	smov.u32 s1;
	s10 =	sadd.s32 $0x1, s8  }
.LBB2_6:
0x16: {  	[hbm:s17] =	stream.linear.scatter [tilespmem:s14], [sflag:$0x3], $0x400, $0x38;
	[tilespmem:$0x19320] =	vst v63  }
.LBB2_7:
0x17: {  	s13 =	sadd.s32 $0x190, s11  }
0x18: {  	s15 =	smov.u32 s1;
	p2 =	slt.s32 s13, s3  }
0x19: {  	s15 =	smov.u32 @p2 s13;
	p2 =	sne.s32 s12, s10  }
.Ltmp1:
0x1a: {  	p1 =	slt.u32 s12, $0x2;
	(pc) =	sbr.rel @!p2 .LBB2_8-.Ltmp1, $4  }
0x1b: {  	s14 =	simm.s32 @!p1 $0x3  }
0x1c: {  	s16 =	sadd.s32 $0x1, s12;
	_ =	swait.ge @!p1 [sflag:s14], $0xC800  }
0x1d: {  	p0 =	por !p0, !p0;
	s13 =	smov.u32 s11;
	[sflag:s14] =	ssyncset.done @!p1 $0x0  }
0x1e: {  	s12 =	smov.u32 s16;
	s11 =	smov.u32 s15;
	[sflag:s14] =	ssyncadd.s32 @!p1 $0xFFFF3800  }
.LBB2_1:
0x1f: {  	p1 =	sge.u32 s12, s8  }
0x20: {  	s14 =	sxor.u32 @!p1 $0xFFFFFFFF, s12  }
0x21: {  	s14 =	sand.u32 @!p1 $0x1, s14  }
0x22: {  	s14 =	smul.u32 @!p1 $0x640, s14  }
0x23: {  	s31 =	sadd.s32 $0xFFFFFFFF, s12;
	s15 =	sshrl.u32 @!p1 s11, $0x3  }
0x24: {  	s16 =	sand.u32 @!p1 $0x7, s11;
	s15 =	sadd.s32 @!p1 s5, s15;
	s14 =	sshrl.u32 @!p1 s14, $0x2  }
0x25: {  	[tilespmem:s14], [sflag:$0x2] =	stream.linear.gather @!p1 [hbm4b:s15+s16], $0x190, $0x38;
	[tilespmem:$0x19320] =	vst v63  }
0x26: {  	p1 =	sge.u32 s31, s8  }
.Ltmp2:
0x27: {  	_ = 	snop;
	(pc) =	sbr.rel @p1 .LBB2_7-.Ltmp2, $1  }
0x28: {  	_ =	sdelay $0x3  }
0x29: {  	s14 =	simm.s32 $0x1  }
0x2a: {  	s14 =	simm.s32 @!p0 $0x0  }
0x2b: {  	s15 =	smul.u32 $0x640, s14  }
0x2c: {  	_ =	swait.ge [sflag:s7], $0x190  }
0x2d: {  	[sflag:s7] =	ssyncset.done $0x0;
	s16 =	sshrl.u32 s15, $0x2  }
0x2e: {  	[sflag:s7] =	ssyncadd.s32 $0xFFFFFE70;
	s15 =	sadd.s32 $0x0, s16  }
0x2f: {  	v0 =	vld.msk [tilespmem:s15+$0x0 ss:$0x1], $0xffff;
	_ =	sdelay $0x4  }
0x30: {  	vm2 =	vgt.s32 v0, $0x0  }
0x31: {  	v0 =	vnsel vm2, $0x0, v0  }
0x32: {  	v0 =	vmin.u32 v0, $0x270F  }
0x33: {  	v0 =	vshll.u32 v0, $0x4  }
0x34: {  	s14 =	smul.u32 $0x32000, s14;
	_ =	sdelay $0x1  }
0x35: {  	s14 =	sshrl.u32 s14, $0x2  }
0x36: {  	s14 =	sor.u32 $0x320, s14  }
0x37: {  	[tilespmem:s14], [sflag:$0x1] =	stream.indirect_vreg.gather [hbm:s4], $0x80, v0, vm0, $0x38;
	[tilespmem:$0x19320] =	vst v63  }
0x38: {  	s17 =	sadd.s32 $0x10, s16;
	s15 =	sadd.s32 $0x400, s14  }
0x39: {  	[tilespmem:s15], [sflag:$0x1] =	stream.indirect_vreg.gather [hbm:s4], $0x80, v0, vm1, $0x38;
	[tilespmem:$0x19320] =	vst v63  }
0x3a: {  	s18 =	simm.s32 $0x80;
	v0 =	vld.msk [tilespmem:s17+$0x0 ss:$0x1], $0xffff;
	s17 =	smov.u32 s14  }
.LBB2_3:
0x3b: {  	p1 =	sne.s32 s18, $0x600;
	_ =	sdelay $0x4  }
0x3c: {  	vm2 =	vgt.s32 v0, $0x0  }
0x3d: {  	v0 =	vnsel vm2, $0x0, v0  }
0x3e: {  	v0 =	vmin.u32 v0, $0x270F  }
0x3f: {  	v0 =	vshll.u32 v0, $0x4;
	_ =	sdelay $0x3  }
.Ltmp3:
0x40: {  	s19 =	sshra.s32 s18, $0x2;
	s17 =	sadd.s32 $0x800, s17;
	(pc) =	sbr.rel @p1 .LBB2_3-.Ltmp3, $4  }
0x41: {  	[tilespmem:s17], [sflag:$0x1] =	stream.indirect_vreg.gather [hbm:s4], $0x80, v0, vm0, $0x38;
	[tilespmem:$0x19320] =	vst v63  }
0x42: {  	s19 =	sadd.s32 s19, s16;
	s20 =	sadd.s32 $0x400, s17  }
0x43: {  	[tilespmem:s20], [sflag:$0x1] =	stream.indirect_vreg.gather [hbm:s4], $0x80, v0, vm1, $0x38;
	[tilespmem:$0x19320] =	vst v63  }
0x44: {  	s18 =	sadd.s32 $0x40, s18;
	v0 =	vld.msk [tilespmem:s19+$0x0 ss:$0x1], $0xffff  }
0x45: {  	_ =	sdelay $0x3  }
0x46: {  	vm2 =	vgt.s32 v0, $0x0  }
0x47: {  	v0 =	vnsel vm2, $0x0, v0  }
0x48: {  	v0 =	vmin.u32 v0, $0x270F  }
0x49: {  	v0 =	vshll.u32 v0, $0x4;
	_ =	sdelay $0x3  }
0x4a: {  	s16 =	sadd.s32 $0x800, s17  }
0x4b: {  	[tilespmem:s16], [sflag:$0x1] =	stream.indirect_vreg.gather [hbm:s4], $0x80, v0, vm0, $0x38;
	[tilespmem:$0x19320] =	vst v63  }
0x4c: {  	s16 =	sadd.s32 $0x400, s16  }
0x4d: {  	[tilespmem:s16], [sflag:$0x1] =	stream.indirect_vreg.gather [hbm:s4], $0x80, v0, vm1, $0x38;
	[tilespmem:$0x19320] =	vst v63  }
0x4e: {  	s13 =	sshll.u32 s13, $0x4;
	_ =	swait.ge [sflag:s6], $0xC800  }
0x4f: {  	s13 =	sadd.s32 s13, s9;
	[sflag:s6] =	ssyncset.done $0x0  }
0x50: {  	s17 =	sadd.s32 $0x0, s13;
	s16 =	simm.s32 $0x80;
	[sflag:s6] =	ssyncadd.s32 $0xFFFF3800  }
.LBB2_5:
0x51: {  	[hbm:s17] =	stream.linear.scatter [tilespmem:s14], [sflag:$0x3], $0x400, $0x38;
	[tilespmem:$0x19320] =	vst v63  }
0x52: {  	s17 =	smov.u32 s16;
	s14 =	smov.u32 s15;
	p1 =	sne.s32 s16, $0x1880  }
.Ltmp4:
0x53: {  	s16 =	sadd.s32 $0x80, s16;
	(pc) =	sbr.rel @p1 .LBB2_5-.Ltmp4, $2  }
0x54: {  	_ =	sdelay $0x2  }
0x55: {  	s15 =	sadd.s32 $0x400, s15;
	s17 =	sadd.s32 s17, s13  }
.Ltmp5:
0x56: {  	_ = 	snop;
	(pc) =	sbr.rel .LBB2_6-.Ltmp5, $1  }
0x57: {  	_ =	sdelay $0x3  }
.LBB2_8:
0x58: {  	_ =	sfence.sel $0x180000  }
0x59: {  	s1 =	simm.s32 $0x2;
	[bflag:$0x0] =	sbarrier.arrive $0xFFFF  }
0x5a: {  	s30 =	simm.s32 $0x3;
	[sflag:s1] =	ssyncpa.u1 $0x1  }
0x5b: {  	s31 =	simm.s32 $0x1;
	[sflag:s30] =	ssyncpa.u1 $0x1  }
0x5c: {  	[sflag:s31] =	ssyncpa.u1 $0x1  }
0x5d: {  	p0 =	sne.s32 s0, $0x0;
	_ =	strace $0x9000004D  }
0x5e: {  	s0 =	sadd.s32 @!p0 $0x100000, s2;
	[bflag:$0x2] =	sbarrier.arrive $0xFFFF  }
0x5f: {  	[sflag:s0] =	ssyncadd.tile.s32 @!p0 $0x1;
	_ =	shalt  }
.Lfunc_end2:
_tile_overlayer_lowered:
.L_overlay_start_2:
0x60: {  	(tag) =	ssettag $0x2  }
0x61: {  	s0 =	rddreg [dreg:$0x0];
	s2 =	stileid.u32  }
0x62: {  	s1 =	rddreg [dreg:$0x1];
	p0 =	sne.s32 s2, $0x0  }
0x63: {  	s3 =	rddreg [dreg:$0x2];
	[bflag:$0x3] =	sbarrier.arrive $0xFFFF;
	s2 =	simm.s32 @!p0 $0x1C01  }
0x64: {  	[timem:s3], [sflag:s2] =	dma.local @!p0 [hbm:s0], s1  }
0x65: {  	s0 =	simm.s32 @!p0 $0x1  }
0x66: {  	_ =	swait.ge @!p0 [sflag:s0], s1  }
0x67: {  	s1 =	ssub.s32 @!p0 $0x0, s1;
	[sflag:s0] =	ssyncset.done @!p0 $0x0  }
0x68: {  	[sflag:s0] =	ssyncadd.s32 @!p0 s1  }
0x69: {  	[bflag:$0x3] =	sbarrier.arrive $0xFFFF  }
0x6a: {  	_ =	shalt  }

// kernel: gather_offload_async_start.3
scs
__scs_entry_jumppad:
0x0: {  	(pc) =	sbr.rel $0x88, $3  }
0x1: {  	(tag) =	ssettag $0x0;
	lr =	simm.s32 $0x1  }
0x2: {  	[smem:$0x3F96] =	sst lr;
	_ =	strace $0xD0000000  }
0x3: {  	_ = 	snop  }
0x4: {  	_ = 	snop  }
0x5: {  	_ = 	snop  }
0x6: {  	_ = 	snop  }
0x7: {  	_ = 	snop  }
__scs_overlays_trampoline_lowered:
0x8: {  	[smem:$0x3FA5] =	sst s0  }
0x9: {  	[smem:$0x3FA6] =	sst s1  }
0xa: {  	[smem:$0x3FA7] =	sst s2  }
0xb: {  	[smem:$0x3FA8] =	sst s3  }
0xc: {  	[smem:$0x3FA9] =	sst s4  }
0xd: {  	[smem:$0x3FAA] =	sst s5  }
0xe: {  	[smem:$0x3FAB] =	sst s6  }
0xf: {  	[smem:$0x3FAC] =	sst s7  }
0x10: {  	[smem:$0x3FAD] =	sst s8  }
0x11: {  	[smem:$0x3FAE] =	sst s9;
	s0 =	simm.s32 @!p0 $0x0  }
0x12: {  	s1 =	sld [smem:$0x3F94];
	s0 =	simm.s32 @p0 $0x1  }
0x13: {  	[smem:$0x3FAF] =	sst s0;
	s0 =	simm.s32 @!p1 $0x0  }
0x14: {  	s2 =	sld [smem:$0x3F93];
	s0 =	simm.s32 @p1 $0x1  }
0x15: {  	[smem:$0x3FB0] =	sst s0;
	s0 =	simm.s32 @!p2 $0x0  }
0x16: {  	s3 =	sld [smem:$0x3FDB];
	s0 =	simm.s32 @p2 $0x1  }
0x17: {  	s4 =	simm.s32 $0x1BF5;
	[smem:$0x3FB2] =	sst s0  }
0x18: {  	s0 =	sld [smem:$0x3F95];
	_ =	swait.ge [sflag:s4], $0x0  }
0x19: {  	s7 =	sld [smem:$0x3F96]  }
0x1a: {  	s8 =	sadd.s32 $0xFFFFE003, lr  }
0x1b: {  	s9 =	sadd.s32 $0xFFFFFEF7, lr;
	s5 =	simm.s32 $0xFFFFFFFF;
	p2 =	slt.u32 s8, $0xFFFFF086  }
0x1c: {  	p1 =	slt.u32 s9, $0xF7A;
	s5 =	simm.s32 @!p2 $0x0  }
0x1d: {  	s5 =	simm.s32 @p1 $0x1;
	p0 =	seq.s32 s7, s2  }
0x1e: {  	s7 =	smul.u32 @!p0 $0xF7A, s2;
	p2 =	seq.s32 @!p0 s5, $0x0  }
0x1f: {  	s9 =	smul.u32 $0xF7A, s1;
	s8 =	simm.s32 @!p0 $0x1BF5;
	p2 =	por !p2, p0  }
0x20: {  	[sflag:s8] =	ssyncset.s32 @!p0 $0xFFFFF086;
	s6 =	sadd.s32 @!p0 s3, s7;
	s7 =	simm.s32 @!p0 $0x108  }
0x21: {  	s3 =	sadd.s32 s3, s9;
	s6 =	sadd.s32 @!p0 $0x88, s6;
	s7 =	simm.s32 @p2 $0x1082  }
0x22: {  	[simem:s7], [sflag:s8] =	dma.local @!p0 [hbm:s6], $0xF7A  }
0x23: {  	s9 =	sor.u32 $0xD0000000, s2;
	s6 =	simm.s32 $0x108;
	_ =	swait.ge @!p0 [sflag:s8], $0x0  }
0x24: {  	s3 =	sadd.s32 $0x88, s3;
	s6 =	simm.s32 @!p1 $0x1082;
	[sflag:s4] =	ssyncset.s32 $0xFFFFF086  }
0x25: {  	[simem:s6], [sflag:s4] =	dma.local [hbm:s3], $0xF7A  }
0x26: {  	[smem:$0x3F96] =	sst s1;
	(tag) =	ssettag s2;
	_ =	strace s9  }
0x27: {  	s1 =	sld [smem:$0x3FA6]  }
0x28: {  	s2 =	sld [smem:$0x3FA7]  }
0x29: {  	s4 =	sld [smem:$0x3FA9]  }
0x2a: {  	p0 =	seq.s32 s5, $0x0;
	s5 =	sld [smem:$0x3FAA]  }
0x2b: {  	s6 =	sld [smem:$0x3FAB]  }
0x2c: {  	s7 =	sld [smem:$0x3FAC]  }
0x2d: {  	s3 =	simm.s32 $0x108;
	s8 =	sld [smem:$0x3FAD]  }
0x2e: {  	s3 =	simm.s32 @!p0 $0x1082;
	s9 =	sld [smem:$0x3FAE]  }
0x2f: {  	lr =	sadd.s32 s0, s3;
	s0 =	sld [smem:$0x3FA5]  }
0x30: {  	s3 =	sld [smem:$0x3FA8]  }
0x31: {  	[smem:$0x3FB1] =	sst s10  }
0x32: {  	s10 =	sld [smem:$0x3FAF];
	_ =	sdelay $0x3  }
0x33: {  	p0 =	seq.s32 s10, $0x1;
	s10 =	sld [smem:$0x3FB1];
	_ =	sdelay $0x3  }
0x34: {  	[smem:$0x3FB1] =	sst s10  }
0x35: {  	s10 =	sld [smem:$0x3FB0];
	_ =	sdelay $0x3  }
0x36: {  	p1 =	seq.s32 s10, $0x1;
	s10 =	sld [smem:$0x3FB1];
	_ =	sdelay $0x3  }
0x37: {  	[smem:$0x3FB1] =	sst s10  }
0x38: {  	s10 =	sld [smem:$0x3FB2]  }
0x39: {  	_ = 	snop;
	(pc) =	sbr.ind lr, $3  }
0x3a: {  	_ = 	snop  }
0x3b: {  	_ = 	snop  }
0x3c: {  	p2 =	seq.s32 s10, $0x1;
	s10 =	sld [smem:$0x3FB1]  }
0x3d: {  	_ =	shalt  }
0x3e: {  	_ =	shalt  }
0x3f: {  	_ =	shalt  }
0x40: {  	_ =	shalt  }
0x41: {  	_ =	shalt  }
0x42: {  	_ =	shalt  }
0x43: {  	_ =	shalt  }
0x44: {  	_ =	shalt  }
0x45: {  	_ =	shalt  }
0x46: {  	_ =	shalt  }
0x47: {  	_ =	shalt  }
0x48: {  	_ =	shalt  }
0x49: {  	_ =	shalt  }
0x4a: {  	_ =	shalt  }
0x4b: {  	_ =	shalt  }
0x4c: {  	_ =	shalt  }
0x4d: {  	_ =	shalt  }
0x4e: {  	_ =	shalt  }
0x4f: {  	_ =	shalt  }
0x50: {  	_ =	shalt  }
0x51: {  	_ =	shalt  }
0x52: {  	_ =	shalt  }
0x53: {  	_ =	shalt  }
0x54: {  	_ =	shalt  }
0x55: {  	_ =	shalt  }
0x56: {  	_ =	shalt  }
0x57: {  	_ =	shalt  }
0x58: {  	_ =	shalt  }
0x59: {  	_ =	shalt  }
0x5a: {  	_ =	shalt  }
0x5b: {  	_ =	shalt  }
0x5c: {  	_ =	shalt  }
0x5d: {  	_ =	shalt  }
0x5e: {  	_ =	shalt  }
0x5f: {  	_ =	shalt  }
0x60: {  	_ =	shalt  }
0x61: {  	_ =	shalt  }
0x62: {  	_ =	shalt  }
0x63: {  	_ =	shalt  }
0x64: {  	_ =	shalt  }
0x65: {  	_ =	shalt  }
0x66: {  	_ =	shalt  }
0x67: {  	_ =	shalt  }
0x68: {  	_ =	shalt  }
0x69: {  	_ =	shalt  }
0x6a: {  	_ =	shalt  }
0x6b: {  	_ =	shalt  }
0x6c: {  	_ =	shalt  }
0x6d: {  	_ =	shalt  }
0x6e: {  	_ =	shalt  }
0x6f: {  	_ =	shalt  }
0x70: {  	_ =	shalt  }
0x71: {  	_ =	shalt  }
0x72: {  	_ =	shalt  }
0x73: {  	_ =	shalt  }
0x74: {  	_ =	shalt  }
0x75: {  	_ =	shalt  }
0x76: {  	_ =	shalt  }
0x77: {  	_ =	shalt  }
0x78: {  	_ =	shalt  }
0x79: {  	_ =	shalt  }
0x7a: {  	_ =	shalt  }
0x7b: {  	_ =	shalt  }
0x7c: {  	_ =	shalt  }
0x7d: {  	_ =	shalt  }
0x7e: {  	_ =	shalt  }
0x7f: {  	_ =	shalt  }
0x80: {  	_ =	shalt  }
0x81: {  	_ =	shalt  }
0x82: {  	_ =	shalt  }
0x83: {  	_ =	shalt  }
0x84: {  	_ =	shalt  }
0x85: {  	_ =	shalt  }
0x86: {  	_ =	shalt  }
0x87: {  	_ =	shalt  }
.Lfunc_end0:
.L_simem_size_0:
called_computation.3_lowered:
.L_overlay_start_0:
0x88: {  	s0 =	sld [smem:$0x3FD9]  }
0x89: {  	s1 =	sld [smem:$0x3FFE];
	_ =	sdelay $0x3  }
0x8a: {  	s0 =	sadd.s32 s1, s0  }
0x8b: {  	[smem:$0x3FBD] =	sst s0  }
0x8c: {  	_ = 	snop  }
0x8d: {  	(tm) =	ssettm $0x1  }
0x8e: {  	s15 =	sld [smem:$0x3FFB];
	_ =	sdelay $0x3  }
0x8f: {  	_ =	strace s15  }
0x90: {  	s0 =	sld [smem:$0x3FFC];
	_ =	sdelay $0x3  }
0x91: {  	_ =	strace s0  }
0x92: {  	s0 =	sld [smem:$0x3FFD];
	_ =	sdelay $0x3  }
0x93: {  	_ =	strace s0  }
0x94: {  	_ =	strace $0x8FFFFFFF  }
0x95: {  	s16 =	sld [smem:$0x3FDB];
	_ =	sdelay $0x1  }
0x96: {  	s17 =	simm.s32 $_scs_section_size  }
0x97: {  	s2 =	simm.s32 $_size__tile_overlayer_lowered;
	s3 =	simm.s32 $_tile_overlayer_lowered  }
0x98: {  	s20 =	simm.s32 $0x1BFF;
	s19 =	sshll.u32 s3, $0x1;
	s0 =	sadd.s32 s17, s16  }
0x99: {  	s4 =	simm.s32 $0x0;
	s18 =	sshll.u32 s2, $0x1;
	s2 =	sadd.s32 s19, s0  }
0x9a: {  	[timem:s4], [sflag:s20] =	dma.local [hbm:s2], s18  }
0x9b: {  	_ =	swait.ge [sflag:s20], s18  }
0x9c: {  	s1 =	ssub.s32 $0x0, s18;
	[sflag:s20] =	ssyncset.done $0x0  }
0x9d: {  	[sflag:s20] =	ssyncadd.s32 s1;
	_ =	sdelay $0x1  }
0x9e: {  	s21 =	simm.s32 $0x1B8B  }
0x9f: {  	_ =	swait.ge [sflag:s21], $0x1  }
0xa0: {  	[sflag:s21] =	ssyncset.done $0x0  }
0xa1: {  	s23 =	simm.s32 $0x1B8E;
	s22 =	sld [smem:$0x3FFE];
	[sflag:s21] =	ssyncadd.s32 $0xFFFFFFFF  }
0xa2: {  	s24 =	simm.s32 $execute0_lowered;
	[smem:$0x3FD2] =	sst s23  }
0xa3: {  	s2 =	sshll.u32 s24, $0x1;
	_ =	strace $0x80000046;
	[dreg:$0x1] =	wrdreg $0xFFFFFFFF  }
0xa4: {  	s25 =	simm.s32 $_size_execute0_lowered;
	s0 =	sadd.s32 s0, s2;
	[dreg:$0x0] =	wrdreg $0x0  }
0xa5: {  	s2 =	sshll.u32 s25, $0x1;
	[dreg:$0x2] =	wrdreg s0  }
0xa6: {  	[dreg:$0x3] =	wrdreg s2  }
0xa7: {  	[dreg:$0x4] =	wrdreg $0xC0  }
0xa8: {  	_ =	task [dreg:s4], $0x5FFFF  }
0xa9: {  	[dreg:$0x1] =	wrdreg $0xFFFFFFFF  }
0xaa: {  	[dreg:$0x0] =	wrdreg $0x60  }
0xab: {  	[dreg:$0x2] =	wrdreg s22  }
0xac: {  	[dreg:$0x3] =	wrdreg $0xA  }
0xad: {  	_ =	task.clear_ibuf [dreg:s4], $0x4FFFF;
	_ =	strace $0x90000046  }
0xae: {  	s26 =	simm.s32 $0xA;
	_ =	strace $0x80000048  }
0xaf: {  	_ =	swait.ge [sflag:s26], $0x1  }
0xb0: {  	[sflag:s26] =	ssyncadd.s32 $0xFFFFFFFF  }
0xb1: {  	_ =	strace $0x90000048  }
0xb2: {  	_ =	sfence  }
0xb3: {  	s28 =	sld [smem:$0x0];
	_ =	sdelay $0x1  }
0xb4: {  	s29 =	srdreg.scid  }
0xb5: {  	s30 =	sshll.u32 s29, $0xD;
	s31 =	sshrl.u32 s29, $0x2  }
0xb6: {  	s1 =	sand.u32 $0x1, s29;
	s2 =	sand.u32 $0x4000, s30;
	s0 =	sadd.s32 s31, s28  }
0xb7: {  	s1 =	sor.u32 s2, s1;
	s0 =	sshll.u32 s0, $0x11  }
0xb8: {  	s0 =	sor.u32 s0, s1  }
0xb9: {  	s0 =	sadd.s32 $0x8F2B, s0  }
0xba: {  	[sflag:s0] =	ssyncadd.remote.s32 $0x1  }
0xbb: {  	_ =	sfence.sel $0xFFFF  }
0xbc: {  	[dreg:$0x0] =	wrdreg $0xFFFFFFFF;
	(pc) =	sbr.abs _section_cstart, $3  }
0xbd: {  	[dreg:$0x1] =	wrdreg $0xFFFFFFFF  }
0xbe: {  	_ =	task.clear_ibuf [dreg:s4], $0x2FFFF;
	_ =	strace $0x9FFFFFFF  }
0xbf: {  	(tm) =	ssettm $0x7FFFFFFF  }
tec
execute0_lowered:
.L_overlay_start_1:
0x0: {  	(tag) =	ssettag $0x1  }
0x1: {  	s8 =	rddreg [dreg:$0x0]  }
0x2: {  	s0 =	rddreg [dreg:$0x1];
	_ =	strace $0x80000047  }
0x3: {  	s4 =	simm.s32 $0x1;
	s1 =	stileid.u32;
	s7 =	simm.s32 $0x1  }
0x4: {  	s9 =	simm.s32 $0x1;
	s6 =	simm.s32 $0x2;
	s10 =	simm.s32 $0x3  }
0x5: {  	s13 =	simm.s32 $0x0;
	s12 =	simm.s32 $0x0;
	s2 =	sadd.s32 $0x200, s8  }
.Ltmp0:
0x6: {  	s3 =	sadd.s32 $0xEB600, s8;
	p0 =	slt.u32 s1, $0xA;
	(pc) =	sbr.rel .LBB2_1-.Ltmp0, $4  }
0x7: {  	[sflag:s4] =	ssyncpa.u1 $0x0;
	s7 =	simm.s32 @!p0 $0x0;
	p0 =	sne.s32 s1, $0x9  }
0x8: {  	s5 =	smul.u32 $0x190, s1;
	[sflag:s6] =	ssyncpa.u1 $0x0;
	s9 =	simm.s32 @!p0 $0x0  }
0x9: {  	s8 =	sadd.s32 $0x114A00, s8;
	[sflag:s10] =	ssyncpa.u1 $0x0;
	s7 =	sadd.s32 s9, s7  }
0xa: {  	vm0 =	vmmov $0xffff;
	s10 =	simm.s32 $0x0;
	s11 =	smov.u32 s5;
	s9 =	sadd.s32 $0x1, s7  }
.LBB2_4:
0xb: {  	v2 =	vnsel vm1, $0x0, v2  }
0xc: {  	vm1 =	vgt.s32 v0, $0x0;
	v2 =	vmin.u32 v2, $0x270F  }
0xd: {  	v0 =	vnsel vm1, $0x0, v0  }
0xe: {  	v0 =	vmin.u32 v0, $0x270F  }
0xf: {  	[tilespmem:s18], [sflag:$0x1] =	stream.indirect_vreg.gather [hbm4b:s2+s10], $0x1, v1, vm0, $0x4038;
	[tilespmem:$0x640] =	vst v63  }
0x10: {  	(ifvalue) =	ssetifvalue $0x7FFFFFFF  }
0x11: {  	[tilespmem:s15], [sflag:$0x1] =	stream.indirect_vreg.gather [hbm4b:s2+s10], $0x1, v2, vm0, $0x4038;
	[tilespmem:$0x640] =	vst v63  }
0x12: {  	s29 =	sadd.s32 $0x10, s15;
	(ifvalue) =	ssetifvalue $0x7FFFFFFF  }
0x13: {  	[tilespmem:s29], [sflag:$0x1] =	stream.indirect_vreg.gather [hbm4b:s2+s10], $0x1, v0, vm0, $0x4038;
	[tilespmem:$0x640] =	vst v63  }
0x14: {  	_ =	swait.ge [sflag:s4], $0x190  }
0x15: {  	s30 =	sshrl.u32 s13, $0x3;
	[sflag:s4] =	ssyncset.done $0x0  }
0x16: {  	s31 =	sand.u32 $0x7, s13;
	s15 =	sadd.s32 s8, s30;
	[sflag:s4] =	ssyncadd.s32 $0xFFFFFE70  }
0x17: {  	[hbm4b:s15+s31] =	stream.linear.scatter [tilespmem:s14], [sflag:$0x3], $0x190, $0x38;
	[tilespmem:$0x640] =	vst v63  }
.LBB2_5:
0x18: {  	s15 =	sadd.s32 $0x1900, s11  }
0x19: {  	p1 =	sgt.s32 s15, $0x270F  }
0x1a: {  	s15 =	smov.u32 @p1 s5;
	p1 =	sne.s32 s12, s9  }
.Ltmp1:
0x1b: {  	p0 =	slt.u32 s12, $0x2;
	(pc) =	sbr.rel @!p1 .LBB2_6-.Ltmp1, $4  }
0x1c: {  	s14 =	simm.s32 @!p0 $0x3  }
0x1d: {  	_ =	swait.ge @!p0 [sflag:s14], $0x190  }
0x1e: {  	s16 =	sadd.s32 $0x1, s12;
	s13 =	smov.u32 s11;
	[sflag:s14] =	ssyncset.done @!p0 $0x0  }
0x1f: {  	s12 =	smov.u32 s16;
	s11 =	smov.u32 s15;
	[sflag:s14] =	ssyncadd.s32 @!p0 $0xFFFFFE70  }
.LBB2_1:
0x20: {  	p0 =	sge.u32 s12, s7  }
0x21: {  	s14 =	sxor.u32 @!p0 $0x1, s12  }
0x22: {  	s14 =	smul.u32 @!p0 $0x640, s14  }
0x23: {  	s31 =	sadd.s32 $0xFFFFFFFF, s12;
	s15 =	sshrl.u32 @!p0 s11, $0x3  }
0x24: {  	s16 =	sand.u32 @!p0 $0x7, s11;
	s15 =	sadd.s32 @!p0 s3, s15;
	s14 =	sshra.s32 @!p0 s14, $0x2  }
0x25: {  	[tilespmem:s14], [sflag:$0x2] =	stream.linear.gather @!p0 [hbm4b:s15+s16], $0x190, $0x38;
	[tilespmem:$0x640] =	vst v63  }
0x26: {  	p0 =	sge.u32 s31, s7  }
.Ltmp2:
0x27: {  	_ = 	snop;
	(pc) =	sbr.rel @p0 .LBB2_5-.Ltmp2, $1  }
0x28: {  	_ =	sdelay $0x3  }
0x29: {  	s14 =	sand.u32 $0x1, s12  }
0x2a: {  	_ =	swait.ge [sflag:s6], $0x190;
	p0 =	seq.s32 s14, $0x1;
	s14 =	simm.s32 $0x190  }
0x2b: {  	[sflag:s6] =	ssyncset.done $0x0;
	s14 =	simm.s32 @!p0 $0x0  }
0x2c: {  	[sflag:s6] =	ssyncadd.s32 $0xFFFFFE70;
	(ifvalue) =	ssetifvalue $0x7FFFFFFF;
	v0 =	vld.msk [tilespmem:s14+$0x0 ss:$0x1], $0xffff;
	_ =	sdelay $0x4  }
0x2d: {  	s15 =	sadd.s32 $0x10, s14;
	vm1 =	vgt.s32 v0, $0x0  }
0x2e: {  	v2 =	vld.msk [tilespmem:s15+$0x0 ss:$0x1], $0xffff;
	v1 =	vnsel vm1, $0x0, v0  }
0x2f: {  	v1 =	vmin.u32 v1, $0x270F;
	_ =	sdelay $0x2  }
0x30: {  	s17 =	simm.s32 $0x20;
	s14 =	sadd.s32 $0x320, s14;
	s16 =	sadd.s32 $0x10, s15  }
0x31: {  	s15 =	sadd.s32 $0x10, s14;
	s18 =	smov.u32 s14;
	v0 =	vld.msk [tilespmem:s16+$0x0 ss:$0x1], $0xffff;
	vm1 =	vgt.s32 v2, $0x0;
	(ifvalue) =	ssetifvalue $0x7FFFFFFF  }
.LBB2_3:
0x32: {  	[tilespmem:s18], [sflag:$0x1] =	stream.indirect_vreg.gather [hbm4b:s2+s10], $0x1, v1, vm0, $0x4038;
	[tilespmem:$0x640] =	vst v63  }
0x33: {  	s17 =	sadd.s32 $0x10, s17  }
0x34: {  	v2 =	vnsel vm1, $0x0, v2;
	p0 =	slt.u32 s17, $0x180  }
.Ltmp3:
0x35: {  	s18 =	smov.u32 s15;
	v1 =	vmin.u32 v2, $0x270F;
	(pc) =	sbr.rel @p0 .LBB2_3-.Ltmp3, $3  }
0x36: {  	_ =	sdelay $0x1  }
0x37: {  	s16 =	sadd.s32 $0x10, s16  }
0x38: {  	vm1 =	vgt.s32 v0, $0x0;
	s15 =	sadd.s32 $0x10, s15;
	v2 =	vmov v0;
	(ifvalue) =	ssetifvalue $0x7FFFFFFF;
	v0 =	vld.msk [tilespmem:s16+$0x0 ss:$0x1], $0xffff  }
.Ltmp4:
0x39: {  	_ = 	snop;
	(pc) =	sbr.rel .LBB2_4-.Ltmp4, $1  }
0x3a: {  	_ =	sdelay $0x3  }
.LBB2_6:
0x3b: {  	_ =	sfence.sel $0x180000  }
0x3c: {  	s2 =	simm.s32 $0x2;
	[bflag:$0x0] =	sbarrier.arrive $0xFFFF  }
0x3d: {  	s30 =	simm.s32 $0x3;
	[sflag:s2] =	ssyncpa.u1 $0x1  }
0x3e: {  	s31 =	simm.s32 $0x1;
	[sflag:s30] =	ssyncpa.u1 $0x1  }
0x3f: {  	[sflag:s31] =	ssyncpa.u1 $0x1  }
0x40: {  	p0 =	sne.s32 s1, $0x0;
	_ =	strace $0x90000047  }
0x41: {  	s0 =	sadd.s32 @!p0 $0x100000, s0;
	[bflag:$0x2] =	sbarrier.arrive $0xFFFF  }
0x42: {  	[sflag:s0] =	ssyncadd.tile.s32 @!p0 $0x1;
	_ =	shalt  }
.Lfunc_end2:
_tile_overlayer_lowered:
.L_overlay_start_2:
0x43: {  	(tag) =	ssettag $0x2  }
0x44: {  	s0 =	rddreg [dreg:$0x0];
	s2 =	stileid.u32  }
0x45: {  	s1 =	rddreg [dreg:$0x1];
	p0 =	sne.s32 s2, $0x0  }
0x46: {  	s3 =	rddreg [dreg:$0x2];
	[bflag:$0x3] =	sbarrier.arrive $0xFFFF;
	s2 =	simm.s32 @!p0 $0x1C01  }
0x47: {  	[timem:s3], [sflag:s2] =	dma.local @!p0 [hbm:s0], s1  }
0x48: {  	s0 =	simm.s32 @!p0 $0x1  }
0x49: {  	_ =	swait.ge @!p0 [sflag:s0], s1  }
0x4a: {  	s1 =	ssub.s32 @!p0 $0x0, s1;
	[sflag:s0] =	ssyncset.done @!p0 $0x0  }
0x4b: {  	[sflag:s0] =	ssyncadd.s32 @!p0 s1  }
0x4c: {  	[bflag:$0x3] =	sbarrier.arrive $0xFFFF  }
0x4d: {  	_ =	shalt  }

// kernel: gather_offload_async_start
scs
__scs_entry_jumppad:
0x0: {  	(pc) =	sbr.rel $0x88, $3  }
0x1: {  	(tag) =	ssettag $0x0;
	lr =	simm.s32 $0x1  }
0x2: {  	[smem:$0x3F96] =	sst lr;
	_ =	strace $0xD0000000  }
0x3: {  	_ = 	snop  }
0x4: {  	_ = 	snop  }
0x5: {  	_ = 	snop  }
0x6: {  	_ = 	snop  }
0x7: {  	_ = 	snop  }
__scs_overlays_trampoline_lowered:
0x8: {  	[smem:$0x3FA5] =	sst s0  }
0x9: {  	[smem:$0x3FA6] =	sst s1  }
0xa: {  	[smem:$0x3FA7] =	sst s2  }
0xb: {  	[smem:$0x3FA8] =	sst s3  }
0xc: {  	[smem:$0x3FA9] =	sst s4  }
0xd: {  	[smem:$0x3FAA] =	sst s5  }
0xe: {  	[smem:$0x3FAB] =	sst s6  }
0xf: {  	[smem:$0x3FAC] =	sst s7  }
0x10: {  	[smem:$0x3FAD] =	sst s8  }
0x11: {  	[smem:$0x3FAE] =	sst s9;
	s0 =	simm.s32 @!p0 $0x0  }
0x12: {  	s1 =	sld [smem:$0x3F94];
	s0 =	simm.s32 @p0 $0x1  }
0x13: {  	[smem:$0x3FAF] =	sst s0;
	s0 =	simm.s32 @!p1 $0x0  }
0x14: {  	s2 =	sld [smem:$0x3F93];
	s0 =	simm.s32 @p1 $0x1  }
0x15: {  	[smem:$0x3FB0] =	sst s0;
	s0 =	simm.s32 @!p2 $0x0  }
0x16: {  	s3 =	sld [smem:$0x3FDB];
	s0 =	simm.s32 @p2 $0x1  }
0x17: {  	s4 =	simm.s32 $0x1BF5;
	[smem:$0x3FB2] =	sst s0  }
0x18: {  	s0 =	sld [smem:$0x3F95];
	_ =	swait.ge [sflag:s4], $0x0  }
0x19: {  	s7 =	sld [smem:$0x3F96]  }
0x1a: {  	s8 =	sadd.s32 $0xFFFFE003, lr  }
0x1b: {  	s9 =	sadd.s32 $0xFFFFFEF7, lr;
	s5 =	simm.s32 $0xFFFFFFFF;
	p2 =	slt.u32 s8, $0xFFFFF086  }
0x1c: {  	p1 =	slt.u32 s9, $0xF7A;
	s5 =	simm.s32 @!p2 $0x0  }
0x1d: {  	s5 =	simm.s32 @p1 $0x1;
	p0 =	seq.s32 s7, s2  }
0x1e: {  	s7 =	smul.u32 @!p0 $0xF7A, s2;
	p2 =	seq.s32 @!p0 s5, $0x0  }
0x1f: {  	s9 =	smul.u32 $0xF7A, s1;
	s8 =	simm.s32 @!p0 $0x1BF5;
	p2 =	por !p2, p0  }
0x20: {  	[sflag:s8] =	ssyncset.s32 @!p0 $0xFFFFF086;
	s6 =	sadd.s32 @!p0 s3, s7;
	s7 =	simm.s32 @!p0 $0x108  }
0x21: {  	s3 =	sadd.s32 s3, s9;
	s6 =	sadd.s32 @!p0 $0x88, s6;
	s7 =	simm.s32 @p2 $0x1082  }
0x22: {  	[simem:s7], [sflag:s8] =	dma.local @!p0 [hbm:s6], $0xF7A  }
0x23: {  	s9 =	sor.u32 $0xD0000000, s2;
	s6 =	simm.s32 $0x108;
	_ =	swait.ge @!p0 [sflag:s8], $0x0  }
0x24: {  	s3 =	sadd.s32 $0x88, s3;
	s6 =	simm.s32 @!p1 $0x1082;
	[sflag:s4] =	ssyncset.s32 $0xFFFFF086  }
0x25: {  	[simem:s6], [sflag:s4] =	dma.local [hbm:s3], $0xF7A  }
0x26: {  	[smem:$0x3F96] =	sst s1;
	(tag) =	ssettag s2;
	_ =	strace s9  }
0x27: {  	s1 =	sld [smem:$0x3FA6]  }
0x28: {  	s2 =	sld [smem:$0x3FA7]  }
0x29: {  	s4 =	sld [smem:$0x3FA9]  }
0x2a: {  	p0 =	seq.s32 s5, $0x0;
	s5 =	sld [smem:$0x3FAA]  }
0x2b: {  	s6 =	sld [smem:$0x3FAB]  }
0x2c: {  	s7 =	sld [smem:$0x3FAC]  }
0x2d: {  	s3 =	simm.s32 $0x108;
	s8 =	sld [smem:$0x3FAD]  }
0x2e: {  	s3 =	simm.s32 @!p0 $0x1082;
	s9 =	sld [smem:$0x3FAE]  }
0x2f: {  	lr =	sadd.s32 s0, s3;
	s0 =	sld [smem:$0x3FA5]  }
0x30: {  	s3 =	sld [smem:$0x3FA8]  }
0x31: {  	[smem:$0x3FB1] =	sst s10  }
0x32: {  	s10 =	sld [smem:$0x3FAF];
	_ =	sdelay $0x3  }
0x33: {  	p0 =	seq.s32 s10, $0x1;
	s10 =	sld [smem:$0x3FB1];
	_ =	sdelay $0x3  }
0x34: {  	[smem:$0x3FB1] =	sst s10  }
0x35: {  	s10 =	sld [smem:$0x3FB0];
	_ =	sdelay $0x3  }
0x36: {  	p1 =	seq.s32 s10, $0x1;
	s10 =	sld [smem:$0x3FB1];
	_ =	sdelay $0x3  }
0x37: {  	[smem:$0x3FB1] =	sst s10  }
0x38: {  	s10 =	sld [smem:$0x3FB2]  }
0x39: {  	_ = 	snop;
	(pc) =	sbr.ind lr, $3  }
0x3a: {  	_ = 	snop  }
0x3b: {  	_ = 	snop  }
0x3c: {  	p2 =	seq.s32 s10, $0x1;
	s10 =	sld [smem:$0x3FB1]  }
0x3d: {  	_ =	shalt  }
0x3e: {  	_ =	shalt  }
0x3f: {  	_ =	shalt  }
0x40: {  	_ =	shalt  }
0x41: {  	_ =	shalt  }
0x42: {  	_ =	shalt  }
0x43: {  	_ =	shalt  }
0x44: {  	_ =	shalt  }
0x45: {  	_ =	shalt  }
0x46: {  	_ =	shalt  }
0x47: {  	_ =	shalt  }
0x48: {  	_ =	shalt  }
0x49: {  	_ =	shalt  }
0x4a: {  	_ =	shalt  }
0x4b: {  	_ =	shalt  }
0x4c: {  	_ =	shalt  }
0x4d: {  	_ =	shalt  }
0x4e: {  	_ =	shalt  }
0x4f: {  	_ =	shalt  }
0x50: {  	_ =	shalt  }
0x51: {  	_ =	shalt  }
0x52: {  	_ =	shalt  }
0x53: {  	_ =	shalt  }
0x54: {  	_ =	shalt  }
0x55: {  	_ =	shalt  }
0x56: {  	_ =	shalt  }
0x57: {  	_ =	shalt  }
0x58: {  	_ =	shalt  }
0x59: {  	_ =	shalt  }
0x5a: {  	_ =	shalt  }
0x5b: {  	_ =	shalt  }
0x5c: {  	_ =	shalt  }
0x5d: {  	_ =	shalt  }
0x5e: {  	_ =	shalt  }
0x5f: {  	_ =	shalt  }
0x60: {  	_ =	shalt  }
0x61: {  	_ =	shalt  }
0x62: {  	_ =	shalt  }
0x63: {  	_ =	shalt  }
0x64: {  	_ =	shalt  }
0x65: {  	_ =	shalt  }
0x66: {  	_ =	shalt  }
0x67: {  	_ =	shalt  }
0x68: {  	_ =	shalt  }
0x69: {  	_ =	shalt  }
0x6a: {  	_ =	shalt  }
0x6b: {  	_ =	shalt  }
0x6c: {  	_ =	shalt  }
0x6d: {  	_ =	shalt  }
0x6e: {  	_ =	shalt  }
0x6f: {  	_ =	shalt  }
0x70: {  	_ =	shalt  }
0x71: {  	_ =	shalt  }
0x72: {  	_ =	shalt  }
0x73: {  	_ =	shalt  }
0x74: {  	_ =	shalt  }
0x75: {  	_ =	shalt  }
0x76: {  	_ =	shalt  }
0x77: {  	_ =	shalt  }
0x78: {  	_ =	shalt  }
0x79: {  	_ =	shalt  }
0x7a: {  	_ =	shalt  }
0x7b: {  	_ =	shalt  }
0x7c: {  	_ =	shalt  }
0x7d: {  	_ =	shalt  }
0x7e: {  	_ =	shalt  }
0x7f: {  	_ =	shalt  }
0x80: {  	_ =	shalt  }
0x81: {  	_ =	shalt  }
0x82: {  	_ =	shalt  }
0x83: {  	_ =	shalt  }
0x84: {  	_ =	shalt  }
0x85: {  	_ =	shalt  }
0x86: {  	_ =	shalt  }
0x87: {  	_ =	shalt  }
.Lfunc_end0:
.L_simem_size_0:
called_computation_lowered:
.L_overlay_start_0:
0x88: {  	s0 =	sld [smem:$0x3FD9]  }
0x89: {  	s1 =	sld [smem:$0x3FFE];
	_ =	sdelay $0x3  }
0x8a: {  	s0 =	sadd.s32 s1, s0  }
0x8b: {  	[smem:$0x3FBD] =	sst s0  }
0x8c: {  	_ = 	snop  }
0x8d: {  	(tm) =	ssettm $0x1  }
0x8e: {  	s15 =	sld [smem:$0x3FFB];
	_ =	sdelay $0x3  }
0x8f: {  	_ =	strace s15  }
0x90: {  	s0 =	sld [smem:$0x3FFC];
	_ =	sdelay $0x3  }
0x91: {  	_ =	strace s0  }
0x92: {  	s0 =	sld [smem:$0x3FFD];
	_ =	sdelay $0x3  }
0x93: {  	_ =	strace s0  }
0x94: {  	_ =	strace $0x8FFFFFFF  }
0x95: {  	s16 =	sld [smem:$0x3FDB];
	_ =	sdelay $0x1  }
0x96: {  	s17 =	simm.s32 $_scs_section_size  }
0x97: {  	s2 =	simm.s32 $_size__tile_overlayer_lowered;
	s3 =	simm.s32 $_tile_overlayer_lowered  }
0x98: {  	s20 =	simm.s32 $0x1BFF;
	s19 =	sshll.u32 s3, $0x1;
	s0 =	sadd.s32 s17, s16  }
0x99: {  	s4 =	simm.s32 $0x0;
	s18 =	sshll.u32 s2, $0x1;
	s2 =	sadd.s32 s19, s0  }
0x9a: {  	[timem:s4], [sflag:s20] =	dma.local [hbm:s2], s18  }
0x9b: {  	_ =	swait.ge [sflag:s20], s18  }
0x9c: {  	s1 =	ssub.s32 $0x0, s18;
	[sflag:s20] =	ssyncset.done $0x0  }
0x9d: {  	[sflag:s20] =	ssyncadd.s32 s1;
	_ =	sdelay $0x1  }
0x9e: {  	s21 =	simm.s32 $0x1B8B  }
0x9f: {  	_ =	swait.ge [sflag:s21], $0x1  }
0xa0: {  	[sflag:s21] =	ssyncset.done $0x0  }
0xa1: {  	s23 =	simm.s32 $0x1B8E;
	s22 =	sld [smem:$0x3FFE];
	[sflag:s21] =	ssyncadd.s32 $0xFFFFFFFF  }
0xa2: {  	s24 =	simm.s32 $execute0_lowered;
	[smem:$0x3FD2] =	sst s23  }
0xa3: {  	s2 =	sshll.u32 s24, $0x1;
	_ =	strace $0x8000004F;
	[dreg:$0x1] =	wrdreg $0xFFFFFFFF  }
0xa4: {  	s25 =	simm.s32 $_size_execute0_lowered;
	s0 =	sadd.s32 s0, s2;
	[dreg:$0x0] =	wrdreg $0x0  }
0xa5: {  	s2 =	sshll.u32 s25, $0x1;
	[dreg:$0x2] =	wrdreg s0  }
0xa6: {  	[dreg:$0x3] =	wrdreg s2  }
0xa7: {  	[dreg:$0x4] =	wrdreg $0xC0  }
0xa8: {  	_ =	task [dreg:s4], $0x5FFFF  }
0xa9: {  	[dreg:$0x1] =	wrdreg $0xFFFFFFFF  }
0xaa: {  	[dreg:$0x0] =	wrdreg $0x60  }
0xab: {  	[dreg:$0x2] =	wrdreg s22  }
0xac: {  	[dreg:$0x3] =	wrdreg $0xA  }
0xad: {  	_ =	task.clear_ibuf [dreg:s4], $0x4FFFF;
	_ =	strace $0x9000004F  }
0xae: {  	s26 =	simm.s32 $0xA;
	_ =	strace $0x80000051  }
0xaf: {  	_ =	swait.ge [sflag:s26], $0x1  }
0xb0: {  	[sflag:s26] =	ssyncadd.s32 $0xFFFFFFFF  }
0xb1: {  	_ =	strace $0x90000051  }
0xb2: {  	_ =	sfence  }
0xb3: {  	s28 =	sld [smem:$0x0];
	_ =	sdelay $0x1  }
0xb4: {  	s29 =	srdreg.scid  }
0xb5: {  	s30 =	sshll.u32 s29, $0xD;
	s31 =	sshrl.u32 s29, $0x2  }
0xb6: {  	s1 =	sand.u32 $0x1, s29;
	s2 =	sand.u32 $0x4000, s30;
	s0 =	sadd.s32 s31, s28  }
0xb7: {  	s1 =	sor.u32 s2, s1;
	s0 =	sshll.u32 s0, $0x11  }
0xb8: {  	s0 =	sor.u32 s0, s1  }
0xb9: {  	s0 =	sadd.s32 $0x8F2B, s0  }
0xba: {  	[sflag:s0] =	ssyncadd.remote.s32 $0x1  }
0xbb: {  	_ =	sfence.sel $0xFFFF  }
0xbc: {  	[dreg:$0x0] =	wrdreg $0xFFFFFFFF;
	(pc) =	sbr.abs _section_cstart, $3  }
0xbd: {  	[dreg:$0x1] =	wrdreg $0xFFFFFFFF  }
0xbe: {  	_ =	task.clear_ibuf [dreg:s4], $0x2FFFF;
	_ =	strace $0x9FFFFFFF  }
0xbf: {  	(tm) =	ssettm $0x7FFFFFFF  }
tec
execute0_lowered:
.L_overlay_start_1:
0x0: {  	(tag) =	ssettag $0x1  }
0x1: {  	s0 =	stileid.u32  }
0x2: {  	s1 =	smul.u32 $0x7, s0  }
0x3: {  	s2 =	smin.u32 s0, $0xD  }
0x4: {  	s1 =	sadd.s32 s2, s1  }
0x5: {  	p0 =	slt.u32 s0, $0xD;
	s2 =	simm.s32 $0xC80;
	s1 =	smul.u32 $0x190, s1  }
0x6: {  	s2 =	simm.s32 @!p0 $0xAF0  }
0x7: {  	s2 =	sadd.s32 s2, s1  }
0x8: {  	s3 =	smin.u32 s2, $0xC350  }
0x9: {  	s7 =	ssub.s32 s3, s1  }
0xa: {  	p0 =	sgt.s32 s7, $0x0  }
0xb: {  	s7 =	simm.s32 @!p0 $0x0  }
0xc: {  	s31 =	sand.u32 $0xFFF0, s7  }
0xd: {  	s2 =	sshrl.u32 s31, $0x4  }
0xe: {  	s2 =	smul.u32 $0xA3E, s2  }
0xf: {  	s9 =	rddreg [dreg:$0x0];
	s6 =	simm.s32 $0x1;
	s11 =	simm.s32 $0x3  }
0x10: {  	s13 =	simm.s32 $0x0;
	s12 =	simm.s32 $0x0;
	s8 =	sshrl.u32 s2, $0x10  }
0x11: {  	s4 =	sadd.s32 $0x27A00, s9;
	s5 =	sadd.s32 $0xEBE00, s9;
	s10 =	smul.u32 $0x190, s8  }
.Ltmp0:
0x12: {  	s9 =	sadd.s32 $0x165800, s9;
	s2 =	rddreg [dreg:$0x1];
	(pc) =	sbr.rel .LBB2_1-.Ltmp0, $4  }
0x13: {  	_ =	strace $0x80000050;
	p0 =	sne.s32 s7, s10;
	s10 =	simm.s32 $0x1  }
0x14: {  	[sflag:s6] =	ssyncpa.u1 $0x0;
	s7 =	simm.s32 $0x2;
	s10 =	simm.s32 @!p0 $0x0  }
0x15: {  	[sflag:s7] =	ssyncpa.u1 $0x0;
	p0 =	por $0x0, $0x0;
	s8 =	sadd.s32 s8, s10  }
0x16: {  	vm0 =	vmmov $0xff;
	vm1 =	vcmask $0x3F20;
	[sflag:s11] =	ssyncpa.u1 $0x0;
	s11 =	smov.u32 s1;
	s10 =	sadd.s32 $0x1, s8  }
.LBB2_6:
0x17: {  	[hbm:s17] =	stream.linear.scatter [tilespmem:s14], [sflag:$0x3], $0x400, $0x38;
	[tilespmem:$0x19320] =	vst v63  }
.LBB2_7:
0x18: {  	s13 =	sadd.s32 $0x190, s11  }
0x19: {  	s15 =	smov.u32 s1;
	p2 =	slt.s32 s13, s3  }
0x1a: {  	s15 =	smov.u32 @p2 s13;
	p2 =	sne.s32 s12, s10  }
.Ltmp1:
0x1b: {  	p1 =	slt.u32 s12, $0x2;
	(pc) =	sbr.rel @!p2 .LBB2_8-.Ltmp1, $4  }
0x1c: {  	s14 =	simm.s32 @!p1 $0x3  }
0x1d: {  	s16 =	sadd.s32 $0x1, s12;
	_ =	swait.ge @!p1 [sflag:s14], $0xC800  }
0x1e: {  	p0 =	por !p0, !p0;
	s13 =	smov.u32 s11;
	[sflag:s14] =	ssyncset.done @!p1 $0x0  }
0x1f: {  	s12 =	smov.u32 s16;
	s11 =	smov.u32 s15;
	[sflag:s14] =	ssyncadd.s32 @!p1 $0xFFFF3800  }
.LBB2_1:
0x20: {  	p1 =	sge.u32 s12, s8  }
0x21: {  	s14 =	sxor.u32 @!p1 $0xFFFFFFFF, s12  }
0x22: {  	s14 =	sand.u32 @!p1 $0x1, s14  }
0x23: {  	s14 =	smul.u32 @!p1 $0x640, s14  }
0x24: {  	s31 =	sadd.s32 $0xFFFFFFFF, s12;
	s15 =	sshrl.u32 @!p1 s11, $0x3  }
0x25: {  	s16 =	sand.u32 @!p1 $0x7, s11;
	s15 =	sadd.s32 @!p1 s5, s15;
	s14 =	sshrl.u32 @!p1 s14, $0x2  }
0x26: {  	[tilespmem:s14], [sflag:$0x2] =	stream.linear.gather @!p1 [hbm4b:s15+s16], $0x190, $0x38;
	[tilespmem:$0x19320] =	vst v63  }
0x27: {  	p1 =	sge.u32 s31, s8  }
.Ltmp2:
0x28: {  	_ = 	snop;
	(pc) =	sbr.rel @p1 .LBB2_7-.Ltmp2, $1  }
0x29: {  	_ =	sdelay $0x3  }
0x2a: {  	s14 =	simm.s32 $0x1  }
0x2b: {  	s14 =	simm.s32 @!p0 $0x0  }
0x2c: {  	s15 =	smul.u32 $0x640, s14  }
0x2d: {  	_ =	swait.ge [sflag:s7], $0x190  }
0x2e: {  	[sflag:s7] =	ssyncset.done $0x0;
	s16 =	sshrl.u32 s15, $0x2  }
0x2f: {  	[sflag:s7] =	ssyncadd.s32 $0xFFFFFE70;
	s15 =	sadd.s32 $0x0, s16  }
0x30: {  	v0 =	vld.msk [tilespmem:s15+$0x0 ss:$0x1], $0xffff;
	_ =	sdelay $0x4  }
0x31: {  	vm2 =	vgt.s32 v0, $0x0  }
0x32: {  	v0 =	vnsel vm2, $0x0, v0  }
0x33: {  	v0 =	vmin.u32 v0, $0xC34F  }
0x34: {  	v0 =	vshll.u32 v0, $0x4  }
0x35: {  	s14 =	smul.u32 $0x32000, s14;
	_ =	sdelay $0x1  }
0x36: {  	s14 =	sshrl.u32 s14, $0x2  }
0x37: {  	s14 =	sor.u32 $0x320, s14  }
0x38: {  	[tilespmem:s14], [sflag:$0x1] =	stream.indirect_vreg.gather [hbm:s4], $0x80, v0, vm0, $0x38;
	[tilespmem:$0x19320] =	vst v63  }
0x39: {  	s17 =	sadd.s32 $0x10, s16;
	s15 =	sadd.s32 $0x400, s14  }
0x3a: {  	[tilespmem:s15], [sflag:$0x1] =	stream.indirect_vreg.gather [hbm:s4], $0x80, v0, vm1, $0x38;
	[tilespmem:$0x19320] =	vst v63  }
0x3b: {  	s18 =	simm.s32 $0x80;
	v0 =	vld.msk [tilespmem:s17+$0x0 ss:$0x1], $0xffff;
	s17 =	smov.u32 s14  }
.LBB2_3:
0x3c: {  	p1 =	sne.s32 s18, $0x600;
	_ =	sdelay $0x4  }
0x3d: {  	vm2 =	vgt.s32 v0, $0x0  }
0x3e: {  	v0 =	vnsel vm2, $0x0, v0  }
0x3f: {  	v0 =	vmin.u32 v0, $0xC34F  }
0x40: {  	v0 =	vshll.u32 v0, $0x4;
	_ =	sdelay $0x3  }
.Ltmp3:
0x41: {  	s19 =	sshra.s32 s18, $0x2;
	s17 =	sadd.s32 $0x800, s17;
	(pc) =	sbr.rel @p1 .LBB2_3-.Ltmp3, $4  }
0x42: {  	[tilespmem:s17], [sflag:$0x1] =	stream.indirect_vreg.gather [hbm:s4], $0x80, v0, vm0, $0x38;
	[tilespmem:$0x19320] =	vst v63  }
0x43: {  	s19 =	sadd.s32 s19, s16;
	s20 =	sadd.s32 $0x400, s17  }
0x44: {  	[tilespmem:s20], [sflag:$0x1] =	stream.indirect_vreg.gather [hbm:s4], $0x80, v0, vm1, $0x38;
	[tilespmem:$0x19320] =	vst v63  }
0x45: {  	s18 =	sadd.s32 $0x40, s18;
	v0 =	vld.msk [tilespmem:s19+$0x0 ss:$0x1], $0xffff  }
0x46: {  	_ =	sdelay $0x3  }
0x47: {  	vm2 =	vgt.s32 v0, $0x0  }
0x48: {  	v0 =	vnsel vm2, $0x0, v0  }
0x49: {  	v0 =	vmin.u32 v0, $0xC34F  }
0x4a: {  	v0 =	vshll.u32 v0, $0x4;
	_ =	sdelay $0x3  }
0x4b: {  	s16 =	sadd.s32 $0x800, s17  }
0x4c: {  	[tilespmem:s16], [sflag:$0x1] =	stream.indirect_vreg.gather [hbm:s4], $0x80, v0, vm0, $0x38;
	[tilespmem:$0x19320] =	vst v63  }
0x4d: {  	s16 =	sadd.s32 $0x400, s16  }
0x4e: {  	[tilespmem:s16], [sflag:$0x1] =	stream.indirect_vreg.gather [hbm:s4], $0x80, v0, vm1, $0x38;
	[tilespmem:$0x19320] =	vst v63  }
0x4f: {  	s13 =	sshll.u32 s13, $0x4;
	_ =	swait.ge [sflag:s6], $0xC800  }
0x50: {  	s13 =	sadd.s32 s13, s9;
	[sflag:s6] =	ssyncset.done $0x0  }
0x51: {  	s17 =	sadd.s32 $0x0, s13;
	s16 =	simm.s32 $0x80;
	[sflag:s6] =	ssyncadd.s32 $0xFFFF3800  }
.LBB2_5:
0x52: {  	[hbm:s17] =	stream.linear.scatter [tilespmem:s14], [sflag:$0x3], $0x400, $0x38;
	[tilespmem:$0x19320] =	vst v63  }
0x53: {  	s17 =	smov.u32 s16;
	s14 =	smov.u32 s15;
	p1 =	sne.s32 s16, $0x1880  }
.Ltmp4:
0x54: {  	s16 =	sadd.s32 $0x80, s16;
	(pc) =	sbr.rel @p1 .LBB2_5-.Ltmp4, $2  }
0x55: {  	_ =	sdelay $0x2  }
0x56: {  	s15 =	sadd.s32 $0x400, s15;
	s17 =	sadd.s32 s17, s13  }
.Ltmp5:
0x57: {  	_ = 	snop;
	(pc) =	sbr.rel .LBB2_6-.Ltmp5, $1  }
0x58: {  	_ =	sdelay $0x3  }
.LBB2_8:
0x59: {  	_ =	sfence.sel $0x180000  }
0x5a: {  	s1 =	simm.s32 $0x2;
	[bflag:$0x0] =	sbarrier.arrive $0xFFFF  }
0x5b: {  	s30 =	simm.s32 $0x3;
	[sflag:s1] =	ssyncpa.u1 $0x1  }
0x5c: {  	s31 =	simm.s32 $0x1;
	[sflag:s30] =	ssyncpa.u1 $0x1  }
0x5d: {  	[sflag:s31] =	ssyncpa.u1 $0x1  }
0x5e: {  	p0 =	sne.s32 s0, $0x0;
	_ =	strace $0x90000050  }
0x5f: {  	s0 =	sadd.s32 @!p0 $0x100000, s2;
	[bflag:$0x2] =	sbarrier.arrive $0xFFFF  }
0x60: {  	[sflag:s0] =	ssyncadd.tile.s32 @!p0 $0x1;
	_ =	shalt  }
.Lfunc_end2:
_tile_overlayer_lowered:
.L_overlay_start_2:
0x61: {  	(tag) =	ssettag $0x2  }
0x62: {  	s0 =	rddreg [dreg:$0x0];
	s2 =	stileid.u32  }
0x63: {  	s1 =	rddreg [dreg:$0x1];
	p0 =	sne.s32 s2, $0x0  }
0x64: {  	s3 =	rddreg [dreg:$0x2];
	[bflag:$0x3] =	sbarrier.arrive $0xFFFF;
	s2 =	simm.s32 @!p0 $0x1C01  }
0x65: {  	[timem:s3], [sflag:s2] =	dma.local @!p0 [hbm:s0], s1  }
0x66: {  	s0 =	simm.s32 @!p0 $0x1  }
0x67: {  	_ =	swait.ge @!p0 [sflag:s0], s1  }
0x68: {  	s1 =	ssub.s32 @!p0 $0x0, s1;
	[sflag:s0] =	ssyncset.done @!p0 $0x0  }
0x69: {  	[sflag:s0] =	ssyncadd.s32 @!p0 s1  }
0x6a: {  	[bflag:$0x3] =	sbarrier.arrive $0xFFFF  }
0x6b: {  	_ =	shalt  }

</sc_bundles>
